<compile_context>
chip_gen: v7x
topology: tpu7x:2x2x1
jax: 0.10.2.dev20260603
libtpu: 0.0.44.dev20260713+nightly
codegen_flags: <defaults>
</compile_context>

<pallas_src>
import functools

import jax
import jax.numpy as jnp
from jax import lax
from jax.experimental import pallas as pl
from jax.experimental.pallas import tpu as pltpu
from jax.experimental.pallas import tpu_sc as plsc

NUM_NODES = 10000
NUM_RELATIONS = 4
E_PER_REL = 80000
D_FEAT = 128
D_EDGE = 16
D_HIDDEN = 128
LN_EPS = 1e-6

NC = 2
NS = 16
CHUNK = 64
N_CHUNKS = E_PER_REL // CHUNK
N_FULL = N_CHUNKS // NS
MAIN_G = N_FULL // 3
N_TAIL = N_CHUNKS - N_FULL * NS
N_PAD = 10112
ROWS_PER_TILE = N_PAD // NS
ZFULL = ROWS_PER_TILE // CHUNK
ZREM = ROWS_PER_TILE - ZFULL * CHUNK
DEG_W = 16


def _fill(ref, val):
    rows, width = ref.shape

    def body(i, carry):
        for j in range(width // 16):
            ref[i, pl.ds(j * 16, 16)] = jnp.full((16,), val, ref.dtype)
        return carry

    lax.fori_loop(0, rows, body, 0)


def _sc_segment_sums(nodes, senders, receivers, edges):
    mesh = plsc.VectorSubcoreMesh(core_axis_name="c", subcore_axis_name="s",
                                  num_cores=NC, num_subcores=NS)

    @functools.partial(
        pl.kernel,
        out_type=(
            jax.ShapeDtypeStruct((NUM_RELATIONS, N_PAD, D_FEAT), jnp.float32),
            jax.ShapeDtypeStruct((NC, N_PAD, D_EDGE), jnp.float32),
            jax.ShapeDtypeStruct((NUM_RELATIONS, N_PAD, DEG_W), jnp.float32),
        ),
        mesh=mesh,
        scratch_types=[
            pltpu.VMEM_SHARED((N_PAD, D_FEAT), jnp.float32),
            pltpu.VMEM_SHARED((N_PAD, D_EDGE), jnp.float32),
            pltpu.VMEM_SHARED((N_PAD, DEG_W), jnp.float32),
            pltpu.VMEM((2, CHUNK), jnp.int32),
            pltpu.VMEM((2, CHUNK), jnp.int32),
            pltpu.VMEM((2, CHUNK), jnp.int32),
            pltpu.VMEM((CHUNK, D_FEAT), jnp.float32),
            pltpu.VMEM((CHUNK, D_FEAT), jnp.float32),
            pltpu.VMEM((CHUNK, D_FEAT), jnp.float32),
            pltpu.VMEM((CHUNK, D_EDGE), jnp.float32),
            pltpu.VMEM((CHUNK, D_EDGE), jnp.float32),
            pltpu.VMEM((CHUNK, D_EDGE), jnp.float32),
            pltpu.VMEM((CHUNK, DEG_W), jnp.float32),
            pltpu.SemaphoreType.DMA,
            pltpu.SemaphoreType.DMA,
            pltpu.SemaphoreType.DMA,
            pltpu.SemaphoreType.DMA,
            pltpu.SemaphoreType.DMA,
            pltpu.SemaphoreType.DMA,
            pltpu.SemaphoreType.DMA,
            pltpu.SemaphoreType.DMA,
            pltpu.SemaphoreType.DMA,
            pltpu.SemaphoreType.DMA,
        ],
        compiler_params=pltpu.CompilerParams(use_tc_tiling_on_sc=False),
    )
    def sc_kernel(nodes_hbm, sr_hbm, edges_hbm,
                  acc_out, eacc_out, deg_out,
                  acc_sh, eacc_sh, deg_sh, idx0, idx1, idx2,
                  rows0, rows1, rows2, er0, er1, er2, ones_v,
                  semi0, semi1, semi2, semg0, semg1, semg2,
                  seme0, seme1, seme2, sem_s):
        cid = lax.axis_index("c")
        sid = lax.axis_index("s")
        stripe = pl.ds(pl.multiple_of(sid * ROWS_PER_TILE, 8), ROWS_PER_TILE)
        idxs = (idx0, idx1, idx2)
        rows = (rows0, rows1, rows2)
        ers = (er0, er1, er2)
        semi = (semi0, semi1, semi2)
        semg = (semg0, semg1, semg2)
        seme = (seme0, seme1, seme2)
        _fill(ones_v, 1.0)

        for phase in range(2):
            r = cid + 2 * phase
            use_edges = phase == 0

            def valid(i):
                return jnp.logical_or(
                    i < N_FULL,
                    jnp.logical_and(i == N_FULL, sid < N_TAIL))

            def start_iload(i, b):
                k = i * NS + sid
                pltpu.async_copy(sr_hbm.at[r].at[k], idxs[b], semi[b])

            def start_eload(i, b):
                k = i * NS + sid
                base = pl.ds(pl.multiple_of(k * CHUNK, CHUNK), CHUNK)
                pltpu.async_copy(edges_hbm.at[r].at[base], ers[b], seme[b])

            def issue_gather(i, b):
                k = i * NS + sid
                pltpu.make_async_copy(sr_hbm.at[r].at[k], idxs[b],
                                      semi[b]).wait()
                pltpu.async_copy(nodes_hbm.at[idxs[b].at[0]], rows[b],
                                 semg[b])

            def consume(i, b):
                k = i * NS + sid
                pltpu.make_async_copy(nodes_hbm.at[idxs[b].at[0]], rows[b],
                                      semg[b]).wait()
                pltpu.async_copy(rows[b], acc_sh.at[idxs[b].at[1]], sem_s,
                                 add=True)
                pltpu.async_copy(ones_v, deg_sh.at[idxs[b].at[1]], sem_s,
                                 add=True)
                if use_edges:
                    base = pl.ds(pl.multiple_of(k * CHUNK, CHUNK), CHUNK)
                    pltpu.make_async_copy(edges_hbm.at[r].at[base], ers[b],
                                          seme[b]).wait()
                    pltpu.async_copy(ers[b], eacc_sh.at[idxs[b].at[1]],
                                     sem_s, add=True)
                    pltpu.make_async_copy(ers[b], eacc_sh.at[idxs[b].at[1]],
                                          sem_s).wait()
                pltpu.make_async_copy(rows[b], acc_sh.at[idxs[b].at[1]],
                                      sem_s).wait()
                pltpu.make_async_copy(ones_v, deg_sh.at[idxs[b].at[1]],
                                      sem_s).wait()

            _fill(rows0, 0.0)
            _fill(er0, 0.0)

            def zero_body(z, carry):
                dst = pl.ds(
                    pl.multiple_of(sid * ROWS_PER_TILE + z * CHUNK, 8), CHUNK)
                pltpu.sync_copy(rows0, acc_sh.at[dst])
                pltpu.sync_copy(er0, deg_sh.at[dst])
                if use_edges:
                    pltpu.sync_copy(er0, eacc_sh.at[dst])
                return carry

            lax.fori_loop(0, ZFULL, zero_body, 0)
            zdst = pl.ds(
                pl.multiple_of(sid * ROWS_PER_TILE + ZFULL * CHUNK, 8), ZREM)
            pltpu.sync_copy(rows0.at[pl.ds(0, ZREM)], acc_sh.at[zdst])
            pltpu.sync_copy(er0.at[pl.ds(0, ZREM)], deg_sh.at[zdst])
            if use_edges:
                pltpu.sync_copy(er0.at[pl.ds(0, ZREM)], eacc_sh.at[zdst])

            start_iload(0, 0)
            start_iload(1, 1)
            start_iload(2, 2)
            if use_edges:
                start_eload(0, 0)
            issue_gather(0, 0)
            issue_gather(1, 1)
            plsc.subcore_barrier()

            def body(g, carry):
                for j in range(3):
                    i = 3 * g + j

                    @pl.when(valid(i + 2))
                    def _():
                        issue_gather(i + 2, (j + 2) % 3)

                    if use_edges:
                        @pl.when(valid(i + 1))
                        def _():
                            start_eload(i + 1, (j + 1) % 3)

                    consume(i, j)

                    @pl.when(valid(i + 3))
                    def _():
                        start_iload(i + 3, j)
                return carry

            lax.fori_loop(0, MAIN_G, body, 0)

            @pl.when(sid < N_TAIL)
            def _():
                consume(N_FULL, N_FULL % 3)

            plsc.subcore_barrier()
            pltpu.sync_copy(acc_sh.at[stripe], acc_out.at[r].at[stripe])
            pltpu.sync_copy(deg_sh.at[stripe], deg_out.at[r].at[stripe])
            if use_edges:
                pltpu.sync_copy(eacc_sh.at[stripe], eacc_out.at[cid].at[stripe])

    sr = jnp.stack([senders.reshape(NUM_RELATIONS, N_CHUNKS, CHUNK),
                    receivers.reshape(NUM_RELATIONS, N_CHUNKS, CHUNK)],
                   axis=2)
    return sc_kernel(nodes, sr, edges)


BR = 1000


def _tc_dense(nodes, acc, eacc, deg, W_node, W_rel0, W_rel1, W_rel2, W_rel3,
              ln_scale, ln_bias):

    def body(nodes_ref, acc_ref, eacc_ref, deg_ref, wn_ref, w0_ref, w1_ref,
             w2_ref, w3_ref, g_ref, b_ref, o_ref):
        x = jnp.dot(nodes_ref[...], wn_ref[...],
                    preferred_element_type=jnp.float32)
        w_refs = (w0_ref, w1_ref, w2_ref, w3_ref)
        for r in range(NUM_RELATIONS):
            m = jnp.dot(acc_ref[r], w_refs[r][0:D_FEAT, :],
                        preferred_element_type=jnp.float32)
            if r < 2:
                m = m + jnp.dot(eacc_ref[r], w_refs[r][D_FEAT:D_FEAT + D_EDGE, :],
                                preferred_element_type=jnp.float32)
            d = deg_ref[r, :, 0:1]
            x = x + m * lax.reciprocal(jnp.maximum(d, 1.0))
        mean = jnp.mean(x, axis=-1, keepdims=True)
        var = jnp.mean(jnp.square(x - mean), axis=-1, keepdims=True)
        x = (x - mean) * lax.rsqrt(var + LN_EPS) * g_ref[...] + b_ref[...]
        o_ref[...] = jnp.maximum(x, 0.0)

    grid = (NUM_NODES // BR,)
    return pl.pallas_call(
        body,
        grid=grid,
        in_specs=[
            pl.BlockSpec((BR, D_FEAT), lambda i: (i, 0)),
            pl.BlockSpec((NUM_RELATIONS, BR, D_FEAT), lambda i: (0, i, 0)),
            pl.BlockSpec((NC, BR, D_EDGE), lambda i: (0, i, 0)),
            pl.BlockSpec((NUM_RELATIONS, BR, DEG_W), lambda i: (0, i, 0)),
            pl.BlockSpec((D_FEAT, D_HIDDEN), lambda i: (0, 0)),
            pl.BlockSpec((D_FEAT + D_EDGE, D_HIDDEN), lambda i: (0, 0)),
            pl.BlockSpec((D_FEAT + D_EDGE, D_HIDDEN), lambda i: (0, 0)),
            pl.BlockSpec((D_FEAT, D_HIDDEN), lambda i: (0, 0)),
            pl.BlockSpec((D_FEAT, D_HIDDEN), lambda i: (0, 0)),
            pl.BlockSpec((1, D_HIDDEN), lambda i: (0, 0)),
            pl.BlockSpec((1, D_HIDDEN), lambda i: (0, 0)),
        ],
        out_specs=pl.BlockSpec((BR, D_HIDDEN), lambda i: (i, 0)),
        out_shape=jax.ShapeDtypeStruct((NUM_NODES, D_HIDDEN), jnp.float32),
    )(nodes, acc, eacc, deg, W_node, W_rel0, W_rel1, W_rel2, W_rel3,
      ln_scale.reshape(1, D_HIDDEN), ln_bias.reshape(1, D_HIDDEN))


def kernel(nodes, edges, senders, receivers, W_node, W_rel0, W_rel1, W_rel2,
           W_rel3, ln_scale, ln_bias):
    acc, eacc, deg = _sc_segment_sums(nodes, senders, receivers, edges)
    return _tc_dense(nodes, acc, eacc, deg, W_node, W_rel0, W_rel1, W_rel2,
                     W_rel3, ln_scale, ln_bias)

# --- scband reference (transcript-rebuilt; emitter-appended) ---
"""Pipeline reference for scband-rgcnlayer-31001073943194 (READ-ONLY COPY).

The authoritative reference and input builder live on the scoring server;
editing this copy changes nothing except your own understanding.
"""

import jax, jax.numpy as jnp
import numpy as np

NUM_NODES = 10000
NUM_RELATIONS = 4
E_PER_REL = 80000
D_FEAT = 128
D_EDGE = 16
D_HIDDEN = 128
USE_EDGE_FEATS = [True, True, False, False]
LN_EPS = 1e-6


def _he_normal(key, shape):
    fan_in = shape[0]
    return jax.random.normal(key, shape, dtype=jnp.float32) * jnp.sqrt(2.0 / fan_in)


def setup_inputs(seed: int = 0) -> dict:
    key = jax.random.key(seed)
    ks = jax.random.split(key, 12)
    nodes = jax.random.normal(ks[0], (NUM_NODES, D_FEAT), dtype=jnp.float32)
    edges = jax.random.normal(ks[1], (NUM_RELATIONS, E_PER_REL, D_EDGE), dtype=jnp.float32)
    senders = jax.random.randint(ks[2], (NUM_RELATIONS, E_PER_REL), 0, NUM_NODES, dtype=jnp.int32)
    receivers = jax.random.randint(ks[3], (NUM_RELATIONS, E_PER_REL), 0, NUM_NODES, dtype=jnp.int32)
    W_node = _he_normal(ks[4], (D_FEAT, D_HIDDEN))
    W_rel0 = _he_normal(ks[5], (D_FEAT + D_EDGE, D_HIDDEN))
    W_rel1 = _he_normal(ks[6], (D_FEAT + D_EDGE, D_HIDDEN))
    W_rel2 = _he_normal(ks[7], (D_FEAT, D_HIDDEN))
    W_rel3 = _he_normal(ks[8], (D_FEAT, D_HIDDEN))
    ln_scale = jnp.ones((D_HIDDEN,), dtype=jnp.float32)
    ln_bias = jnp.zeros((D_HIDDEN,), dtype=jnp.float32)
    return {"nodes": nodes, "edges": edges, "senders": senders, "receivers": receivers,
            "W_node": W_node, "W_rel0": W_rel0, "W_rel1": W_rel1, "W_rel2": W_rel2, "W_rel3": W_rel3,
            "ln_scale": ln_scale, "ln_bias": ln_bias}


def reference(nodes, edges, senders, receivers, W_node, W_rel0, W_rel1, W_rel2, W_rel3, ln_scale, ln_bias):
    W_rels = [W_rel0, W_rel1, W_rel2, W_rel3]
    node_feats = jnp.zeros((), dtype=jnp.float32)
    for r_id in range(NUM_RELATIONS):
        s = senders[r_id]
        rcv = receivers[r_id]
        r_feats = nodes[s]
        if USE_EDGE_FEATS[r_id]:
            r_feats = jnp.concatenate((r_feats, edges[r_id]), axis=1)
        r_feats = r_feats @ W_rels[r_id]
        r_feats = jax.ops.segment_sum(r_feats, rcv, NUM_NODES)
        receiver_degree = jax.ops.segment_sum(jnp.ones_like(s), rcv, NUM_NODES)
        r_feats = r_feats * jax.lax.reciprocal(jnp.maximum(receiver_degree, 1.0))[:, None]
        node_feats = node_feats + r_feats
    # use_node_proj
    node_feats = nodes @ W_node + node_feats
    # use_layer_norm (flax LayerNorm, eps=1e-6)
    mean = jnp.mean(node_feats, axis=-1, keepdims=True)
    var = jnp.mean(jnp.square(node_feats - mean), axis=-1, keepdims=True)
    node_feats = (node_feats - mean) * jax.lax.rsqrt(var + LN_EPS) * ln_scale + ln_bias
    return jax.nn.relu(node_feats)

if __name__ == "__main__":
    import jax
    _d = setup_inputs()
    print(jax.jit(kernel)(*tuple(_d.values())))

</pallas_src>

<mosaic_0001>
#map = affine_map<(d0, d1) -> (0, 0)>
#map1 = affine_map<(d0, d1) -> (0, 0, 0, 0)>
#map2 = affine_map<(d0, d1) -> (0, 0, 0)>
module attributes {stable_mosaic.version = 14 : i64} {
  func.func @sc_kernel(%arg0: i32, %arg1: i32, %arg2: memref<10000x128xf32, #tpu.memory_space<hbm>>, %arg3: memref<4x1250x2x64xi32, #tpu.memory_space<hbm>>, %arg4: memref<4x80000x16xf32, #tpu.memory_space<hbm>>, %arg5: memref<4x10112x128xf32, #tpu.memory_space<hbm>>, %arg6: memref<2x10112x16xf32, #tpu.memory_space<hbm>>, %arg7: memref<4x10112x16xf32, #tpu.memory_space<hbm>>, %arg8: memref<10112x128xf32, #tpu.memory_space<vmem_shared>>, %arg9: memref<10112x16xf32, #tpu.memory_space<vmem_shared>>, %arg10: memref<10112x16xf32, #tpu.memory_space<vmem_shared>>, %arg11: memref<2x64xi32, #tpu.memory_space<vmem>>, %arg12: memref<2x64xi32, #tpu.memory_space<vmem>>, %arg13: memref<2x64xi32, #tpu.memory_space<vmem>>, %arg14: memref<64x128xf32, #tpu.memory_space<vmem>>, %arg15: memref<64x128xf32, #tpu.memory_space<vmem>>, %arg16: memref<64x128xf32, #tpu.memory_space<vmem>>, %arg17: memref<64x16xf32, #tpu.memory_space<vmem>>, %arg18: memref<64x16xf32, #tpu.memory_space<vmem>>, %arg19: memref<64x16xf32, #tpu.memory_space<vmem>>, %arg20: memref<64x16xf32, #tpu.memory_space<vmem>>, %arg21: memref<!tpu.dma_semaphore, #tpu.memory_space<semaphore_mem>>, %arg22: memref<!tpu.dma_semaphore, #tpu.memory_space<semaphore_mem>>, %arg23: memref<!tpu.dma_semaphore, #tpu.memory_space<semaphore_mem>>, %arg24: memref<!tpu.dma_semaphore, #tpu.memory_space<semaphore_mem>>, %arg25: memref<!tpu.dma_semaphore, #tpu.memory_space<semaphore_mem>>, %arg26: memref<!tpu.dma_semaphore, #tpu.memory_space<semaphore_mem>>, %arg27: memref<!tpu.dma_semaphore, #tpu.memory_space<semaphore_mem>>, %arg28: memref<!tpu.dma_semaphore, #tpu.memory_space<semaphore_mem>>, %arg29: memref<!tpu.dma_semaphore, #tpu.memory_space<semaphore_mem>>, %arg30: memref<!tpu.dma_semaphore, #tpu.memory_space<semaphore_mem>>) attributes {dimension_semantics = [#tpu.dimension_semantics<core_parallel>, #tpu.dimension_semantics<subcore_parallel>], iteration_bounds = array<i64: 2, 16>, scalar_prefetch = 0 : i64, scratch_operands = 23 : i64, tpu.core_type = #tpu.core_type<sc_vector_subcore>, window_params = [{transform_indices = #map}, {transform_indices = #map1}, {transform_indices = #map2}, {transform_indices = #map2}, {transform_indices = #map2}, {transform_indices = #map2}]} {
    %mul3A = arith.constant 632 : i32
    %mul3A_0 = arith.muli %arg1, %mul3A : i32
    %multiple_of3A = tpu.assume_multiple %mul3A_0, 8 : i32
    %scan3A = arith.constant 0 : i32
    %scan3A_1 = arith.constant 0 : i32
    %scan3A_2 = arith.constant 64 : i32
    %scan3A_3 = arith.addi %scan3A_1, %scan3A_2 : i32
    %scan3A_4 = arith.constant 1 : i32
    scf.for %scan3A_320 = %scan3A_1 to %scan3A_3 step %scan3A_4  : i32 {
      %broadcast_in_dim3A = arith.constant 1.000000e+00 : f32
      %broadcast_in_dim3A_321 = vector.broadcast %broadcast_in_dim3A : f32 to vector<16xf32>
      %swap3A = arith.index_cast %scan3A_320 : i32 to index
      %swap3A_322 = arith.constant 0 : index
      %swap3A_323 = tpu.vector_load %arg20[%swap3A, %swap3A_322] {strides = array<i32>} : memref<64x16xf32, #tpu.memory_space<vmem>>, vector<1x16xf32>,
      %swap3A_324 = vector.shape_cast %swap3A_323 : vector<1x16xf32> to vector<16xf32>
      %swap3A_325 = vector.shape_cast %broadcast_in_dim3A_321 : vector<16xf32> to vector<1x16xf32>
      tpu.vector_store %arg20[%swap3A, %swap3A_322], %swap3A_325 {strides = array<i32>} : memref<64x16xf32, #tpu.memory_space<vmem>>, vector<1x16xf32>,
    }
    %scan3A_5 = arith.constant 64 : i32
    %add3A = arith.constant 0 : i32
    %add3A_6 = arith.addi %arg0, %add3A : i32
    %scan3A_7 = arith.constant 0 : i32
    %scan3A_8 = arith.constant 0 : i32
    %scan3A_9 = arith.constant 64 : i32
    %scan3A_10 = arith.addi %scan3A_8, %scan3A_9 : i32
    %scan3A_11 = arith.constant 1 : i32
    scf.for %scan3A_320 = %scan3A_8 to %scan3A_10 step %scan3A_11  : i32 {
      %broadcast_in_dim3A = arith.constant 0.000000e+00 : f32
      %broadcast_in_dim3A_321 = vector.broadcast %broadcast_in_dim3A : f32 to vector<16xf32>
      %swap3A = arith.index_cast %scan3A_320 : i32 to index
      %swap3A_322 = arith.constant 0 : index
      %swap3A_323 = tpu.vector_load %arg14[%swap3A, %swap3A_322] {strides = array<i32>} : memref<64x128xf32, #tpu.memory_space<vmem>>, vector<1x16xf32>,
      %swap3A_324 = vector.shape_cast %swap3A_323 : vector<1x16xf32> to vector<16xf32>
      %swap3A_325 = vector.shape_cast %broadcast_in_dim3A_321 : vector<16xf32> to vector<1x16xf32>
      tpu.vector_store %arg14[%swap3A, %swap3A_322], %swap3A_325 {strides = array<i32>} : memref<64x128xf32, #tpu.memory_space<vmem>>, vector<1x16xf32>,
      %broadcast_in_dim3A_326 = arith.constant 0.000000e+00 : f32
      %broadcast_in_dim3A_327 = vector.broadcast %broadcast_in_dim3A_326 : f32 to vector<16xf32>
      %swap3A_328 = arith.index_cast %scan3A_320 : i32 to index
      %swap3A_329 = arith.constant 16 : index
      %swap3A_330 = tpu.vector_load %arg14[%swap3A_328, %swap3A_329] {strides = array<i32>} : memref<64x128xf32, #tpu.memory_space<vmem>>, vector<1x16xf32>,
      %swap3A_331 = vector.shape_cast %swap3A_330 : vector<1x16xf32> to vector<16xf32>
      %swap3A_332 = vector.shape_cast %broadcast_in_dim3A_327 : vector<16xf32> to vector<1x16xf32>
      tpu.vector_store %arg14[%swap3A_328, %swap3A_329], %swap3A_332 {strides = array<i32>} : memref<64x128xf32, #tpu.memory_space<vmem>>, vector<1x16xf32>,
      %broadcast_in_dim3A_333 = arith.constant 0.000000e+00 : f32
      %broadcast_in_dim3A_334 = vector.broadcast %broadcast_in_dim3A_333 : f32 to vector<16xf32>
      %swap3A_335 = arith.index_cast %scan3A_320 : i32 to index
      %swap3A_336 = arith.constant 32 : index
      %swap3A_337 = tpu.vector_load %arg14[%swap3A_335, %swap3A_336] {strides = array<i32>} : memref<64x128xf32, #tpu.memory_space<vmem>>, vector<1x16xf32>,
      %swap3A_338 = vector.shape_cast %swap3A_337 : vector<1x16xf32> to vector<16xf32>
      %swap3A_339 = vector.shape_cast %broadcast_in_dim3A_334 : vector<16xf32> to vector<1x16xf32>
      tpu.vector_store %arg14[%swap3A_335, %swap3A_336], %swap3A_339 {strides = array<i32>} : memref<64x128xf32, #tpu.memory_space<vmem>>, vector<1x16xf32>,
      %broadcast_in_dim3A_340 = arith.constant 0.000000e+00 : f32
      %broadcast_in_dim3A_341 = vector.broadcast %broadcast_in_dim3A_340 : f32 to vector<16xf32>
      %swap3A_342 = arith.index_cast %scan3A_320 : i32 to index
      %swap3A_343 = arith.constant 48 : index
      %swap3A_344 = tpu.vector_load %arg14[%swap3A_342, %swap3A_343] {strides = array<i32>} : memref<64x128xf32, #tpu.memory_space<vmem>>, vector<1x16xf32>,
      %swap3A_345 = vector.shape_cast %swap3A_344 : vector<1x16xf32> to vector<16xf32>
      %swap3A_346 = vector.shape_cast %broadcast_in_dim3A_341 : vector<16xf32> to vector<1x16xf32>
      tpu.vector_store %arg14[%swap3A_342, %swap3A_343], %swap3A_346 {strides = array<i32>} : memref<64x128xf32, #tpu.memory_space<vmem>>, vector<1x16xf32>,
      %broadcast_in_dim3A_347 = arith.constant 0.000000e+00 : f32
      %broadcast_in_dim3A_348 = vector.broadcast %broadcast_in_dim3A_347 : f32 to vector<16xf32>
      %swap3A_349 = arith.index_cast %scan3A_320 : i32 to index
      %swap3A_350 = arith.constant 64 : index
      %swap3A_351 = tpu.vector_load %arg14[%swap3A_349, %swap3A_350] {strides = array<i32>} : memref<64x128xf32, #tpu.memory_space<vmem>>, vector<1x16xf32>,
      %swap3A_352 = vector.shape_cast %swap3A_351 : vector<1x16xf32> to vector<16xf32>
      %swap3A_353 = vector.shape_cast %broadcast_in_dim3A_348 : vector<16xf32> to vector<1x16xf32>
      tpu.vector_store %arg14[%swap3A_349, %swap3A_350], %swap3A_353 {strides = array<i32>} : memref<64x128xf32, #tpu.memory_space<vmem>>, vector<1x16xf32>,
      %broadcast_in_dim3A_354 = arith.constant 0.000000e+00 : f32
      %broadcast_in_dim3A_355 = vector.broadcast %broadcast_in_dim3A_354 : f32 to vector<16xf32>
      %swap3A_356 = arith.index_cast %scan3A_320 : i32 to index
      %swap3A_357 = arith.constant 80 : index
      %swap3A_358 = tpu.vector_load %arg14[%swap3A_356, %swap3A_357] {strides = array<i32>} : memref<64x128xf32, #tpu.memory_space<vmem>>, vector<1x16xf32>,
      %swap3A_359 = vector.shape_cast %swap3A_358 : vector<1x16xf32> to vector<16xf32>
      %swap3A_360 = vector.shape_cast %broadcast_in_dim3A_355 : vector<16xf32> to vector<1x16xf32>
      tpu.vector_store %arg14[%swap3A_356, %swap3A_357], %swap3A_360 {strides = array<i32>} : memref<64x128xf32, #tpu.memory_space<vmem>>, vector<1x16xf32>,
      %broadcast_in_dim3A_361 = arith.constant 0.000000e+00 : f32
      %broadcast_in_dim3A_362 = vector.broadcast %broadcast_in_dim3A_361 : f32 to vector<16xf32>
      %swap3A_363 = arith.index_cast %scan3A_320 : i32 to index
      %swap3A_364 = arith.constant 96 : index
      %swap3A_365 = tpu.vector_load %arg14[%swap3A_363, %swap3A_364] {strides = array<i32>} : memref<64x128xf32, #tpu.memory_space<vmem>>, vector<1x16xf32>,
      %swap3A_366 = vector.shape_cast %swap3A_365 : vector<1x16xf32> to vector<16xf32>
      %swap3A_367 = vector.shape_cast %broadcast_in_dim3A_362 : vector<16xf32> to vector<1x16xf32>
      tpu.vector_store %arg14[%swap3A_363, %swap3A_364], %swap3A_367 {strides = array<i32>} : memref<64x128xf32, #tpu.memory_space<vmem>>, vector<1x16xf32>,
      %broadcast_in_dim3A_368 = arith.constant 0.000000e+00 : f32
      %broadcast_in_dim3A_369 = vector.broadcast %broadcast_in_dim3A_368 : f32 to vector<16xf32>
      %swap3A_370 = arith.index_cast %scan3A_320 : i32 to index
      %swap3A_371 = arith.constant 112 : index
      %swap3A_372 = tpu.vector_load %arg14[%swap3A_370, %swap3A_371] {strides = array<i32>} : memref<64x128xf32, #tpu.memory_space<vmem>>, vector<1x16xf32>,
      %swap3A_373 = vector.shape_cast %swap3A_372 : vector<1x16xf32> to vector<16xf32>
      %swap3A_374 = vector.shape_cast %broadcast_in_dim3A_369 : vector<16xf32> to vector<1x16xf32>
      tpu.vector_store %arg14[%swap3A_370, %swap3A_371], %swap3A_374 {strides = array<i32>} : memref<64x128xf32, #tpu.memory_space<vmem>>, vector<1x16xf32>,
    }
    %scan3A_12 = arith.constant 64 : i32
    %scan3A_13 = arith.constant 0 : i32
    %scan3A_14 = arith.constant 0 : i32
    %scan3A_15 = arith.constant 64 : i32
    %scan3A_16 = arith.addi %scan3A_14, %scan3A_15 : i32
    %scan3A_17 = arith.constant 1 : i32
    scf.for %scan3A_320 = %scan3A_14 to %scan3A_16 step %scan3A_17  : i32 {
      %broadcast_in_dim3A = arith.constant 0.000000e+00 : f32
      %broadcast_in_dim3A_321 = vector.broadcast %broadcast_in_dim3A : f32 to vector<16xf32>
      %swap3A = arith.index_cast %scan3A_320 : i32 to index
      %swap3A_322 = arith.constant 0 : index
      %swap3A_323 = tpu.vector_load %arg17[%swap3A, %swap3A_322] {strides = array<i32>} : memref<64x16xf32, #tpu.memory_space<vmem>>, vector<1x16xf32>,
      %swap3A_324 = vector.shape_cast %swap3A_323 : vector<1x16xf32> to vector<16xf32>
      %swap3A_325 = vector.shape_cast %broadcast_in_dim3A_321 : vector<16xf32> to vector<1x16xf32>
      tpu.vector_store %arg17[%swap3A, %swap3A_322], %swap3A_325 {strides = array<i32>} : memref<64x16xf32, #tpu.memory_space<vmem>>, vector<1x16xf32>,
    }
    %scan3A_18 = arith.constant 64 : i32
    %scan3A_19 = arith.constant 0 : i32
    %scan3A_20 = arith.constant 0 : i32
    %scan3A_21 = arith.constant 9 : i32
    %scan3A_22 = arith.addi %scan3A_20, %scan3A_21 : i32
    %scan3A_23 = arith.constant 1 : i32
    scf.for %scan3A_320 = %scan3A_20 to %scan3A_22 step %scan3A_23  : i32 {
      %mul3A_321 = arith.constant 632 : i32
      %mul3A_322 = arith.muli %arg1, %mul3A_321 : i32
      %mul3A_323 = arith.constant 64 : i32
      %mul3A_324 = arith.muli %scan3A_320, %mul3A_323 : i32
      %add3A_325 = arith.addi %mul3A_322, %mul3A_324 : i32
      %multiple_of3A_326 = tpu.assume_multiple %add3A_325, 8 : i32
      "tpu.region"() ({
        %run_scoped3A = tpu.sem_alloc : memref<!tpu.dma_semaphore, #tpu.memory_space<semaphore_mem>>
        %dma_start3A_327 = arith.constant 0 : i32
        %dma_start3A_328 = tpu.memref_slice %arg8[%multiple_of3A_326, %dma_start3A_327] : memref<10112x128xf32, #tpu.memory_space<vmem_shared>> -> memref<64x128xf32, #tpu.memory_space<vmem_shared>>
        %dma_start3A_329 = arith.constant 0 : i32
        %dma_start3A_330 = tpu.memref_slice %arg8[%multiple_of3A_326, %dma_start3A_329] : memref<10112x128xf32, #tpu.memory_space<vmem_shared>> -> memref<64x128xf32, #tpu.memory_space<vmem_shared>>
        tpu.enqueue_dma source(%arg14 : memref<64x128xf32, #tpu.memory_space<vmem>>) target(%dma_start3A_330 : memref<64x128xf32, #tpu.memory_space<vmem_shared>>) target_semaphore(%run_scoped3A : memref<!tpu.dma_semaphore, #tpu.memory_space<semaphore_mem>>)
        %dma_wait3A_331 = arith.constant 0 : i32
        %dma_wait3A_332 = tpu.memref_slice %arg8[%multiple_of3A_326, %dma_wait3A_331] : memref<10112x128xf32, #tpu.memory_space<vmem_shared>> -> memref<64x128xf32, #tpu.memory_space<vmem_shared>>
        %dma_wait3A_333 = arith.constant 0 : i32
        %dma_wait3A_334 = tpu.memref_slice %arg8[%multiple_of3A_326, %dma_wait3A_333] : memref<10112x128xf32, #tpu.memory_space<vmem_shared>> -> memref<64x128xf32, #tpu.memory_space<vmem_shared>>
        tpu.wait_dma2 semaphore(%run_scoped3A : memref<!tpu.dma_semaphore, #tpu.memory_space<semaphore_mem>>) src(%arg14 : memref<64x128xf32, #tpu.memory_space<vmem>>) dst(%dma_wait3A_334 : memref<64x128xf32, #tpu.memory_space<vmem_shared>>)
        tpu.yield
      }) : () -> ()
      "tpu.region"() ({
        %run_scoped3A = tpu.sem_alloc : memref<!tpu.dma_semaphore, #tpu.memory_space<semaphore_mem>>
        %dma_start3A_327 = arith.constant 0 : i32
        %dma_start3A_328 = tpu.memref_slice %arg10[%multiple_of3A_326, %dma_start3A_327] : memref<10112x16xf32, #tpu.memory_space<vmem_shared>> -> memref<64x16xf32, #tpu.memory_space<vmem_shared>>
        %dma_start3A_329 = arith.constant 0 : i32
        %dma_start3A_330 = tpu.memref_slice %arg10[%multiple_of3A_326, %dma_start3A_329] : memref<10112x16xf32, #tpu.memory_space<vmem_shared>> -> memref<64x16xf32, #tpu.memory_space<vmem_shared>>
        tpu.enqueue_dma source(%arg17 : memref<64x16xf32, #tpu.memory_space<vmem>>) target(%dma_start3A_330 : memref<64x16xf32, #tpu.memory_space<vmem_shared>>) target_semaphore(%run_scoped3A : memref<!tpu.dma_semaphore, #tpu.memory_space<semaphore_mem>>)
        %dma_wait3A_331 = arith.constant 0 : i32
        %dma_wait3A_332 = tpu.memref_slice %arg10[%multiple_of3A_326, %dma_wait3A_331] : memref<10112x16xf32, #tpu.memory_space<vmem_shared>> -> memref<64x16xf32, #tpu.memory_space<vmem_shared>>
        %dma_wait3A_333 = arith.constant 0 : i32
        %dma_wait3A_334 = tpu.memref_slice %arg10[%multiple_of3A_326, %dma_wait3A_333] : memref<10112x16xf32, #tpu.memory_space<vmem_shared>> -> memref<64x16xf32, #tpu.memory_space<vmem_shared>>
        tpu.wait_dma2 semaphore(%run_scoped3A : memref<!tpu.dma_semaphore, #tpu.memory_space<semaphore_mem>>) src(%arg17 : memref<64x16xf32, #tpu.memory_space<vmem>>) dst(%dma_wait3A_334 : memref<64x16xf32, #tpu.memory_space<vmem_shared>>)
        tpu.yield
      }) : () -> ()
      "tpu.region"() ({
        %run_scoped3A = tpu.sem_alloc : memref<!tpu.dma_semaphore, #tpu.memory_space<semaphore_mem>>
        %dma_start3A_327 = arith.constant 0 : i32
        %dma_start3A_328 = tpu.memref_slice %arg9[%multiple_of3A_326, %dma_start3A_327] : memref<10112x16xf32, #tpu.memory_space<vmem_shared>> -> memref<64x16xf32, #tpu.memory_space<vmem_shared>>
        %dma_start3A_329 = arith.constant 0 : i32
        %dma_start3A_330 = tpu.memref_slice %arg9[%multiple_of3A_326, %dma_start3A_329] : memref<10112x16xf32, #tpu.memory_space<vmem_shared>> -> memref<64x16xf32, #tpu.memory_space<vmem_shared>>
        tpu.enqueue_dma source(%arg17 : memref<64x16xf32, #tpu.memory_space<vmem>>) target(%dma_start3A_330 : memref<64x16xf32, #tpu.memory_space<vmem_shared>>) target_semaphore(%run_scoped3A : memref<!tpu.dma_semaphore, #tpu.memory_space<semaphore_mem>>)
        %dma_wait3A_331 = arith.constant 0 : i32
        %dma_wait3A_332 = tpu.memref_slice %arg9[%multiple_of3A_326, %dma_wait3A_331] : memref<10112x16xf32, #tpu.memory_space<vmem_shared>> -> memref<64x16xf32, #tpu.memory_space<vmem_shared>>
        %dma_wait3A_333 = arith.constant 0 : i32
        %dma_wait3A_334 = tpu.memref_slice %arg9[%multiple_of3A_326, %dma_wait3A_333] : memref<10112x16xf32, #tpu.memory_space<vmem_shared>> -> memref<64x16xf32, #tpu.memory_space<vmem_shared>>
        tpu.wait_dma2 semaphore(%run_scoped3A : memref<!tpu.dma_semaphore, #tpu.memory_space<semaphore_mem>>) src(%arg17 : memref<64x16xf32, #tpu.memory_space<vmem>>) dst(%dma_wait3A_334 : memref<64x16xf32, #tpu.memory_space<vmem_shared>>)
        tpu.yield
      }) : () -> ()
    }
    %scan3A_24 = arith.constant 9 : i32
    %mul3A_25 = arith.constant 632 : i32
    %mul3A_26 = arith.muli %arg1, %mul3A_25 : i32
    %add3A_27 = arith.constant 576 : i32
    %add3A_28 = arith.addi %mul3A_26, %add3A_27 : i32
    %multiple_of3A_29 = tpu.assume_multiple %add3A_28, 8 : i32
    "tpu.region"() ({
      %run_scoped3A = tpu.sem_alloc : memref<!tpu.dma_semaphore, #tpu.memory_space<semaphore_mem>>
      %dma_start3A_320 = arith.constant 0 : i32
      %dma_start3A_321 = arith.constant 0 : i32
      %dma_start3A_322 = tpu.memref_slice %arg14[%dma_start3A_320, %dma_start3A_321] : memref<64x128xf32, #tpu.memory_space<vmem>> -> memref<56x128xf32, #tpu.memory_space<vmem>>
      %dma_start3A_323 = arith.constant 0 : i32
      %dma_start3A_324 = tpu.memref_slice %arg8[%multiple_of3A_29, %dma_start3A_323] : memref<10112x128xf32, #tpu.memory_space<vmem_shared>> -> memref<56x128xf32, #tpu.memory_space<vmem_shared>>
      %dma_start3A_325 = arith.constant 0 : i32
      %dma_start3A_326 = tpu.memref_slice %arg8[%multiple_of3A_29, %dma_start3A_325] : memref<10112x128xf32, #tpu.memory_space<vmem_shared>> -> memref<56x128xf32, #tpu.memory_space<vmem_shared>>
      %dma_start3A_327 = arith.constant 0 : i32
      %dma_start3A_328 = arith.constant 0 : i32
      %dma_start3A_329 = tpu.memref_slice %arg14[%dma_start3A_327, %dma_start3A_328] : memref<64x128xf32, #tpu.memory_space<vmem>> -> memref<56x128xf32, #tpu.memory_space<vmem>>
      tpu.enqueue_dma source(%dma_start3A_329 : memref<56x128xf32, #tpu.memory_space<vmem>>) target(%dma_start3A_326 : memref<56x128xf32, #tpu.memory_space<vmem_shared>>) target_semaphore(%run_scoped3A : memref<!tpu.dma_semaphore, #tpu.memory_space<semaphore_mem>>)
      %dma_wait3A_330 = arith.constant 0 : i32
      %dma_wait3A_331 = arith.constant 0 : i32
      %dma_wait3A_332 = tpu.memref_slice %arg14[%dma_wait3A_330, %dma_wait3A_331] : memref<64x128xf32, #tpu.memory_space<vmem>> -> memref<56x128xf32, #tpu.memory_space<vmem>>
      %dma_wait3A_333 = arith.constant 0 : i32
      %dma_wait3A_334 = tpu.memref_slice %arg8[%multiple_of3A_29, %dma_wait3A_333] : memref<10112x128xf32, #tpu.memory_space<vmem_shared>> -> memref<56x128xf32, #tpu.memory_space<vmem_shared>>
      %dma_wait3A_335 = arith.constant 0 : i32
      %dma_wait3A_336 = tpu.memref_slice %arg8[%multiple_of3A_29, %dma_wait3A_335] : memref<10112x128xf32, #tpu.memory_space<vmem_shared>> -> memref<56x128xf32, #tpu.memory_space<vmem_shared>>
      %dma_wait3A_337 = arith.constant 0 : i32
      %dma_wait3A_338 = arith.constant 0 : i32
      %dma_wait3A_339 = tpu.memref_slice %arg14[%dma_wait3A_337, %dma_wait3A_338] : memref<64x128xf32, #tpu.memory_space<vmem>> -> memref<56x128xf32, #tpu.memory_space<vmem>>
      tpu.wait_dma2 semaphore(%run_scoped3A : memref<!tpu.dma_semaphore, #tpu.memory_space<semaphore_mem>>) src(%dma_wait3A_339 : memref<56x128xf32, #tpu.memory_space<vmem>>) dst(%dma_wait3A_336 : memref<56x128xf32, #tpu.memory_space<vmem_shared>>)
      tpu.yield
    }) : () -> ()
    "tpu.region"() ({
      %run_scoped3A = tpu.sem_alloc : memref<!tpu.dma_semaphore, #tpu.memory_space<semaphore_mem>>
      %dma_start3A_320 = arith.constant 0 : i32
      %dma_start3A_321 = arith.constant 0 : i32
      %dma_start3A_322 = tpu.memref_slice %arg17[%dma_start3A_320, %dma_start3A_321] : memref<64x16xf32, #tpu.memory_space<vmem>> -> memref<56x16xf32, #tpu.memory_space<vmem>>
      %dma_start3A_323 = arith.constant 0 : i32
      %dma_start3A_324 = tpu.memref_slice %arg10[%multiple_of3A_29, %dma_start3A_323] : memref<10112x16xf32, #tpu.memory_space<vmem_shared>> -> memref<56x16xf32, #tpu.memory_space<vmem_shared>>
      %dma_start3A_325 = arith.constant 0 : i32
      %dma_start3A_326 = tpu.memref_slice %arg10[%multiple_of3A_29, %dma_start3A_325] : memref<10112x16xf32, #tpu.memory_space<vmem_shared>> -> memref<56x16xf32, #tpu.memory_space<vmem_shared>>
      %dma_start3A_327 = arith.constant 0 : i32
      %dma_start3A_328 = arith.constant 0 : i32
      %dma_start3A_329 = tpu.memref_slice %arg17[%dma_start3A_327, %dma_start3A_328] : memref<64x16xf32, #tpu.memory_space<vmem>> -> memref<56x16xf32, #tpu.memory_space<vmem>>
      tpu.enqueue_dma source(%dma_start3A_329 : memref<56x16xf32, #tpu.memory_space<vmem>>) target(%dma_start3A_326 : memref<56x16xf32, #tpu.memory_space<vmem_shared>>) target_semaphore(%run_scoped3A : memref<!tpu.dma_semaphore, #tpu.memory_space<semaphore_mem>>)
      %dma_wait3A_330 = arith.constant 0 : i32
      %dma_wait3A_331 = arith.constant 0 : i32
      %dma_wait3A_332 = tpu.memref_slice %arg17[%dma_wait3A_330, %dma_wait3A_331] : memref<64x16xf32, #tpu.memory_space<vmem>> -> memref<56x16xf32, #tpu.memory_space<vmem>>
      %dma_wait3A_333 = arith.constant 0 : i32
      %dma_wait3A_334 = tpu.memref_slice %arg10[%multiple_of3A_29, %dma_wait3A_333] : memref<10112x16xf32, #tpu.memory_space<vmem_shared>> -> memref<56x16xf32, #tpu.memory_space<vmem_shared>>
      %dma_wait3A_335 = arith.constant 0 : i32
      %dma_wait3A_336 = tpu.memref_slice %arg10[%multiple_of3A_29, %dma_wait3A_335] : memref<10112x16xf32, #tpu.memory_space<vmem_shared>> -> memref<56x16xf32, #tpu.memory_space<vmem_shared>>
      %dma_wait3A_337 = arith.constant 0 : i32
      %dma_wait3A_338 = arith.constant 0 : i32
      %dma_wait3A_339 = tpu.memref_slice %arg17[%dma_wait3A_337, %dma_wait3A_338] : memref<64x16xf32, #tpu.memory_space<vmem>> -> memref<56x16xf32, #tpu.memory_space<vmem>>
      tpu.wait_dma2 semaphore(%run_scoped3A : memref<!tpu.dma_semaphore, #tpu.memory_space<semaphore_mem>>) src(%dma_wait3A_339 : memref<56x16xf32, #tpu.memory_space<vmem>>) dst(%dma_wait3A_336 : memref<56x16xf32, #tpu.memory_space<vmem_shared>>)
      tpu.yield
    }) : () -> ()
    "tpu.region"() ({
      %run_scoped3A = tpu.sem_alloc : memref<!tpu.dma_semaphore, #tpu.memory_space<semaphore_mem>>
      %dma_start3A_320 = arith.constant 0 : i32
      %dma_start3A_321 = arith.constant 0 : i32
      %dma_start3A_322 = tpu.memref_slice %arg17[%dma_start3A_320, %dma_start3A_321] : memref<64x16xf32, #tpu.memory_space<vmem>> -> memref<56x16xf32, #tpu.memory_space<vmem>>
      %dma_start3A_323 = arith.constant 0 : i32
      %dma_start3A_324 = tpu.memref_slice %arg9[%multiple_of3A_29, %dma_start3A_323] : memref<10112x16xf32, #tpu.memory_space<vmem_shared>> -> memref<56x16xf32, #tpu.memory_space<vmem_shared>>
      %dma_start3A_325 = arith.constant 0 : i32
      %dma_start3A_326 = tpu.memref_slice %arg9[%multiple_of3A_29, %dma_start3A_325] : memref<10112x16xf32, #tpu.memory_space<vmem_shared>> -> memref<56x16xf32, #tpu.memory_space<vmem_shared>>
      %dma_start3A_327 = arith.constant 0 : i32
      %dma_start3A_328 = arith.constant 0 : i32
      %dma_start3A_329 = tpu.memref_slice %arg17[%dma_start3A_327, %dma_start3A_328] : memref<64x16xf32, #tpu.memory_space<vmem>> -> memref<56x16xf32, #tpu.memory_space<vmem>>
      tpu.enqueue_dma source(%dma_start3A_329 : memref<56x16xf32, #tpu.memory_space<vmem>>) target(%dma_start3A_326 : memref<56x16xf32, #tpu.memory_space<vmem_shared>>) target_semaphore(%run_scoped3A : memref<!tpu.dma_semaphore, #tpu.memory_space<semaphore_mem>>)
      %dma_wait3A_330 = arith.constant 0 : i32
      %dma_wait3A_331 = arith.constant 0 : i32
      %dma_wait3A_332 = tpu.memref_slice %arg17[%dma_wait3A_330, %dma_wait3A_331] : memref<64x16xf32, #tpu.memory_space<vmem>> -> memref<56x16xf32, #tpu.memory_space<vmem>>
      %dma_wait3A_333 = arith.constant 0 : i32
      %dma_wait3A_334 = tpu.memref_slice %arg9[%multiple_of3A_29, %dma_wait3A_333] : memref<10112x16xf32, #tpu.memory_space<vmem_shared>> -> memref<56x16xf32, #tpu.memory_space<vmem_shared>>
      %dma_wait3A_335 = arith.constant 0 : i32
      %dma_wait3A_336 = tpu.memref_slice %arg9[%multiple_of3A_29, %dma_wait3A_335] : memref<10112x16xf32, #tpu.memory_space<vmem_shared>> -> memref<56x16xf32, #tpu.memory_space<vmem_shared>>
      %dma_wait3A_337 = arith.constant 0 : i32
      %dma_wait3A_338 = arith.constant 0 : i32
      %dma_wait3A_339 = tpu.memref_slice %arg17[%dma_wait3A_337, %dma_wait3A_338] : memref<64x16xf32, #tpu.memory_space<vmem>> -> memref<56x16xf32, #tpu.memory_space<vmem>>
      tpu.wait_dma2 semaphore(%run_scoped3A : memref<!tpu.dma_semaphore, #tpu.memory_space<semaphore_mem>>) src(%dma_wait3A_339 : memref<56x16xf32, #tpu.memory_space<vmem>>) dst(%dma_wait3A_336 : memref<56x16xf32, #tpu.memory_space<vmem_shared>>)
      tpu.yield
    }) : () -> ()
    %add3A_30 = arith.constant 0 : i32
    %add3A_31 = arith.addi %add3A_30, %arg1 : i32
    %dma_start3A = arith.constant 0 : i32
    %dma_start3A_32 = arith.constant 0 : i32
    %dma_start3A_33 = arith.constant 0 : i32
    %dma_start3A_34 = tpu.memref_slice %arg3[%add3A_6, %dma_start3A, %dma_start3A_32, %dma_start3A_33] : memref<4x1250x2x64xi32, #tpu.memory_space<hbm>> -> memref<1x1250x2x64xi32, #tpu.memory_space<hbm>>
    %dma_start3A_35 = tpu.memref_squeeze %dma_start3A_34 : memref<1x1250x2x64xi32, #tpu.memory_space<hbm>> -> memref<1250x2x64xi32, #tpu.memory_space<hbm>>
    %dma_start3A_36 = arith.constant 0 : i32
    %dma_start3A_37 = arith.constant 0 : i32
    %dma_start3A_38 = tpu.memref_slice %dma_start3A_35[%add3A_31, %dma_start3A_36, %dma_start3A_37] : memref<1250x2x64xi32, #tpu.memory_space<hbm>> -> memref<1x2x64xi32, #tpu.memory_space<hbm>>
    %dma_start3A_39 = tpu.memref_squeeze %dma_start3A_38 : memref<1x2x64xi32, #tpu.memory_space<hbm>> -> memref<2x64xi32, #tpu.memory_space<hbm>>
    %dma_start3A_40 = arith.constant 0 : i32
    %dma_start3A_41 = arith.constant 0 : i32
    %dma_start3A_42 = arith.constant 0 : i32
    %dma_start3A_43 = tpu.memref_slice %arg3[%add3A_6, %dma_start3A_40, %dma_start3A_41, %dma_start3A_42] : memref<4x1250x2x64xi32, #tpu.memory_space<hbm>> -> memref<1x1250x2x64xi32, #tpu.memory_space<hbm>>
    %dma_start3A_44 = tpu.memref_squeeze %dma_start3A_43 : memref<1x1250x2x64xi32, #tpu.memory_space<hbm>> -> memref<1250x2x64xi32, #tpu.memory_space<hbm>>
    %dma_start3A_45 = arith.constant 0 : i32
    %dma_start3A_46 = arith.constant 0 : i32
    %dma_start3A_47 = tpu.memref_slice %dma_start3A_44[%add3A_31, %dma_start3A_45, %dma_start3A_46] : memref<1250x2x64xi32, #tpu.memory_space<hbm>> -> memref<1x2x64xi32, #tpu.memory_space<hbm>>
    %dma_start3A_48 = tpu.memref_squeeze %dma_start3A_47 : memref<1x2x64xi32, #tpu.memory_space<hbm>> -> memref<2x64xi32, #tpu.memory_space<hbm>>
    tpu.enqueue_dma source(%dma_start3A_48 : memref<2x64xi32, #tpu.memory_space<hbm>>) target(%arg11 : memref<2x64xi32, #tpu.memory_space<vmem>>) target_semaphore(%arg21 : memref<!tpu.dma_semaphore, #tpu.memory_space<semaphore_mem>>)
    %add3A_49 = arith.constant 16 : i32
    %add3A_50 = arith.addi %add3A_49, %arg1 : i32
    %dma_start3A_51 = arith.constant 0 : i32
    %dma_start3A_52 = arith.constant 0 : i32
    %dma_start3A_53 = arith.constant 0 : i32
    %dma_start3A_54 = tpu.memref_slice %arg3[%add3A_6, %dma_start3A_51, %dma_start3A_52, %dma_start3A_53] : memref<4x1250x2x64xi32, #tpu.memory_space<hbm>> -> memref<1x1250x2x64xi32, #tpu.memory_space<hbm>>
    %dma_start3A_55 = tpu.memref_squeeze %dma_start3A_54 : memref<1x1250x2x64xi32, #tpu.memory_space<hbm>> -> memref<1250x2x64xi32, #tpu.memory_space<hbm>>
    %dma_start3A_56 = arith.constant 0 : i32
    %dma_start3A_57 = arith.constant 0 : i32
    %dma_start3A_58 = tpu.memref_slice %dma_start3A_55[%add3A_50, %dma_start3A_56, %dma_start3A_57] : memref<1250x2x64xi32, #tpu.memory_space<hbm>> -> memref<1x2x64xi32, #tpu.memory_space<hbm>>
    %dma_start3A_59 = tpu.memref_squeeze %dma_start3A_58 : memref<1x2x64xi32, #tpu.memory_space<hbm>> -> memref<2x64xi32, #tpu.memory_space<hbm>>
    %dma_start3A_60 = arith.constant 0 : i32
    %dma_start3A_61 = arith.constant 0 : i32
    %dma_start3A_62 = arith.constant 0 : i32
    %dma_start3A_63 = tpu.memref_slice %arg3[%add3A_6, %dma_start3A_60, %dma_start3A_61, %dma_start3A_62] : memref<4x1250x2x64xi32, #tpu.memory_space<hbm>> -> memref<1x1250x2x64xi32, #tpu.memory_space<hbm>>
    %dma_start3A_64 = tpu.memref_squeeze %dma_start3A_63 : memref<1x1250x2x64xi32, #tpu.memory_space<hbm>> -> memref<1250x2x64xi32, #tpu.memory_space<hbm>>
    %dma_start3A_65 = arith.constant 0 : i32
    %dma_start3A_66 = arith.constant 0 : i32
    %dma_start3A_67 = tpu.memref_slice %dma_start3A_64[%add3A_50, %dma_start3A_65, %dma_start3A_66] : memref<1250x2x64xi32, #tpu.memory_space<hbm>> -> memref<1x2x64xi32, #tpu.memory_space<hbm>>
    %dma_start3A_68 = tpu.memref_squeeze %dma_start3A_67 : memref<1x2x64xi32, #tpu.memory_space<hbm>> -> memref<2x64xi32, #tpu.memory_space<hbm>>
    tpu.enqueue_dma source(%dma_start3A_68 : memref<2x64xi32, #tpu.memory_space<hbm>>) target(%arg12 : memref<2x64xi32, #tpu.memory_space<vmem>>) target_semaphore(%arg22 : memref<!tpu.dma_semaphore, #tpu.memory_space<semaphore_mem>>)
    %add3A_69 = arith.constant 32 : i32
    %add3A_70 = arith.addi %add3A_69, %arg1 : i32
    %dma_start3A_71 = arith.constant 0 : i32
    %dma_start3A_72 = arith.constant 0 : i32
    %dma_start3A_73 = arith.constant 0 : i32
    %dma_start3A_74 = tpu.memref_slice %arg3[%add3A_6, %dma_start3A_71, %dma_start3A_72, %dma_start3A_73] : memref<4x1250x2x64xi32, #tpu.memory_space<hbm>> -> memref<1x1250x2x64xi32, #tpu.memory_space<hbm>>
    %dma_start3A_75 = tpu.memref_squeeze %dma_start3A_74 : memref<1x1250x2x64xi32, #tpu.memory_space<hbm>> -> memref<1250x2x64xi32, #tpu.memory_space<hbm>>
    %dma_start3A_76 = arith.constant 0 : i32
    %dma_start3A_77 = arith.constant 0 : i32
    %dma_start3A_78 = tpu.memref_slice %dma_start3A_75[%add3A_70, %dma_start3A_76, %dma_start3A_77] : memref<1250x2x64xi32, #tpu.memory_space<hbm>> -> memref<1x2x64xi32, #tpu.memory_space<hbm>>
    %dma_start3A_79 = tpu.memref_squeeze %dma_start3A_78 : memref<1x2x64xi32, #tpu.memory_space<hbm>> -> memref<2x64xi32, #tpu.memory_space<hbm>>
    %dma_start3A_80 = arith.constant 0 : i32
    %dma_start3A_81 = arith.constant 0 : i32
    %dma_start3A_82 = arith.constant 0 : i32
    %dma_start3A_83 = tpu.memref_slice %arg3[%add3A_6, %dma_start3A_80, %dma_start3A_81, %dma_start3A_82] : memref<4x1250x2x64xi32, #tpu.memory_space<hbm>> -> memref<1x1250x2x64xi32, #tpu.memory_space<hbm>>
    %dma_start3A_84 = tpu.memref_squeeze %dma_start3A_83 : memref<1x1250x2x64xi32, #tpu.memory_space<hbm>> -> memref<1250x2x64xi32, #tpu.memory_space<hbm>>
    %dma_start3A_85 = arith.constant 0 : i32
    %dma_start3A_86 = arith.constant 0 : i32
    %dma_start3A_87 = tpu.memref_slice %dma_start3A_84[%add3A_70, %dma_start3A_85, %dma_start3A_86] : memref<1250x2x64xi32, #tpu.memory_space<hbm>> -> memref<1x2x64xi32, #tpu.memory_space<hbm>>
    %dma_start3A_88 = tpu.memref_squeeze %dma_start3A_87 : memref<1x2x64xi32, #tpu.memory_space<hbm>> -> memref<2x64xi32, #tpu.memory_space<hbm>>
    tpu.enqueue_dma source(%dma_start3A_88 : memref<2x64xi32, #tpu.memory_space<hbm>>) target(%arg13 : memref<2x64xi32, #tpu.memory_space<vmem>>) target_semaphore(%arg23 : memref<!tpu.dma_semaphore, #tpu.memory_space<semaphore_mem>>)
    %add3A_89 = arith.constant 0 : i32
    %add3A_90 = arith.addi %add3A_89, %arg1 : i32
    %mul3A_91 = arith.constant 64 : i32
    %mul3A_92 = arith.muli %add3A_90, %mul3A_91 : i32
    %multiple_of3A_93 = tpu.assume_multiple %mul3A_92, 64 : i32
    %dma_start3A_94 = arith.constant 0 : i32
    %dma_start3A_95 = arith.constant 0 : i32
    %dma_start3A_96 = tpu.memref_slice %arg4[%add3A_6, %dma_start3A_94, %dma_start3A_95] : memref<4x80000x16xf32, #tpu.memory_space<hbm>> -> memref<1x80000x16xf32, #tpu.memory_space<hbm>>
    %dma_start3A_97 = tpu.memref_squeeze %dma_start3A_96 : memref<1x80000x16xf32, #tpu.memory_space<hbm>> -> memref<80000x16xf32, #tpu.memory_space<hbm>>
    %dma_start3A_98 = arith.constant 0 : i32
    %dma_start3A_99 = tpu.memref_slice %dma_start3A_97[%multiple_of3A_93, %dma_start3A_98] : memref<80000x16xf32, #tpu.memory_space<hbm>> -> memref<64x16xf32, #tpu.memory_space<hbm>>
    %dma_start3A_100 = arith.constant 0 : i32
    %dma_start3A_101 = arith.constant 0 : i32
    %dma_start3A_102 = tpu.memref_slice %arg4[%add3A_6, %dma_start3A_100, %dma_start3A_101] : memref<4x80000x16xf32, #tpu.memory_space<hbm>> -> memref<1x80000x16xf32, #tpu.memory_space<hbm>>
    %dma_start3A_103 = tpu.memref_squeeze %dma_start3A_102 : memref<1x80000x16xf32, #tpu.memory_space<hbm>> -> memref<80000x16xf32, #tpu.memory_space<hbm>>
    %dma_start3A_104 = arith.constant 0 : i32
    %dma_start3A_105 = tpu.memref_slice %dma_start3A_103[%multiple_of3A_93, %dma_start3A_104] : memref<80000x16xf32, #tpu.memory_space<hbm>> -> memref<64x16xf32, #tpu.memory_space<hbm>>
    tpu.enqueue_dma source(%dma_start3A_105 : memref<64x16xf32, #tpu.memory_space<hbm>>) target(%arg17 : memref<64x16xf32, #tpu.memory_space<vmem>>) target_semaphore(%arg27 : memref<!tpu.dma_semaphore, #tpu.memory_space<semaphore_mem>>)
    %add3A_106 = arith.constant 0 : i32
    %add3A_107 = arith.addi %add3A_106, %arg1 : i32
    %dma_wait3A = arith.constant 0 : i32
    %dma_wait3A_108 = arith.constant 0 : i32
    %dma_wait3A_109 = arith.constant 0 : i32
    %dma_wait3A_110 = tpu.memref_slice %arg3[%add3A_6, %dma_wait3A, %dma_wait3A_108, %dma_wait3A_109] : memref<4x1250x2x64xi32, #tpu.memory_space<hbm>> -> memref<1x1250x2x64xi32, #tpu.memory_space<hbm>>
    %dma_wait3A_111 = tpu.memref_squeeze %dma_wait3A_110 : memref<1x1250x2x64xi32, #tpu.memory_space<hbm>> -> memref<1250x2x64xi32, #tpu.memory_space<hbm>>
    %dma_wait3A_112 = arith.constant 0 : i32
    %dma_wait3A_113 = arith.constant 0 : i32
    %dma_wait3A_114 = tpu.memref_slice %dma_wait3A_111[%add3A_107, %dma_wait3A_112, %dma_wait3A_113] : memref<1250x2x64xi32, #tpu.memory_space<hbm>> -> memref<1x2x64xi32, #tpu.memory_space<hbm>>
    %dma_wait3A_115 = tpu.memref_squeeze %dma_wait3A_114 : memref<1x2x64xi32, #tpu.memory_space<hbm>> -> memref<2x64xi32, #tpu.memory_space<hbm>>
    %dma_wait3A_116 = arith.constant 0 : i32
    %dma_wait3A_117 = arith.constant 0 : i32
    %dma_wait3A_118 = arith.constant 0 : i32
    %dma_wait3A_119 = tpu.memref_slice %arg3[%add3A_6, %dma_wait3A_116, %dma_wait3A_117, %dma_wait3A_118] : memref<4x1250x2x64xi32, #tpu.memory_space<hbm>> -> memref<1x1250x2x64xi32, #tpu.memory_space<hbm>>
    %dma_wait3A_120 = tpu.memref_squeeze %dma_wait3A_119 : memref<1x1250x2x64xi32, #tpu.memory_space<hbm>> -> memref<1250x2x64xi32, #tpu.memory_space<hbm>>
    %dma_wait3A_121 = arith.constant 0 : i32
    %dma_wait3A_122 = arith.constant 0 : i32
    %dma_wait3A_123 = tpu.memref_slice %dma_wait3A_120[%add3A_107, %dma_wait3A_121, %dma_wait3A_122] : memref<1250x2x64xi32, #tpu.memory_space<hbm>> -> memref<1x2x64xi32, #tpu.memory_space<hbm>>
    %dma_wait3A_124 = tpu.memref_squeeze %dma_wait3A_123 : memref<1x2x64xi32, #tpu.memory_space<hbm>> -> memref<2x64xi32, #tpu.memory_space<hbm>>
    tpu.wait_dma2 semaphore(%arg21 : memref<!tpu.dma_semaphore, #tpu.memory_space<semaphore_mem>>) src(%dma_wait3A_124 : memref<2x64xi32, #tpu.memory_space<hbm>>) dst(%arg11 : memref<2x64xi32, #tpu.memory_space<vmem>>)
    %dma_start3A_125 = arith.constant 0 : i32
    %dma_start3A_126 = arith.constant 0 : i32
    %dma_start3A_127 = tpu.memref_slice %arg11[%dma_start3A_125, %dma_start3A_126] : memref<2x64xi32, #tpu.memory_space<vmem>> -> memref<1x64xi32, #tpu.memory_space<vmem>>
    %dma_start3A_128 = tpu.memref_squeeze %dma_start3A_127 : memref<1x64xi32, #tpu.memory_space<vmem>> -> memref<64xi32, #tpu.memory_space<vmem>>
    %dma_start3A_129 = arith.constant 0 : i32
    %dma_start3A_130 = arith.constant 0 : i32
    %dma_start3A_131 = tpu.memref_slice %arg2[%dma_start3A_129, %dma_start3A_130] : memref<10000x128xf32, #tpu.memory_space<hbm>> -> memref<10000x128xf32, #tpu.memory_space<hbm>>
    tpu.enqueue_indirect_dma source(%dma_start3A_131 : memref<10000x128xf32, #tpu.memory_space<hbm>>) target(%arg14 : memref<64x128xf32, #tpu.memory_space<vmem>>) offsets(%dma_start3A_128 : memref<64xi32, #tpu.memory_space<vmem>>) semaphore(%arg24 : memref<!tpu.dma_semaphore, #tpu.memory_space<semaphore_mem>>)
    %add3A_132 = arith.constant 16 : i32
    %add3A_133 = arith.addi %add3A_132, %arg1 : i32
    %dma_wait3A_134 = arith.constant 0 : i32
    %dma_wait3A_135 = arith.constant 0 : i32
    %dma_wait3A_136 = arith.constant 0 : i32
    %dma_wait3A_137 = tpu.memref_slice %arg3[%add3A_6, %dma_wait3A_134, %dma_wait3A_135, %dma_wait3A_136] : memref<4x1250x2x64xi32, #tpu.memory_space<hbm>> -> memref<1x1250x2x64xi32, #tpu.memory_space<hbm>>
    %dma_wait3A_138 = tpu.memref_squeeze %dma_wait3A_137 : memref<1x1250x2x64xi32, #tpu.memory_space<hbm>> -> memref<1250x2x64xi32, #tpu.memory_space<hbm>>
    %dma_wait3A_139 = arith.constant 0 : i32
    %dma_wait3A_140 = arith.constant 0 : i32
    %dma_wait3A_141 = tpu.memref_slice %dma_wait3A_138[%add3A_133, %dma_wait3A_139, %dma_wait3A_140] : memref<1250x2x64xi32, #tpu.memory_space<hbm>> -> memref<1x2x64xi32, #tpu.memory_space<hbm>>
    %dma_wait3A_142 = tpu.memref_squeeze %dma_wait3A_141 : memref<1x2x64xi32, #tpu.memory_space<hbm>> -> memref<2x64xi32, #tpu.memory_space<hbm>>
    %dma_wait3A_143 = arith.constant 0 : i32
    %dma_wait3A_144 = arith.constant 0 : i32
    %dma_wait3A_145 = arith.constant 0 : i32
    %dma_wait3A_146 = tpu.memref_slice %arg3[%add3A_6, %dma_wait3A_143, %dma_wait3A_144, %dma_wait3A_145] : memref<4x1250x2x64xi32, #tpu.memory_space<hbm>> -> memref<1x1250x2x64xi32, #tpu.memory_space<hbm>>
    %dma_wait3A_147 = tpu.memref_squeeze %dma_wait3A_146 : memref<1x1250x2x64xi32, #tpu.memory_space<hbm>> -> memref<1250x2x64xi32, #tpu.memory_space<hbm>>
    %dma_wait3A_148 = arith.constant 0 : i32
    %dma_wait3A_149 = arith.constant 0 : i32
    %dma_wait3A_150 = tpu.memref_slice %dma_wait3A_147[%add3A_133, %dma_wait3A_148, %dma_wait3A_149] : memref<1250x2x64xi32, #tpu.memory_space<hbm>> -> memref<1x2x64xi32, #tpu.memory_space<hbm>>
    %dma_wait3A_151 = tpu.memref_squeeze %dma_wait3A_150 : memref<1x2x64xi32, #tpu.memory_space<hbm>> -> memref<2x64xi32, #tpu.memory_space<hbm>>
    tpu.wait_dma2 semaphore(%arg22 : memref<!tpu.dma_semaphore, #tpu.memory_space<semaphore_mem>>) src(%dma_wait3A_151 : memref<2x64xi32, #tpu.memory_space<hbm>>) dst(%arg12 : memref<2x64xi32, #tpu.memory_space<vmem>>)
    %dma_start3A_152 = arith.constant 0 : i32
    %dma_start3A_153 = arith.constant 0 : i32
    %dma_start3A_154 = tpu.memref_slice %arg12[%dma_start3A_152, %dma_start3A_153] : memref<2x64xi32, #tpu.memory_space<vmem>> -> memref<1x64xi32, #tpu.memory_space<vmem>>
    %dma_start3A_155 = tpu.memref_squeeze %dma_start3A_154 : memref<1x64xi32, #tpu.memory_space<vmem>> -> memref<64xi32, #tpu.memory_space<vmem>>
    %dma_start3A_156 = arith.constant 0 : i32
    %dma_start3A_157 = arith.constant 0 : i32
    %dma_start3A_158 = tpu.memref_slice %arg2[%dma_start3A_156, %dma_start3A_157] : memref<10000x128xf32, #tpu.memory_space<hbm>> -> memref<10000x128xf32, #tpu.memory_space<hbm>>
    tpu.enqueue_indirect_dma source(%dma_start3A_158 : memref<10000x128xf32, #tpu.memory_space<hbm>>) target(%arg15 : memref<64x128xf32, #tpu.memory_space<vmem>>) offsets(%dma_start3A_155 : memref<64xi32, #tpu.memory_space<vmem>>) semaphore(%arg25 : memref<!tpu.dma_semaphore, #tpu.memory_space<semaphore_mem>>)
    %barrier3A = arith.constant 0 : index
    tpu.barrier barrier_id(%barrier3A)
    %scan3A_159 = arith.constant 0 : i32
    %scan3A_160 = arith.constant 0 : i32
    %scan3A_161 = arith.constant 26 : i32
    %scan3A_162 = arith.addi %scan3A_160, %scan3A_161 : i32
    %scan3A_163 = arith.constant 1 : i32
    scf.for %scan3A_320 = %scan3A_160 to %scan3A_162 step %scan3A_163  : i32 {
      %mul3A_321 = arith.constant 3 : i32
      %mul3A_322 = arith.muli %mul3A_321, %scan3A_320 : i32
      %add3A_323 = arith.constant 0 : i32
      %add3A_324 = arith.addi %mul3A_322, %add3A_323 : i32
      %add3A_325 = arith.constant 2 : i32
      %add3A_326 = arith.addi %add3A_324, %add3A_325 : i32
      %lt3A_327 = arith.constant 78 : i32
      %lt3A_328 = arith.cmpi slt, %add3A_326, %lt3A_327 : i32
      %eq3A = arith.constant 78 : i32
      %eq3A_329 = arith.cmpi eq, %add3A_326, %eq3A : i32
      %lt3A_330 = arith.constant 2 : i32
      %lt3A_331 = arith.cmpi slt, %arg1, %lt3A_330 : i32
      %and3A = arith.andi %eq3A_329, %lt3A_331 : i1
      %or3A = arith.ori %lt3A_328, %and3A : i1
      %convert_element_type3A_332 = arith.extui %or3A : i1 to i32
      %cond3A_333 = arith.constant 0 : i32
      %cond3A_334 = arith.cmpi ne, %convert_element_type3A_332, %cond3A_333 : i32
      scf.if %cond3A_334 {
        %add3A_648 = arith.constant 2 : i32
        %add3A_649 = arith.addi %add3A_324, %add3A_648 : i32
        %mul3A_650 = arith.constant 16 : i32
        %mul3A_651 = arith.muli %add3A_649, %mul3A_650 : i32
        %add3A_652 = arith.addi %mul3A_651, %arg1 : i32
        %dma_wait3A_653 = arith.constant 0 : i32
        %dma_wait3A_654 = arith.constant 0 : i32
        %dma_wait3A_655 = arith.constant 0 : i32
        %dma_wait3A_656 = tpu.memref_slice %arg3[%add3A_6, %dma_wait3A_653, %dma_wait3A_654, %dma_wait3A_655] : memref<4x1250x2x64xi32, #tpu.memory_space<hbm>> -> memref<1x1250x2x64xi32, #tpu.memory_space<hbm>>
        %dma_wait3A_657 = tpu.memref_squeeze %dma_wait3A_656 : memref<1x1250x2x64xi32, #tpu.memory_space<hbm>> -> memref<1250x2x64xi32, #tpu.memory_space<hbm>>
        %dma_wait3A_658 = arith.constant 0 : i32
        %dma_wait3A_659 = arith.constant 0 : i32
        %dma_wait3A_660 = tpu.memref_slice %dma_wait3A_657[%add3A_652, %dma_wait3A_658, %dma_wait3A_659] : memref<1250x2x64xi32, #tpu.memory_space<hbm>> -> memref<1x2x64xi32, #tpu.memory_space<hbm>>
        %dma_wait3A_661 = tpu.memref_squeeze %dma_wait3A_660 : memref<1x2x64xi32, #tpu.memory_space<hbm>> -> memref<2x64xi32, #tpu.memory_space<hbm>>
        %dma_wait3A_662 = arith.constant 0 : i32
        %dma_wait3A_663 = arith.constant 0 : i32
        %dma_wait3A_664 = arith.constant 0 : i32
        %dma_wait3A_665 = tpu.memref_slice %arg3[%add3A_6, %dma_wait3A_662, %dma_wait3A_663, %dma_wait3A_664] : memref<4x1250x2x64xi32, #tpu.memory_space<hbm>> -> memref<1x1250x2x64xi32, #tpu.memory_space<hbm>>
        %dma_wait3A_666 = tpu.memref_squeeze %dma_wait3A_665 : memref<1x1250x2x64xi32, #tpu.memory_space<hbm>> -> memref<1250x2x64xi32, #tpu.memory_space<hbm>>
        %dma_wait3A_667 = arith.constant 0 : i32
        %dma_wait3A_668 = arith.constant 0 : i32
        %dma_wait3A_669 = tpu.memref_slice %dma_wait3A_666[%add3A_652, %dma_wait3A_667, %dma_wait3A_668] : memref<1250x2x64xi32, #tpu.memory_space<hbm>> -> memref<1x2x64xi32, #tpu.memory_space<hbm>>
        %dma_wait3A_670 = tpu.memref_squeeze %dma_wait3A_669 : memref<1x2x64xi32, #tpu.memory_space<hbm>> -> memref<2x64xi32, #tpu.memory_space<hbm>>
        tpu.wait_dma2 semaphore(%arg23 : memref<!tpu.dma_semaphore, #tpu.memory_space<semaphore_mem>>) src(%dma_wait3A_670 : memref<2x64xi32, #tpu.memory_space<hbm>>) dst(%arg13 : memref<2x64xi32, #tpu.memory_space<vmem>>)
        %dma_start3A_671 = arith.constant 0 : i32
        %dma_start3A_672 = arith.constant 0 : i32
        %dma_start3A_673 = tpu.memref_slice %arg13[%dma_start3A_671, %dma_start3A_672] : memref<2x64xi32, #tpu.memory_space<vmem>> -> memref<1x64xi32, #tpu.memory_space<vmem>>
        %dma_start3A_674 = tpu.memref_squeeze %dma_start3A_673 : memref<1x64xi32, #tpu.memory_space<vmem>> -> memref<64xi32, #tpu.memory_space<vmem>>
        %dma_start3A_675 = arith.constant 0 : i32
        %dma_start3A_676 = arith.constant 0 : i32
        %dma_start3A_677 = tpu.memref_slice %arg2[%dma_start3A_675, %dma_start3A_676] : memref<10000x128xf32, #tpu.memory_space<hbm>> -> memref<10000x128xf32, #tpu.memory_space<hbm>>
        tpu.enqueue_indirect_dma source(%dma_start3A_677 : memref<10000x128xf32, #tpu.memory_space<hbm>>) target(%arg16 : memref<64x128xf32, #tpu.memory_space<vmem>>) offsets(%dma_start3A_674 : memref<64xi32, #tpu.memory_space<vmem>>) semaphore(%arg26 : memref<!tpu.dma_semaphore, #tpu.memory_space<semaphore_mem>>)
      } else {
      }
      %add3A_335 = arith.constant 1 : i32
      %add3A_336 = arith.addi %add3A_324, %add3A_335 : i32
      %lt3A_337 = arith.constant 78 : i32
      %lt3A_338 = arith.cmpi slt, %add3A_336, %lt3A_337 : i32
      %eq3A_339 = arith.constant 78 : i32
      %eq3A_340 = arith.cmpi eq, %add3A_336, %eq3A_339 : i32
      %lt3A_341 = arith.constant 2 : i32
      %lt3A_342 = arith.cmpi slt, %arg1, %lt3A_341 : i32
      %and3A_343 = arith.andi %eq3A_340, %lt3A_342 : i1
      %or3A_344 = arith.ori %lt3A_338, %and3A_343 : i1
      %convert_element_type3A_345 = arith.extui %or3A_344 : i1 to i32
      %cond3A_346 = arith.constant 0 : i32
      %cond3A_347 = arith.cmpi ne, %convert_element_type3A_345, %cond3A_346 : i32
      scf.if %cond3A_347 {
        %add3A_648 = arith.constant 1 : i32
        %add3A_649 = arith.addi %add3A_324, %add3A_648 : i32
        %mul3A_650 = arith.constant 16 : i32
        %mul3A_651 = arith.muli %add3A_649, %mul3A_650 : i32
        %add3A_652 = arith.addi %mul3A_651, %arg1 : i32
        %mul3A_653 = arith.constant 64 : i32
        %mul3A_654 = arith.muli %add3A_652, %mul3A_653 : i32
        %multiple_of3A_655 = tpu.assume_multiple %mul3A_654, 64 : i32
        %dma_start3A_656 = arith.constant 0 : i32
        %dma_start3A_657 = arith.constant 0 : i32
        %dma_start3A_658 = tpu.memref_slice %arg4[%add3A_6, %dma_start3A_656, %dma_start3A_657] : memref<4x80000x16xf32, #tpu.memory_space<hbm>> -> memref<1x80000x16xf32, #tpu.memory_space<hbm>>
        %dma_start3A_659 = tpu.memref_squeeze %dma_start3A_658 : memref<1x80000x16xf32, #tpu.memory_space<hbm>> -> memref<80000x16xf32, #tpu.memory_space<hbm>>
        %dma_start3A_660 = arith.constant 0 : i32
        %dma_start3A_661 = tpu.memref_slice %dma_start3A_659[%multiple_of3A_655, %dma_start3A_660] : memref<80000x16xf32, #tpu.memory_space<hbm>> -> memref<64x16xf32, #tpu.memory_space<hbm>>
        %dma_start3A_662 = arith.constant 0 : i32
        %dma_start3A_663 = arith.constant 0 : i32
        %dma_start3A_664 = tpu.memref_slice %arg4[%add3A_6, %dma_start3A_662, %dma_start3A_663] : memref<4x80000x16xf32, #tpu.memory_space<hbm>> -> memref<1x80000x16xf32, #tpu.memory_space<hbm>>
        %dma_start3A_665 = tpu.memref_squeeze %dma_start3A_664 : memref<1x80000x16xf32, #tpu.memory_space<hbm>> -> memref<80000x16xf32, #tpu.memory_space<hbm>>
        %dma_start3A_666 = arith.constant 0 : i32
        %dma_start3A_667 = tpu.memref_slice %dma_start3A_665[%multiple_of3A_655, %dma_start3A_666] : memref<80000x16xf32, #tpu.memory_space<hbm>> -> memref<64x16xf32, #tpu.memory_space<hbm>>
        tpu.enqueue_dma source(%dma_start3A_667 : memref<64x16xf32, #tpu.memory_space<hbm>>) target(%arg18 : memref<64x16xf32, #tpu.memory_space<vmem>>) target_semaphore(%arg28 : memref<!tpu.dma_semaphore, #tpu.memory_space<semaphore_mem>>)
      } else {
      }
      %mul3A_348 = arith.constant 16 : i32
      %mul3A_349 = arith.muli %add3A_324, %mul3A_348 : i32
      %add3A_350 = arith.addi %mul3A_349, %arg1 : i32
      %dma_wait3A_351 = arith.constant 0 : i32
      %dma_wait3A_352 = arith.constant 0 : i32
      %dma_wait3A_353 = tpu.memref_slice %arg11[%dma_wait3A_351, %dma_wait3A_352] : memref<2x64xi32, #tpu.memory_space<vmem>> -> memref<1x64xi32, #tpu.memory_space<vmem>>
      %dma_wait3A_354 = tpu.memref_squeeze %dma_wait3A_353 : memref<1x64xi32, #tpu.memory_space<vmem>> -> memref<64xi32, #tpu.memory_space<vmem>>
      %dma_wait3A_355 = arith.constant 0 : i32
      %dma_wait3A_356 = arith.constant 0 : i32
      %dma_wait3A_357 = tpu.memref_slice %arg2[%dma_wait3A_355, %dma_wait3A_356] : memref<10000x128xf32, #tpu.memory_space<hbm>> -> memref<10000x128xf32, #tpu.memory_space<hbm>>
      tpu.wait_indirect_dma semaphore(%arg24 : memref<!tpu.dma_semaphore, #tpu.memory_space<semaphore_mem>>) src(%dma_wait3A_357 : memref<10000x128xf32, #tpu.memory_space<hbm>>) dst(%arg14 : memref<64x128xf32, #tpu.memory_space<vmem>>)
      %dma_start3A_358 = arith.constant 1 : i32
      %dma_start3A_359 = arith.constant 0 : i32
      %dma_start3A_360 = tpu.memref_slice %arg11[%dma_start3A_358, %dma_start3A_359] : memref<2x64xi32, #tpu.memory_space<vmem>> -> memref<1x64xi32, #tpu.memory_space<vmem>>
      %dma_start3A_361 = tpu.memref_squeeze %dma_start3A_360 : memref<1x64xi32, #tpu.memory_space<vmem>> -> memref<64xi32, #tpu.memory_space<vmem>>
      %dma_start3A_362 = arith.constant 0 : i32
      %dma_start3A_363 = arith.constant 0 : i32
      %dma_start3A_364 = tpu.memref_slice %arg8[%dma_start3A_362, %dma_start3A_363] : memref<10112x128xf32, #tpu.memory_space<vmem_shared>> -> memref<10112x128xf32, #tpu.memory_space<vmem_shared>>
      tpu.enqueue_indirect_dma source(%arg14 : memref<64x128xf32, #tpu.memory_space<vmem>>) target(%dma_start3A_364 : memref<10112x128xf32, #tpu.memory_space<vmem_shared>>) offsets(%dma_start3A_361 : memref<64xi32, #tpu.memory_space<vmem>>) semaphore(%arg30 : memref<!tpu.dma_semaphore, #tpu.memory_space<semaphore_mem>>) {add = true}
      %dma_start3A_365 = arith.constant 1 : i32
      %dma_start3A_366 = arith.constant 0 : i32
      %dma_start3A_367 = tpu.memref_slice %arg11[%dma_start3A_365, %dma_start3A_366] : memref<2x64xi32, #tpu.memory_space<vmem>> -> memref<1x64xi32, #tpu.memory_space<vmem>>
      %dma_start3A_368 = tpu.memref_squeeze %dma_start3A_367 : memref<1x64xi32, #tpu.memory_space<vmem>> -> memref<64xi32, #tpu.memory_space<vmem>>
      %dma_start3A_369 = arith.constant 0 : i32
      %dma_start3A_370 = arith.constant 0 : i32
      %dma_start3A_371 = tpu.memref_slice %arg10[%dma_start3A_369, %dma_start3A_370] : memref<10112x16xf32, #tpu.memory_space<vmem_shared>> -> memref<10112x16xf32, #tpu.memory_space<vmem_shared>>
      tpu.enqueue_indirect_dma source(%arg20 : memref<64x16xf32, #tpu.memory_space<vmem>>) target(%dma_start3A_371 : memref<10112x16xf32, #tpu.memory_space<vmem_shared>>) offsets(%dma_start3A_368 : memref<64xi32, #tpu.memory_space<vmem>>) semaphore(%arg30 : memref<!tpu.dma_semaphore, #tpu.memory_space<semaphore_mem>>) {add = true}
      %mul3A_372 = arith.constant 64 : i32
      %mul3A_373 = arith.muli %add3A_350, %mul3A_372 : i32
      %multiple_of3A_374 = tpu.assume_multiple %mul3A_373, 64 : i32
      %dma_wait3A_375 = arith.constant 0 : i32
      %dma_wait3A_376 = arith.constant 0 : i32
      %dma_wait3A_377 = tpu.memref_slice %arg4[%add3A_6, %dma_wait3A_375, %dma_wait3A_376] : memref<4x80000x16xf32, #tpu.memory_space<hbm>> -> memref<1x80000x16xf32, #tpu.memory_space<hbm>>
      %dma_wait3A_378 = tpu.memref_squeeze %dma_wait3A_377 : memref<1x80000x16xf32, #tpu.memory_space<hbm>> -> memref<80000x16xf32, #tpu.memory_space<hbm>>
      %dma_wait3A_379 = arith.constant 0 : i32
      %dma_wait3A_380 = tpu.memref_slice %dma_wait3A_378[%multiple_of3A_374, %dma_wait3A_379] : memref<80000x16xf32, #tpu.memory_space<hbm>> -> memref<64x16xf32, #tpu.memory_space<hbm>>
      %dma_wait3A_381 = arith.constant 0 : i32
      %dma_wait3A_382 = arith.constant 0 : i32
      %dma_wait3A_383 = tpu.memref_slice %arg4[%add3A_6, %dma_wait3A_381, %dma_wait3A_382] : memref<4x80000x16xf32, #tpu.memory_space<hbm>> -> memref<1x80000x16xf32, #tpu.memory_space<hbm>>
      %dma_wait3A_384 = tpu.memref_squeeze %dma_wait3A_383 : memref<1x80000x16xf32, #tpu.memory_space<hbm>> -> memref<80000x16xf32, #tpu.memory_space<hbm>>
      %dma_wait3A_385 = arith.constant 0 : i32
      %dma_wait3A_386 = tpu.memref_slice %dma_wait3A_384[%multiple_of3A_374, %dma_wait3A_385] : memref<80000x16xf32, #tpu.memory_space<hbm>> -> memref<64x16xf32, #tpu.memory_space<hbm>>
      tpu.wait_dma2 semaphore(%arg27 : memref<!tpu.dma_semaphore, #tpu.memory_space<semaphore_mem>>) src(%dma_wait3A_386 : memref<64x16xf32, #tpu.memory_space<hbm>>) dst(%arg17 : memref<64x16xf32, #tpu.memory_space<vmem>>)
      %dma_start3A_387 = arith.constant 1 : i32
      %dma_start3A_388 = arith.constant 0 : i32
      %dma_start3A_389 = tpu.memref_slice %arg11[%dma_start3A_387, %dma_start3A_388] : memref<2x64xi32, #tpu.memory_space<vmem>> -> memref<1x64xi32, #tpu.memory_space<vmem>>
      %dma_start3A_390 = tpu.memref_squeeze %dma_start3A_389 : memref<1x64xi32, #tpu.memory_space<vmem>> -> memref<64xi32, #tpu.memory_space<vmem>>
      %dma_start3A_391 = arith.constant 0 : i32
      %dma_start3A_392 = arith.constant 0 : i32
      %dma_start3A_393 = tpu.memref_slice %arg9[%dma_start3A_391, %dma_start3A_392] : memref<10112x16xf32, #tpu.memory_space<vmem_shared>> -> memref<10112x16xf32, #tpu.memory_space<vmem_shared>>
      tpu.enqueue_indirect_dma source(%arg17 : memref<64x16xf32, #tpu.memory_space<vmem>>) target(%dma_start3A_393 : memref<10112x16xf32, #tpu.memory_space<vmem_shared>>) offsets(%dma_start3A_390 : memref<64xi32, #tpu.memory_space<vmem>>) semaphore(%arg30 : memref<!tpu.dma_semaphore, #tpu.memory_space<semaphore_mem>>) {add = true}
      %dma_wait3A_394 = arith.constant 1 : i32
      %dma_wait3A_395 = arith.constant 0 : i32
      %dma_wait3A_396 = tpu.memref_slice %arg11[%dma_wait3A_394, %dma_wait3A_395] : memref<2x64xi32, #tpu.memory_space<vmem>> -> memref<1x64xi32, #tpu.memory_space<vmem>>
      %dma_wait3A_397 = tpu.memref_squeeze %dma_wait3A_396 : memref<1x64xi32, #tpu.memory_space<vmem>> -> memref<64xi32, #tpu.memory_space<vmem>>
      %dma_wait3A_398 = arith.constant 0 : i32
      %dma_wait3A_399 = arith.constant 0 : i32
      %dma_wait3A_400 = tpu.memref_slice %arg9[%dma_wait3A_398, %dma_wait3A_399] : memref<10112x16xf32, #tpu.memory_space<vmem_shared>> -> memref<10112x16xf32, #tpu.memory_space<vmem_shared>>
      tpu.wait_indirect_dma semaphore(%arg30 : memref<!tpu.dma_semaphore, #tpu.memory_space<semaphore_mem>>) src(%arg17 : memref<64x16xf32, #tpu.memory_space<vmem>>) dst(%dma_wait3A_400 : memref<10112x16xf32, #tpu.memory_space<vmem_shared>>)
      %dma_wait3A_401 = arith.constant 1 : i32
      %dma_wait3A_402 = arith.constant 0 : i32
      %dma_wait3A_403 = tpu.memref_slice %arg11[%dma_wait3A_401, %dma_wait3A_402] : memref<2x64xi32, #tpu.memory_space<vmem>> -> memref<1x64xi32, #tpu.memory_space<vmem>>
      %dma_wait3A_404 = tpu.memref_squeeze %dma_wait3A_403 : memref<1x64xi32, #tpu.memory_space<vmem>> -> memref<64xi32, #tpu.memory_space<vmem>>
      %dma_wait3A_405 = arith.constant 0 : i32
      %dma_wait3A_406 = arith.constant 0 : i32
      %dma_wait3A_407 = tpu.memref_slice %arg8[%dma_wait3A_405, %dma_wait3A_406] : memref<10112x128xf32, #tpu.memory_space<vmem_shared>> -> memref<10112x128xf32, #tpu.memory_space<vmem_shared>>
      tpu.wait_indirect_dma semaphore(%arg30 : memref<!tpu.dma_semaphore, #tpu.memory_space<semaphore_mem>>) src(%arg14 : memref<64x128xf32, #tpu.memory_space<vmem>>) dst(%dma_wait3A_407 : memref<10112x128xf32, #tpu.memory_space<vmem_shared>>)
      %dma_wait3A_408 = arith.constant 1 : i32
      %dma_wait3A_409 = arith.constant 0 : i32
      %dma_wait3A_410 = tpu.memref_slice %arg11[%dma_wait3A_408, %dma_wait3A_409] : memref<2x64xi32, #tpu.memory_space<vmem>> -> memref<1x64xi32, #tpu.memory_space<vmem>>
      %dma_wait3A_411 = tpu.memref_squeeze %dma_wait3A_410 : memref<1x64xi32, #tpu.memory_space<vmem>> -> memref<64xi32, #tpu.memory_space<vmem>>
      %dma_wait3A_412 = arith.constant 0 : i32
      %dma_wait3A_413 = arith.constant 0 : i32
      %dma_wait3A_414 = tpu.memref_slice %arg10[%dma_wait3A_412, %dma_wait3A_413] : memref<10112x16xf32, #tpu.memory_space<vmem_shared>> -> memref<10112x16xf32, #tpu.memory_space<vmem_shared>>
      tpu.wait_indirect_dma semaphore(%arg30 : memref<!tpu.dma_semaphore, #tpu.memory_space<semaphore_mem>>) src(%arg20 : memref<64x16xf32, #tpu.memory_space<vmem>>) dst(%dma_wait3A_414 : memref<10112x16xf32, #tpu.memory_space<vmem_shared>>)
      %add3A_415 = arith.constant 3 : i32
      %add3A_416 = arith.addi %add3A_324, %add3A_415 : i32
      %lt3A_417 = arith.constant 78 : i32
      %lt3A_418 = arith.cmpi slt, %add3A_416, %lt3A_417 : i32
      %eq3A_419 = arith.constant 78 : i32
      %eq3A_420 = arith.cmpi eq, %add3A_416, %eq3A_419 : i32
      %lt3A_421 = arith.constant 2 : i32
      %lt3A_422 = arith.cmpi slt, %arg1, %lt3A_421 : i32
      %and3A_423 = arith.andi %eq3A_420, %lt3A_422 : i1
      %or3A_424 = arith.ori %lt3A_418, %and3A_423 : i1
      %convert_element_type3A_425 = arith.extui %or3A_424 : i1 to i32
      %cond3A_426 = arith.constant 0 : i32
      %cond3A_427 = arith.cmpi ne, %convert_element_type3A_425, %cond3A_426 : i32
      scf.if %cond3A_427 {
        %add3A_648 = arith.constant 3 : i32
        %add3A_649 = arith.addi %add3A_324, %add3A_648 : i32
        %mul3A_650 = arith.constant 16 : i32
        %mul3A_651 = arith.muli %add3A_649, %mul3A_650 : i32
        %add3A_652 = arith.addi %mul3A_651, %arg1 : i32
        %dma_start3A_653 = arith.constant 0 : i32
        %dma_start3A_654 = arith.constant 0 : i32
        %dma_start3A_655 = arith.constant 0 : i32
        %dma_start3A_656 = tpu.memref_slice %arg3[%add3A_6, %dma_start3A_653, %dma_start3A_654, %dma_start3A_655] : memref<4x1250x2x64xi32, #tpu.memory_space<hbm>> -> memref<1x1250x2x64xi32, #tpu.memory_space<hbm>>
        %dma_start3A_657 = tpu.memref_squeeze %dma_start3A_656 : memref<1x1250x2x64xi32, #tpu.memory_space<hbm>> -> memref<1250x2x64xi32, #tpu.memory_space<hbm>>
        %dma_start3A_658 = arith.constant 0 : i32
        %dma_start3A_659 = arith.constant 0 : i32
        %dma_start3A_660 = tpu.memref_slice %dma_start3A_657[%add3A_652, %dma_start3A_658, %dma_start3A_659] : memref<1250x2x64xi32, #tpu.memory_space<hbm>> -> memref<1x2x64xi32, #tpu.memory_space<hbm>>
        %dma_start3A_661 = tpu.memref_squeeze %dma_start3A_660 : memref<1x2x64xi32, #tpu.memory_space<hbm>> -> memref<2x64xi32, #tpu.memory_space<hbm>>
        %dma_start3A_662 = arith.constant 0 : i32
        %dma_start3A_663 = arith.constant 0 : i32
        %dma_start3A_664 = arith.constant 0 : i32
        %dma_start3A_665 = tpu.memref_slice %arg3[%add3A_6, %dma_start3A_662, %dma_start3A_663, %dma_start3A_664] : memref<4x1250x2x64xi32, #tpu.memory_space<hbm>> -> memref<1x1250x2x64xi32, #tpu.memory_space<hbm>>
        %dma_start3A_666 = tpu.memref_squeeze %dma_start3A_665 : memref<1x1250x2x64xi32, #tpu.memory_space<hbm>> -> memref<1250x2x64xi32, #tpu.memory_space<hbm>>
        %dma_start3A_667 = arith.constant 0 : i32
        %dma_start3A_668 = arith.constant 0 : i32
        %dma_start3A_669 = tpu.memref_slice %dma_start3A_666[%add3A_652, %dma_start3A_667, %dma_start3A_668] : memref<1250x2x64xi32, #tpu.memory_space<hbm>> -> memref<1x2x64xi32, #tpu.memory_space<hbm>>
        %dma_start3A_670 = tpu.memref_squeeze %dma_start3A_669 : memref<1x2x64xi32, #tpu.memory_space<hbm>> -> memref<2x64xi32, #tpu.memory_space<hbm>>
        tpu.enqueue_dma source(%dma_start3A_670 : memref<2x64xi32, #tpu.memory_space<hbm>>) target(%arg11 : memref<2x64xi32, #tpu.memory_space<vmem>>) target_semaphore(%arg21 : memref<!tpu.dma_semaphore, #tpu.memory_space<semaphore_mem>>)
      } else {
      }
      %mul3A_428 = arith.constant 3 : i32
      %mul3A_429 = arith.muli %mul3A_428, %scan3A_320 : i32
      %add3A_430 = arith.constant 1 : i32
      %add3A_431 = arith.addi %mul3A_429, %add3A_430 : i32
      %add3A_432 = arith.constant 2 : i32
      %add3A_433 = arith.addi %add3A_431, %add3A_432 : i32
      %lt3A_434 = arith.constant 78 : i32
      %lt3A_435 = arith.cmpi slt, %add3A_433, %lt3A_434 : i32
      %eq3A_436 = arith.constant 78 : i32
      %eq3A_437 = arith.cmpi eq, %add3A_433, %eq3A_436 : i32
      %lt3A_438 = arith.constant 2 : i32
      %lt3A_439 = arith.cmpi slt, %arg1, %lt3A_438 : i32
      %and3A_440 = arith.andi %eq3A_437, %lt3A_439 : i1
      %or3A_441 = arith.ori %lt3A_435, %and3A_440 : i1
      %convert_element_type3A_442 = arith.extui %or3A_441 : i1 to i32
      %cond3A_443 = arith.constant 0 : i32
      %cond3A_444 = arith.cmpi ne, %convert_element_type3A_442, %cond3A_443 : i32
      scf.if %cond3A_444 {
        %add3A_648 = arith.constant 2 : i32
        %add3A_649 = arith.addi %add3A_431, %add3A_648 : i32
        %mul3A_650 = arith.constant 16 : i32
        %mul3A_651 = arith.muli %add3A_649, %mul3A_650 : i32
        %add3A_652 = arith.addi %mul3A_651, %arg1 : i32
        %dma_wait3A_653 = arith.constant 0 : i32
        %dma_wait3A_654 = arith.constant 0 : i32
        %dma_wait3A_655 = arith.constant 0 : i32
        %dma_wait3A_656 = tpu.memref_slice %arg3[%add3A_6, %dma_wait3A_653, %dma_wait3A_654, %dma_wait3A_655] : memref<4x1250x2x64xi32, #tpu.memory_space<hbm>> -> memref<1x1250x2x64xi32, #tpu.memory_space<hbm>>
        %dma_wait3A_657 = tpu.memref_squeeze %dma_wait3A_656 : memref<1x1250x2x64xi32, #tpu.memory_space<hbm>> -> memref<1250x2x64xi32, #tpu.memory_space<hbm>>
        %dma_wait3A_658 = arith.constant 0 : i32
        %dma_wait3A_659 = arith.constant 0 : i32
        %dma_wait3A_660 = tpu.memref_slice %dma_wait3A_657[%add3A_652, %dma_wait3A_658, %dma_wait3A_659] : memref<1250x2x64xi32, #tpu.memory_space<hbm>> -> memref<1x2x64xi32, #tpu.memory_space<hbm>>
        %dma_wait3A_661 = tpu.memref_squeeze %dma_wait3A_660 : memref<1x2x64xi32, #tpu.memory_space<hbm>> -> memref<2x64xi32, #tpu.memory_space<hbm>>
        %dma_wait3A_662 = arith.constant 0 : i32
        %dma_wait3A_663 = arith.constant 0 : i32
        %dma_wait3A_664 = arith.constant 0 : i32
        %dma_wait3A_665 = tpu.memref_slice %arg3[%add3A_6, %dma_wait3A_662, %dma_wait3A_663, %dma_wait3A_664] : memref<4x1250x2x64xi32, #tpu.memory_space<hbm>> -> memref<1x1250x2x64xi32, #tpu.memory_space<hbm>>
        %dma_wait3A_666 = tpu.memref_squeeze %dma_wait3A_665 : memref<1x1250x2x64xi32, #tpu.memory_space<hbm>> -> memref<1250x2x64xi32, #tpu.memory_space<hbm>>
        %dma_wait3A_667 = arith.constant 0 : i32
        %dma_wait3A_668 = arith.constant 0 : i32
        %dma_wait3A_669 = tpu.memref_slice %dma_wait3A_666[%add3A_652, %dma_wait3A_667, %dma_wait3A_668] : memref<1250x2x64xi32, #tpu.memory_space<hbm>> -> memref<1x2x64xi32, #tpu.memory_space<hbm>>
        %dma_wait3A_670 = tpu.memref_squeeze %dma_wait3A_669 : memref<1x2x64xi32, #tpu.memory_space<hbm>> -> memref<2x64xi32, #tpu.memory_space<hbm>>
        tpu.wait_dma2 semaphore(%arg21 : memref<!tpu.dma_semaphore, #tpu.memory_space<semaphore_mem>>) src(%dma_wait3A_670 : memref<2x64xi32, #tpu.memory_space<hbm>>) dst(%arg11 : memref<2x64xi32, #tpu.memory_space<vmem>>)
        %dma_start3A_671 = arith.constant 0 : i32
        %dma_start3A_672 = arith.constant 0 : i32
        %dma_start3A_673 = tpu.memref_slice %arg11[%dma_start3A_671, %dma_start3A_672] : memref<2x64xi32, #tpu.memory_space<vmem>> -> memref<1x64xi32, #tpu.memory_space<vmem>>
        %dma_start3A_674 = tpu.memref_squeeze %dma_start3A_673 : memref<1x64xi32, #tpu.memory_space<vmem>> -> memref<64xi32, #tpu.memory_space<vmem>>
        %dma_start3A_675 = arith.constant 0 : i32
        %dma_start3A_676 = arith.constant 0 : i32
        %dma_start3A_677 = tpu.memref_slice %arg2[%dma_start3A_675, %dma_start3A_676] : memref<10000x128xf32, #tpu.memory_space<hbm>> -> memref<10000x128xf32, #tpu.memory_space<hbm>>
        tpu.enqueue_indirect_dma source(%dma_start3A_677 : memref<10000x128xf32, #tpu.memory_space<hbm>>) target(%arg14 : memref<64x128xf32, #tpu.memory_space<vmem>>) offsets(%dma_start3A_674 : memref<64xi32, #tpu.memory_space<vmem>>) semaphore(%arg24 : memref<!tpu.dma_semaphore, #tpu.memory_space<semaphore_mem>>)
      } else {
      }
      %add3A_445 = arith.constant 1 : i32
      %add3A_446 = arith.addi %add3A_431, %add3A_445 : i32
      %lt3A_447 = arith.constant 78 : i32
      %lt3A_448 = arith.cmpi slt, %add3A_446, %lt3A_447 : i32
      %eq3A_449 = arith.constant 78 : i32
      %eq3A_450 = arith.cmpi eq, %add3A_446, %eq3A_449 : i32
      %lt3A_451 = arith.constant 2 : i32
      %lt3A_452 = arith.cmpi slt, %arg1, %lt3A_451 : i32
      %and3A_453 = arith.andi %eq3A_450, %lt3A_452 : i1
      %or3A_454 = arith.ori %lt3A_448, %and3A_453 : i1
      %convert_element_type3A_455 = arith.extui %or3A_454 : i1 to i32
      %cond3A_456 = arith.constant 0 : i32
      %cond3A_457 = arith.cmpi ne, %convert_element_type3A_455, %cond3A_456 : i32
      scf.if %cond3A_457 {
        %add3A_648 = arith.constant 1 : i32
        %add3A_649 = arith.addi %add3A_431, %add3A_648 : i32
        %mul3A_650 = arith.constant 16 : i32
        %mul3A_651 = arith.muli %add3A_649, %mul3A_650 : i32
        %add3A_652 = arith.addi %mul3A_651, %arg1 : i32
        %mul3A_653 = arith.constant 64 : i32
        %mul3A_654 = arith.muli %add3A_652, %mul3A_653 : i32
        %multiple_of3A_655 = tpu.assume_multiple %mul3A_654, 64 : i32
        %dma_start3A_656 = arith.constant 0 : i32
        %dma_start3A_657 = arith.constant 0 : i32
        %dma_start3A_658 = tpu.memref_slice %arg4[%add3A_6, %dma_start3A_656, %dma_start3A_657] : memref<4x80000x16xf32, #tpu.memory_space<hbm>> -> memref<1x80000x16xf32, #tpu.memory_space<hbm>>
        %dma_start3A_659 = tpu.memref_squeeze %dma_start3A_658 : memref<1x80000x16xf32, #tpu.memory_space<hbm>> -> memref<80000x16xf32, #tpu.memory_space<hbm>>
        %dma_start3A_660 = arith.constant 0 : i32
        %dma_start3A_661 = tpu.memref_slice %dma_start3A_659[%multiple_of3A_655, %dma_start3A_660] : memref<80000x16xf32, #tpu.memory_space<hbm>> -> memref<64x16xf32, #tpu.memory_space<hbm>>
        %dma_start3A_662 = arith.constant 0 : i32
        %dma_start3A_663 = arith.constant 0 : i32
        %dma_start3A_664 = tpu.memref_slice %arg4[%add3A_6, %dma_start3A_662, %dma_start3A_663] : memref<4x80000x16xf32, #tpu.memory_space<hbm>> -> memref<1x80000x16xf32, #tpu.memory_space<hbm>>
        %dma_start3A_665 = tpu.memref_squeeze %dma_start3A_664 : memref<1x80000x16xf32, #tpu.memory_space<hbm>> -> memref<80000x16xf32, #tpu.memory_space<hbm>>
        %dma_start3A_666 = arith.constant 0 : i32
        %dma_start3A_667 = tpu.memref_slice %dma_start3A_665[%multiple_of3A_655, %dma_start3A_666] : memref<80000x16xf32, #tpu.memory_space<hbm>> -> memref<64x16xf32, #tpu.memory_space<hbm>>
        tpu.enqueue_dma source(%dma_start3A_667 : memref<64x16xf32, #tpu.memory_space<hbm>>) target(%arg19 : memref<64x16xf32, #tpu.memory_space<vmem>>) target_semaphore(%arg29 : memref<!tpu.dma_semaphore, #tpu.memory_space<semaphore_mem>>)
      } else {
      }
      %mul3A_458 = arith.constant 16 : i32
      %mul3A_459 = arith.muli %add3A_431, %mul3A_458 : i32
      %add3A_460 = arith.addi %mul3A_459, %arg1 : i32
      %dma_wait3A_461 = arith.constant 0 : i32
      %dma_wait3A_462 = arith.constant 0 : i32
      %dma_wait3A_463 = tpu.memref_slice %arg12[%dma_wait3A_461, %dma_wait3A_462] : memref<2x64xi32, #tpu.memory_space<vmem>> -> memref<1x64xi32, #tpu.memory_space<vmem>>
      %dma_wait3A_464 = tpu.memref_squeeze %dma_wait3A_463 : memref<1x64xi32, #tpu.memory_space<vmem>> -> memref<64xi32, #tpu.memory_space<vmem>>
      %dma_wait3A_465 = arith.constant 0 : i32
      %dma_wait3A_466 = arith.constant 0 : i32
      %dma_wait3A_467 = tpu.memref_slice %arg2[%dma_wait3A_465, %dma_wait3A_466] : memref<10000x128xf32, #tpu.memory_space<hbm>> -> memref<10000x128xf32, #tpu.memory_space<hbm>>
      tpu.wait_indirect_dma semaphore(%arg25 : memref<!tpu.dma_semaphore, #tpu.memory_space<semaphore_mem>>) src(%dma_wait3A_467 : memref<10000x128xf32, #tpu.memory_space<hbm>>) dst(%arg15 : memref<64x128xf32, #tpu.memory_space<vmem>>)
      %dma_start3A_468 = arith.constant 1 : i32
      %dma_start3A_469 = arith.constant 0 : i32
      %dma_start3A_470 = tpu.memref_slice %arg12[%dma_start3A_468, %dma_start3A_469] : memref<2x64xi32, #tpu.memory_space<vmem>> -> memref<1x64xi32, #tpu.memory_space<vmem>>
      %dma_start3A_471 = tpu.memref_squeeze %dma_start3A_470 : memref<1x64xi32, #tpu.memory_space<vmem>> -> memref<64xi32, #tpu.memory_space<vmem>>
      %dma_start3A_472 = arith.constant 0 : i32
      %dma_start3A_473 = arith.constant 0 : i32
      %dma_start3A_474 = tpu.memref_slice %arg8[%dma_start3A_472, %dma_start3A_473] : memref<10112x128xf32, #tpu.memory_space<vmem_shared>> -> memref<10112x128xf32, #tpu.memory_space<vmem_shared>>
      tpu.enqueue_indirect_dma source(%arg15 : memref<64x128xf32, #tpu.memory_space<vmem>>) target(%dma_start3A_474 : memref<10112x128xf32, #tpu.memory_space<vmem_shared>>) offsets(%dma_start3A_471 : memref<64xi32, #tpu.memory_space<vmem>>) semaphore(%arg30 : memref<!tpu.dma_semaphore, #tpu.memory_space<semaphore_mem>>) {add = true}
      %dma_start3A_475 = arith.constant 1 : i32
      %dma_start3A_476 = arith.constant 0 : i32
      %dma_start3A_477 = tpu.memref_slice %arg12[%dma_start3A_475, %dma_start3A_476] : memref<2x64xi32, #tpu.memory_space<vmem>> -> memref<1x64xi32, #tpu.memory_space<vmem>>
      %dma_start3A_478 = tpu.memref_squeeze %dma_start3A_477 : memref<1x64xi32, #tpu.memory_space<vmem>> -> memref<64xi32, #tpu.memory_space<vmem>>
      %dma_start3A_479 = arith.constant 0 : i32
      %dma_start3A_480 = arith.constant 0 : i32
      %dma_start3A_481 = tpu.memref_slice %arg10[%dma_start3A_479, %dma_start3A_480] : memref<10112x16xf32, #tpu.memory_space<vmem_shared>> -> memref<10112x16xf32, #tpu.memory_space<vmem_shared>>
      tpu.enqueue_indirect_dma source(%arg20 : memref<64x16xf32, #tpu.memory_space<vmem>>) target(%dma_start3A_481 : memref<10112x16xf32, #tpu.memory_space<vmem_shared>>) offsets(%dma_start3A_478 : memref<64xi32, #tpu.memory_space<vmem>>) semaphore(%arg30 : memref<!tpu.dma_semaphore, #tpu.memory_space<semaphore_mem>>) {add = true}
      %mul3A_482 = arith.constant 64 : i32
      %mul3A_483 = arith.muli %add3A_460, %mul3A_482 : i32
      %multiple_of3A_484 = tpu.assume_multiple %mul3A_483, 64 : i32
      %dma_wait3A_485 = arith.constant 0 : i32
      %dma_wait3A_486 = arith.constant 0 : i32
      %dma_wait3A_487 = tpu.memref_slice %arg4[%add3A_6, %dma_wait3A_485, %dma_wait3A_486] : memref<4x80000x16xf32, #tpu.memory_space<hbm>> -> memref<1x80000x16xf32, #tpu.memory_space<hbm>>
      %dma_wait3A_488 = tpu.memref_squeeze %dma_wait3A_487 : memref<1x80000x16xf32, #tpu.memory_space<hbm>> -> memref<80000x16xf32, #tpu.memory_space<hbm>>
      %dma_wait3A_489 = arith.constant 0 : i32
      %dma_wait3A_490 = tpu.memref_slice %dma_wait3A_488[%multiple_of3A_484, %dma_wait3A_489] : memref<80000x16xf32, #tpu.memory_space<hbm>> -> memref<64x16xf32, #tpu.memory_space<hbm>>
      %dma_wait3A_491 = arith.constant 0 : i32
      %dma_wait3A_492 = arith.constant 0 : i32
      %dma_wait3A_493 = tpu.memref_slice %arg4[%add3A_6, %dma_wait3A_491, %dma_wait3A_492] : memref<4x80000x16xf32, #tpu.memory_space<hbm>> -> memref<1x80000x16xf32, #tpu.memory_space<hbm>>
      %dma_wait3A_494 = tpu.memref_squeeze %dma_wait3A_493 : memref<1x80000x16xf32, #tpu.memory_space<hbm>> -> memref<80000x16xf32, #tpu.memory_space<hbm>>
      %dma_wait3A_495 = arith.constant 0 : i32
      %dma_wait3A_496 = tpu.memref_slice %dma_wait3A_494[%multiple_of3A_484, %dma_wait3A_495] : memref<80000x16xf32, #tpu.memory_space<hbm>> -> memref<64x16xf32, #tpu.memory_space<hbm>>
      tpu.wait_dma2 semaphore(%arg28 : memref<!tpu.dma_semaphore, #tpu.memory_space<semaphore_mem>>) src(%dma_wait3A_496 : memref<64x16xf32, #tpu.memory_space<hbm>>) dst(%arg18 : memref<64x16xf32, #tpu.memory_space<vmem>>)
      %dma_start3A_497 = arith.constant 1 : i32
      %dma_start3A_498 = arith.constant 0 : i32
      %dma_start3A_499 = tpu.memref_slice %arg12[%dma_start3A_497, %dma_start3A_498] : memref<2x64xi32, #tpu.memory_space<vmem>> -> memref<1x64xi32, #tpu.memory_space<vmem>>
      %dma_start3A_500 = tpu.memref_squeeze %dma_start3A_499 : memref<1x64xi32, #tpu.memory_space<vmem>> -> memref<64xi32, #tpu.memory_space<vmem>>
      %dma_start3A_501 = arith.constant 0 : i32
      %dma_start3A_502 = arith.constant 0 : i32
      %dma_start3A_503 = tpu.memref_slice %arg9[%dma_start3A_501, %dma_start3A_502] : memref<10112x16xf32, #tpu.memory_space<vmem_shared>> -> memref<10112x16xf32, #tpu.memory_space<vmem_shared>>
      tpu.enqueue_indirect_dma source(%arg18 : memref<64x16xf32, #tpu.memory_space<vmem>>) target(%dma_start3A_503 : memref<10112x16xf32, #tpu.memory_space<vmem_shared>>) offsets(%dma_start3A_500 : memref<64xi32, #tpu.memory_space<vmem>>) semaphore(%arg30 : memref<!tpu.dma_semaphore, #tpu.memory_space<semaphore_mem>>) {add = true}
      %dma_wait3A_504 = arith.constant 1 : i32
      %dma_wait3A_505 = arith.constant 0 : i32
      %dma_wait3A_506 = tpu.memref_slice %arg12[%dma_wait3A_504, %dma_wait3A_505] : memref<2x64xi32, #tpu.memory_space<vmem>> -> memref<1x64xi32, #tpu.memory_space<vmem>>
      %dma_wait3A_507 = tpu.memref_squeeze %dma_wait3A_506 : memref<1x64xi32, #tpu.memory_space<vmem>> -> memref<64xi32, #tpu.memory_space<vmem>>
      %dma_wait3A_508 = arith.constant 0 : i32
      %dma_wait3A_509 = arith.constant 0 : i32
      %dma_wait3A_510 = tpu.memref_slice %arg9[%dma_wait3A_508, %dma_wait3A_509] : memref<10112x16xf32, #tpu.memory_space<vmem_shared>> -> memref<10112x16xf32, #tpu.memory_space<vmem_shared>>
      tpu.wait_indirect_dma semaphore(%arg30 : memref<!tpu.dma_semaphore, #tpu.memory_space<semaphore_mem>>) src(%arg18 : memref<64x16xf32, #tpu.memory_space<vmem>>) dst(%dma_wait3A_510 : memref<10112x16xf32, #tpu.memory_space<vmem_shared>>)
      %dma_wait3A_511 = arith.constant 1 : i32
      %dma_wait3A_512 = arith.constant 0 : i32
      %dma_wait3A_513 = tpu.memref_slice %arg12[%dma_wait3A_511, %dma_wait3A_512] : memref<2x64xi32, #tpu.memory_space<vmem>> -> memref<1x64xi32, #tpu.memory_space<vmem>>
      %dma_wait3A_514 = tpu.memref_squeeze %dma_wait3A_513 : memref<1x64xi32, #tpu.memory_space<vmem>> -> memref<64xi32, #tpu.memory_space<vmem>>
      %dma_wait3A_515 = arith.constant 0 : i32
      %dma_wait3A_516 = arith.constant 0 : i32
      %dma_wait3A_517 = tpu.memref_slice %arg8[%dma_wait3A_515, %dma_wait3A_516] : memref<10112x128xf32, #tpu.memory_space<vmem_shared>> -> memref<10112x128xf32, #tpu.memory_space<vmem_shared>>
      tpu.wait_indirect_dma semaphore(%arg30 : memref<!tpu.dma_semaphore, #tpu.memory_space<semaphore_mem>>) src(%arg15 : memref<64x128xf32, #tpu.memory_space<vmem>>) dst(%dma_wait3A_517 : memref<10112x128xf32, #tpu.memory_space<vmem_shared>>)
      %dma_wait3A_518 = arith.constant 1 : i32
      %dma_wait3A_519 = arith.constant 0 : i32
      %dma_wait3A_520 = tpu.memref_slice %arg12[%dma_wait3A_518, %dma_wait3A_519] : memref<2x64xi32, #tpu.memory_space<vmem>> -> memref<1x64xi32, #tpu.memory_space<vmem>>
      %dma_wait3A_521 = tpu.memref_squeeze %dma_wait3A_520 : memref<1x64xi32, #tpu.memory_space<vmem>> -> memref<64xi32, #tpu.memory_space<vmem>>
      %dma_wait3A_522 = arith.constant 0 : i32
      %dma_wait3A_523 = arith.constant 0 : i32
      %dma_wait3A_524 = tpu.memref_slice %arg10[%dma_wait3A_522, %dma_wait3A_523] : memref<10112x16xf32, #tpu.memory_space<vmem_shared>> -> memref<10112x16xf32, #tpu.memory_space<vmem_shared>>
      tpu.wait_indirect_dma semaphore(%arg30 : memref<!tpu.dma_semaphore, #tpu.memory_space<semaphore_mem>>) src(%arg20 : memref<64x16xf32, #tpu.memory_space<vmem>>) dst(%dma_wait3A_524 : memref<10112x16xf32, #tpu.memory_space<vmem_shared>>)
      %add3A_525 = arith.constant 3 : i32
      %add3A_526 = arith.addi %add3A_431, %add3A_525 : i32
      %lt3A_527 = arith.constant 78 : i32
      %lt3A_528 = arith.cmpi slt, %add3A_526, %lt3A_527 : i32
      %eq3A_529 = arith.constant 78 : i32
      %eq3A_530 = arith.cmpi eq, %add3A_526, %eq3A_529 : i32
      %lt3A_531 = arith.constant 2 : i32
      %lt3A_532 = arith.cmpi slt, %arg1, %lt3A_531 : i32
      %and3A_533 = arith.andi %eq3A_530, %lt3A_532 : i1
      %or3A_534 = arith.ori %lt3A_528, %and3A_533 : i1
      %convert_element_type3A_535 = arith.extui %or3A_534 : i1 to i32
      %cond3A_536 = arith.constant 0 : i32
      %cond3A_537 = arith.cmpi ne, %convert_element_type3A_535, %cond3A_536 : i32
      scf.if %cond3A_537 {
        %add3A_648 = arith.constant 3 : i32
        %add3A_649 = arith.addi %add3A_431, %add3A_648 : i32
        %mul3A_650 = arith.constant 16 : i32
        %mul3A_651 = arith.muli %add3A_649, %mul3A_650 : i32
        %add3A_652 = arith.addi %mul3A_651, %arg1 : i32
        %dma_start3A_653 = arith.constant 0 : i32
        %dma_start3A_654 = arith.constant 0 : i32
        %dma_start3A_655 = arith.constant 0 : i32
        %dma_start3A_656 = tpu.memref_slice %arg3[%add3A_6, %dma_start3A_653, %dma_start3A_654, %dma_start3A_655] : memref<4x1250x2x64xi32, #tpu.memory_space<hbm>> -> memref<1x1250x2x64xi32, #tpu.memory_space<hbm>>
        %dma_start3A_657 = tpu.memref_squeeze %dma_start3A_656 : memref<1x1250x2x64xi32, #tpu.memory_space<hbm>> -> memref<1250x2x64xi32, #tpu.memory_space<hbm>>
        %dma_start3A_658 = arith.constant 0 : i32
        %dma_start3A_659 = arith.constant 0 : i32
        %dma_start3A_660 = tpu.memref_slice %dma_start3A_657[%add3A_652, %dma_start3A_658, %dma_start3A_659] : memref<1250x2x64xi32, #tpu.memory_space<hbm>> -> memref<1x2x64xi32, #tpu.memory_space<hbm>>
        %dma_start3A_661 = tpu.memref_squeeze %dma_start3A_660 : memref<1x2x64xi32, #tpu.memory_space<hbm>> -> memref<2x64xi32, #tpu.memory_space<hbm>>
        %dma_start3A_662 = arith.constant 0 : i32
        %dma_start3A_663 = arith.constant 0 : i32
        %dma_start3A_664 = arith.constant 0 : i32
        %dma_start3A_665 = tpu.memref_slice %arg3[%add3A_6, %dma_start3A_662, %dma_start3A_663, %dma_start3A_664] : memref<4x1250x2x64xi32, #tpu.memory_space<hbm>> -> memref<1x1250x2x64xi32, #tpu.memory_space<hbm>>
        %dma_start3A_666 = tpu.memref_squeeze %dma_start3A_665 : memref<1x1250x2x64xi32, #tpu.memory_space<hbm>> -> memref<1250x2x64xi32, #tpu.memory_space<hbm>>
        %dma_start3A_667 = arith.constant 0 : i32
        %dma_start3A_668 = arith.constant 0 : i32
        %dma_start3A_669 = tpu.memref_slice %dma_start3A_666[%add3A_652, %dma_start3A_667, %dma_start3A_668] : memref<1250x2x64xi32, #tpu.memory_space<hbm>> -> memref<1x2x64xi32, #tpu.memory_space<hbm>>
        %dma_start3A_670 = tpu.memref_squeeze %dma_start3A_669 : memref<1x2x64xi32, #tpu.memory_space<hbm>> -> memref<2x64xi32, #tpu.memory_space<hbm>>
        tpu.enqueue_dma source(%dma_start3A_670 : memref<2x64xi32, #tpu.memory_space<hbm>>) target(%arg12 : memref<2x64xi32, #tpu.memory_space<vmem>>) target_semaphore(%arg22 : memref<!tpu.dma_semaphore, #tpu.memory_space<semaphore_mem>>)
      } else {
      }
      %mul3A_538 = arith.constant 3 : i32
      %mul3A_539 = arith.muli %mul3A_538, %scan3A_320 : i32
      %add3A_540 = arith.constant 2 : i32
      %add3A_541 = arith.addi %mul3A_539, %add3A_540 : i32
      %add3A_542 = arith.constant 2 : i32
      %add3A_543 = arith.addi %add3A_541, %add3A_542 : i32
      %lt3A_544 = arith.constant 78 : i32
      %lt3A_545 = arith.cmpi slt, %add3A_543, %lt3A_544 : i32
      %eq3A_546 = arith.constant 78 : i32
      %eq3A_547 = arith.cmpi eq, %add3A_543, %eq3A_546 : i32
      %lt3A_548 = arith.constant 2 : i32
      %lt3A_549 = arith.cmpi slt, %arg1, %lt3A_548 : i32
      %and3A_550 = arith.andi %eq3A_547, %lt3A_549 : i1
      %or3A_551 = arith.ori %lt3A_545, %and3A_550 : i1
      %convert_element_type3A_552 = arith.extui %or3A_551 : i1 to i32
      %cond3A_553 = arith.constant 0 : i32
      %cond3A_554 = arith.cmpi ne, %convert_element_type3A_552, %cond3A_553 : i32
      scf.if %cond3A_554 {
        %add3A_648 = arith.constant 2 : i32
        %add3A_649 = arith.addi %add3A_541, %add3A_648 : i32
        %mul3A_650 = arith.constant 16 : i32
        %mul3A_651 = arith.muli %add3A_649, %mul3A_650 : i32
        %add3A_652 = arith.addi %mul3A_651, %arg1 : i32
        %dma_wait3A_653 = arith.constant 0 : i32
        %dma_wait3A_654 = arith.constant 0 : i32
        %dma_wait3A_655 = arith.constant 0 : i32
        %dma_wait3A_656 = tpu.memref_slice %arg3[%add3A_6, %dma_wait3A_653, %dma_wait3A_654, %dma_wait3A_655] : memref<4x1250x2x64xi32, #tpu.memory_space<hbm>> -> memref<1x1250x2x64xi32, #tpu.memory_space<hbm>>
        %dma_wait3A_657 = tpu.memref_squeeze %dma_wait3A_656 : memref<1x1250x2x64xi32, #tpu.memory_space<hbm>> -> memref<1250x2x64xi32, #tpu.memory_space<hbm>>
        %dma_wait3A_658 = arith.constant 0 : i32
        %dma_wait3A_659 = arith.constant 0 : i32
        %dma_wait3A_660 = tpu.memref_slice %dma_wait3A_657[%add3A_652, %dma_wait3A_658, %dma_wait3A_659] : memref<1250x2x64xi32, #tpu.memory_space<hbm>> -> memref<1x2x64xi32, #tpu.memory_space<hbm>>
        %dma_wait3A_661 = tpu.memref_squeeze %dma_wait3A_660 : memref<1x2x64xi32, #tpu.memory_space<hbm>> -> memref<2x64xi32, #tpu.memory_space<hbm>>
        %dma_wait3A_662 = arith.constant 0 : i32
        %dma_wait3A_663 = arith.constant 0 : i32
        %dma_wait3A_664 = arith.constant 0 : i32
        %dma_wait3A_665 = tpu.memref_slice %arg3[%add3A_6, %dma_wait3A_662, %dma_wait3A_663, %dma_wait3A_664] : memref<4x1250x2x64xi32, #tpu.memory_space<hbm>> -> memref<1x1250x2x64xi32, #tpu.memory_space<hbm>>
        %dma_wait3A_666 = tpu.memref_squeeze %dma_wait3A_665 : memref<1x1250x2x64xi32, #tpu.memory_space<hbm>> -> memref<1250x2x64xi32, #tpu.memory_space<hbm>>
        %dma_wait3A_667 = arith.constant 0 : i32
        %dma_wait3A_668 = arith.constant 0 : i32
        %dma_wait3A_669 = tpu.memref_slice %dma_wait3A_666[%add3A_652, %dma_wait3A_667, %dma_wait3A_668] : memref<1250x2x64xi32, #tpu.memory_space<hbm>> -> memref<1x2x64xi32, #tpu.memory_space<hbm>>
        %dma_wait3A_670 = tpu.memref_squeeze %dma_wait3A_669 : memref<1x2x64xi32, #tpu.memory_space<hbm>> -> memref<2x64xi32, #tpu.memory_space<hbm>>
        tpu.wait_dma2 semaphore(%arg22 : memref<!tpu.dma_semaphore, #tpu.memory_space<semaphore_mem>>) src(%dma_wait3A_670 : memref<2x64xi32, #tpu.memory_space<hbm>>) dst(%arg12 : memref<2x64xi32, #tpu.memory_space<vmem>>)
        %dma_start3A_671 = arith.constant 0 : i32
        %dma_start3A_672 = arith.constant 0 : i32
        %dma_start3A_673 = tpu.memref_slice %arg12[%dma_start3A_671, %dma_start3A_672] : memref<2x64xi32, #tpu.memory_space<vmem>> -> memref<1x64xi32, #tpu.memory_space<vmem>>
        %dma_start3A_674 = tpu.memref_squeeze %dma_start3A_673 : memref<1x64xi32, #tpu.memory_space<vmem>> -> memref<64xi32, #tpu.memory_space<vmem>>
        %dma_start3A_675 = arith.constant 0 : i32
        %dma_start3A_676 = arith.constant 0 : i32
        %dma_start3A_677 = tpu.memref_slice %arg2[%dma_start3A_675, %dma_start3A_676] : memref<10000x128xf32, #tpu.memory_space<hbm>> -> memref<10000x128xf32, #tpu.memory_space<hbm>>
        tpu.enqueue_indirect_dma source(%dma_start3A_677 : memref<10000x128xf32, #tpu.memory_space<hbm>>) target(%arg15 : memref<64x128xf32, #tpu.memory_space<vmem>>) offsets(%dma_start3A_674 : memref<64xi32, #tpu.memory_space<vmem>>) semaphore(%arg25 : memref<!tpu.dma_semaphore, #tpu.memory_space<semaphore_mem>>)
      } else {
      }
      %add3A_555 = arith.constant 1 : i32
      %add3A_556 = arith.addi %add3A_541, %add3A_555 : i32
      %lt3A_557 = arith.constant 78 : i32
      %lt3A_558 = arith.cmpi slt, %add3A_556, %lt3A_557 : i32
      %eq3A_559 = arith.constant 78 : i32
      %eq3A_560 = arith.cmpi eq, %add3A_556, %eq3A_559 : i32
      %lt3A_561 = arith.constant 2 : i32
      %lt3A_562 = arith.cmpi slt, %arg1, %lt3A_561 : i32
      %and3A_563 = arith.andi %eq3A_560, %lt3A_562 : i1
      %or3A_564 = arith.ori %lt3A_558, %and3A_563 : i1
      %convert_element_type3A_565 = arith.extui %or3A_564 : i1 to i32
      %cond3A_566 = arith.constant 0 : i32
      %cond3A_567 = arith.cmpi ne, %convert_element_type3A_565, %cond3A_566 : i32
      scf.if %cond3A_567 {
        %add3A_648 = arith.constant 1 : i32
        %add3A_649 = arith.addi %add3A_541, %add3A_648 : i32
        %mul3A_650 = arith.constant 16 : i32
        %mul3A_651 = arith.muli %add3A_649, %mul3A_650 : i32
        %add3A_652 = arith.addi %mul3A_651, %arg1 : i32
        %mul3A_653 = arith.constant 64 : i32
        %mul3A_654 = arith.muli %add3A_652, %mul3A_653 : i32
        %multiple_of3A_655 = tpu.assume_multiple %mul3A_654, 64 : i32
        %dma_start3A_656 = arith.constant 0 : i32
        %dma_start3A_657 = arith.constant 0 : i32
        %dma_start3A_658 = tpu.memref_slice %arg4[%add3A_6, %dma_start3A_656, %dma_start3A_657] : memref<4x80000x16xf32, #tpu.memory_space<hbm>> -> memref<1x80000x16xf32, #tpu.memory_space<hbm>>
        %dma_start3A_659 = tpu.memref_squeeze %dma_start3A_658 : memref<1x80000x16xf32, #tpu.memory_space<hbm>> -> memref<80000x16xf32, #tpu.memory_space<hbm>>
        %dma_start3A_660 = arith.constant 0 : i32
        %dma_start3A_661 = tpu.memref_slice %dma_start3A_659[%multiple_of3A_655, %dma_start3A_660] : memref<80000x16xf32, #tpu.memory_space<hbm>> -> memref<64x16xf32, #tpu.memory_space<hbm>>
        %dma_start3A_662 = arith.constant 0 : i32
        %dma_start3A_663 = arith.constant 0 : i32
        %dma_start3A_664 = tpu.memref_slice %arg4[%add3A_6, %dma_start3A_662, %dma_start3A_663] : memref<4x80000x16xf32, #tpu.memory_space<hbm>> -> memref<1x80000x16xf32, #tpu.memory_space<hbm>>
        %dma_start3A_665 = tpu.memref_squeeze %dma_start3A_664 : memref<1x80000x16xf32, #tpu.memory_space<hbm>> -> memref<80000x16xf32, #tpu.memory_space<hbm>>
        %dma_start3A_666 = arith.constant 0 : i32
        %dma_start3A_667 = tpu.memref_slice %dma_start3A_665[%multiple_of3A_655, %dma_start3A_666] : memref<80000x16xf32, #tpu.memory_space<hbm>> -> memref<64x16xf32, #tpu.memory_space<hbm>>
        tpu.enqueue_dma source(%dma_start3A_667 : memref<64x16xf32, #tpu.memory_space<hbm>>) target(%arg17 : memref<64x16xf32, #tpu.memory_space<vmem>>) target_semaphore(%arg27 : memref<!tpu.dma_semaphore, #tpu.memory_space<semaphore_mem>>)
      } else {
      }
      %mul3A_568 = arith.constant 16 : i32
      %mul3A_569 = arith.muli %add3A_541, %mul3A_568 : i32
      %add3A_570 = arith.addi %mul3A_569, %arg1 : i32
      %dma_wait3A_571 = arith.constant 0 : i32
      %dma_wait3A_572 = arith.constant 0 : i32
      %dma_wait3A_573 = tpu.memref_slice %arg13[%dma_wait3A_571, %dma_wait3A_572] : memref<2x64xi32, #tpu.memory_space<vmem>> -> memref<1x64xi32, #tpu.memory_space<vmem>>
      %dma_wait3A_574 = tpu.memref_squeeze %dma_wait3A_573 : memref<1x64xi32, #tpu.memory_space<vmem>> -> memref<64xi32, #tpu.memory_space<vmem>>
      %dma_wait3A_575 = arith.constant 0 : i32
      %dma_wait3A_576 = arith.constant 0 : i32
      %dma_wait3A_577 = tpu.memref_slice %arg2[%dma_wait3A_575, %dma_wait3A_576] : memref<10000x128xf32, #tpu.memory_space<hbm>> -> memref<10000x128xf32, #tpu.memory_space<hbm>>
      tpu.wait_indirect_dma semaphore(%arg26 : memref<!tpu.dma_semaphore, #tpu.memory_space<semaphore_mem>>) src(%dma_wait3A_577 : memref<10000x128xf32, #tpu.memory_space<hbm>>) dst(%arg16 : memref<64x128xf32, #tpu.memory_space<vmem>>)
      %dma_start3A_578 = arith.constant 1 : i32
      %dma_start3A_579 = arith.constant 0 : i32
      %dma_start3A_580 = tpu.memref_slice %arg13[%dma_start3A_578, %dma_start3A_579] : memref<2x64xi32, #tpu.memory_space<vmem>> -> memref<1x64xi32, #tpu.memory_space<vmem>>
      %dma_start3A_581 = tpu.memref_squeeze %dma_start3A_580 : memref<1x64xi32, #tpu.memory_space<vmem>> -> memref<64xi32, #tpu.memory_space<vmem>>
      %dma_start3A_582 = arith.constant 0 : i32
      %dma_start3A_583 = arith.constant 0 : i32
      %dma_start3A_584 = tpu.memref_slice %arg8[%dma_start3A_582, %dma_start3A_583] : memref<10112x128xf32, #tpu.memory_space<vmem_shared>> -> memref<10112x128xf32, #tpu.memory_space<vmem_shared>>
      tpu.enqueue_indirect_dma source(%arg16 : memref<64x128xf32, #tpu.memory_space<vmem>>) target(%dma_start3A_584 : memref<10112x128xf32, #tpu.memory_space<vmem_shared>>) offsets(%dma_start3A_581 : memref<64xi32, #tpu.memory_space<vmem>>) semaphore(%arg30 : memref<!tpu.dma_semaphore, #tpu.memory_space<semaphore_mem>>) {add = true}
      %dma_start3A_585 = arith.constant 1 : i32
      %dma_start3A_586 = arith.constant 0 : i32
      %dma_start3A_587 = tpu.memref_slice %arg13[%dma_start3A_585, %dma_start3A_586] : memref<2x64xi32, #tpu.memory_space<vmem>> -> memref<1x64xi32, #tpu.memory_space<vmem>>
      %dma_start3A_588 = tpu.memref_squeeze %dma_start3A_587 : memref<1x64xi32, #tpu.memory_space<vmem>> -> memref<64xi32, #tpu.memory_space<vmem>>
      %dma_start3A_589 = arith.constant 0 : i32
      %dma_start3A_590 = arith.constant 0 : i32
      %dma_start3A_591 = tpu.memref_slice %arg10[%dma_start3A_589, %dma_start3A_590] : memref<10112x16xf32, #tpu.memory_space<vmem_shared>> -> memref<10112x16xf32, #tpu.memory_space<vmem_shared>>
      tpu.enqueue_indirect_dma source(%arg20 : memref<64x16xf32, #tpu.memory_space<vmem>>) target(%dma_start3A_591 : memref<10112x16xf32, #tpu.memory_space<vmem_shared>>) offsets(%dma_start3A_588 : memref<64xi32, #tpu.memory_space<vmem>>) semaphore(%arg30 : memref<!tpu.dma_semaphore, #tpu.memory_space<semaphore_mem>>) {add = true}
      %mul3A_592 = arith.constant 64 : i32
      %mul3A_593 = arith.muli %add3A_570, %mul3A_592 : i32
      %multiple_of3A_594 = tpu.assume_multiple %mul3A_593, 64 : i32
      %dma_wait3A_595 = arith.constant 0 : i32
      %dma_wait3A_596 = arith.constant 0 : i32
      %dma_wait3A_597 = tpu.memref_slice %arg4[%add3A_6, %dma_wait3A_595, %dma_wait3A_596] : memref<4x80000x16xf32, #tpu.memory_space<hbm>> -> memref<1x80000x16xf32, #tpu.memory_space<hbm>>
      %dma_wait3A_598 = tpu.memref_squeeze %dma_wait3A_597 : memref<1x80000x16xf32, #tpu.memory_space<hbm>> -> memref<80000x16xf32, #tpu.memory_space<hbm>>
      %dma_wait3A_599 = arith.constant 0 : i32
      %dma_wait3A_600 = tpu.memref_slice %dma_wait3A_598[%multiple_of3A_594, %dma_wait3A_599] : memref<80000x16xf32, #tpu.memory_space<hbm>> -> memref<64x16xf32, #tpu.memory_space<hbm>>
      %dma_wait3A_601 = arith.constant 0 : i32
      %dma_wait3A_602 = arith.constant 0 : i32
      %dma_wait3A_603 = tpu.memref_slice %arg4[%add3A_6, %dma_wait3A_601, %dma_wait3A_602] : memref<4x80000x16xf32, #tpu.memory_space<hbm>> -> memref<1x80000x16xf32, #tpu.memory_space<hbm>>
      %dma_wait3A_604 = tpu.memref_squeeze %dma_wait3A_603 : memref<1x80000x16xf32, #tpu.memory_space<hbm>> -> memref<80000x16xf32, #tpu.memory_space<hbm>>
      %dma_wait3A_605 = arith.constant 0 : i32
      %dma_wait3A_606 = tpu.memref_slice %dma_wait3A_604[%multiple_of3A_594, %dma_wait3A_605] : memref<80000x16xf32, #tpu.memory_space<hbm>> -> memref<64x16xf32, #tpu.memory_space<hbm>>
      tpu.wait_dma2 semaphore(%arg29 : memref<!tpu.dma_semaphore, #tpu.memory_space<semaphore_mem>>) src(%dma_wait3A_606 : memref<64x16xf32, #tpu.memory_space<hbm>>) dst(%arg19 : memref<64x16xf32, #tpu.memory_space<vmem>>)
      %dma_start3A_607 = arith.constant 1 : i32
      %dma_start3A_608 = arith.constant 0 : i32
      %dma_start3A_609 = tpu.memref_slice %arg13[%dma_start3A_607, %dma_start3A_608] : memref<2x64xi32, #tpu.memory_space<vmem>> -> memref<1x64xi32, #tpu.memory_space<vmem>>
      %dma_start3A_610 = tpu.memref_squeeze %dma_start3A_609 : memref<1x64xi32, #tpu.memory_space<vmem>> -> memref<64xi32, #tpu.memory_space<vmem>>
      %dma_start3A_611 = arith.constant 0 : i32
      %dma_start3A_612 = arith.constant 0 : i32
      %dma_start3A_613 = tpu.memref_slice %arg9[%dma_start3A_611, %dma_start3A_612] : memref<10112x16xf32, #tpu.memory_space<vmem_shared>> -> memref<10112x16xf32, #tpu.memory_space<vmem_shared>>
      tpu.enqueue_indirect_dma source(%arg19 : memref<64x16xf32, #tpu.memory_space<vmem>>) target(%dma_start3A_613 : memref<10112x16xf32, #tpu.memory_space<vmem_shared>>) offsets(%dma_start3A_610 : memref<64xi32, #tpu.memory_space<vmem>>) semaphore(%arg30 : memref<!tpu.dma_semaphore, #tpu.memory_space<semaphore_mem>>) {add = true}
      %dma_wait3A_614 = arith.constant 1 : i32
      %dma_wait3A_615 = arith.constant 0 : i32
      %dma_wait3A_616 = tpu.memref_slice %arg13[%dma_wait3A_614, %dma_wait3A_615] : memref<2x64xi32, #tpu.memory_space<vmem>> -> memref<1x64xi32, #tpu.memory_space<vmem>>
      %dma_wait3A_617 = tpu.memref_squeeze %dma_wait3A_616 : memref<1x64xi32, #tpu.memory_space<vmem>> -> memref<64xi32, #tpu.memory_space<vmem>>
      %dma_wait3A_618 = arith.constant 0 : i32
      %dma_wait3A_619 = arith.constant 0 : i32
      %dma_wait3A_620 = tpu.memref_slice %arg9[%dma_wait3A_618, %dma_wait3A_619] : memref<10112x16xf32, #tpu.memory_space<vmem_shared>> -> memref<10112x16xf32, #tpu.memory_space<vmem_shared>>
      tpu.wait_indirect_dma semaphore(%arg30 : memref<!tpu.dma_semaphore, #tpu.memory_space<semaphore_mem>>) src(%arg19 : memref<64x16xf32, #tpu.memory_space<vmem>>) dst(%dma_wait3A_620 : memref<10112x16xf32, #tpu.memory_space<vmem_shared>>)
      %dma_wait3A_621 = arith.constant 1 : i32
      %dma_wait3A_622 = arith.constant 0 : i32
      %dma_wait3A_623 = tpu.memref_slice %arg13[%dma_wait3A_621, %dma_wait3A_622] : memref<2x64xi32, #tpu.memory_space<vmem>> -> memref<1x64xi32, #tpu.memory_space<vmem>>
      %dma_wait3A_624 = tpu.memref_squeeze %dma_wait3A_623 : memref<1x64xi32, #tpu.memory_space<vmem>> -> memref<64xi32, #tpu.memory_space<vmem>>
      %dma_wait3A_625 = arith.constant 0 : i32
      %dma_wait3A_626 = arith.constant 0 : i32
      %dma_wait3A_627 = tpu.memref_slice %arg8[%dma_wait3A_625, %dma_wait3A_626] : memref<10112x128xf32, #tpu.memory_space<vmem_shared>> -> memref<10112x128xf32, #tpu.memory_space<vmem_shared>>
      tpu.wait_indirect_dma semaphore(%arg30 : memref<!tpu.dma_semaphore, #tpu.memory_space<semaphore_mem>>) src(%arg16 : memref<64x128xf32, #tpu.memory_space<vmem>>) dst(%dma_wait3A_627 : memref<10112x128xf32, #tpu.memory_space<vmem_shared>>)
      %dma_wait3A_628 = arith.constant 1 : i32
      %dma_wait3A_629 = arith.constant 0 : i32
      %dma_wait3A_630 = tpu.memref_slice %arg13[%dma_wait3A_628, %dma_wait3A_629] : memref<2x64xi32, #tpu.memory_space<vmem>> -> memref<1x64xi32, #tpu.memory_space<vmem>>
      %dma_wait3A_631 = tpu.memref_squeeze %dma_wait3A_630 : memref<1x64xi32, #tpu.memory_space<vmem>> -> memref<64xi32, #tpu.memory_space<vmem>>
      %dma_wait3A_632 = arith.constant 0 : i32
      %dma_wait3A_633 = arith.constant 0 : i32
      %dma_wait3A_634 = tpu.memref_slice %arg10[%dma_wait3A_632, %dma_wait3A_633] : memref<10112x16xf32, #tpu.memory_space<vmem_shared>> -> memref<10112x16xf32, #tpu.memory_space<vmem_shared>>
      tpu.wait_indirect_dma semaphore(%arg30 : memref<!tpu.dma_semaphore, #tpu.memory_space<semaphore_mem>>) src(%arg20 : memref<64x16xf32, #tpu.memory_space<vmem>>) dst(%dma_wait3A_634 : memref<10112x16xf32, #tpu.memory_space<vmem_shared>>)
      %add3A_635 = arith.constant 3 : i32
      %add3A_636 = arith.addi %add3A_541, %add3A_635 : i32
      %lt3A_637 = arith.constant 78 : i32
      %lt3A_638 = arith.cmpi slt, %add3A_636, %lt3A_637 : i32
      %eq3A_639 = arith.constant 78 : i32
      %eq3A_640 = arith.cmpi eq, %add3A_636, %eq3A_639 : i32
      %lt3A_641 = arith.constant 2 : i32
      %lt3A_642 = arith.cmpi slt, %arg1, %lt3A_641 : i32
      %and3A_643 = arith.andi %eq3A_640, %lt3A_642 : i1
      %or3A_644 = arith.ori %lt3A_638, %and3A_643 : i1
      %convert_element_type3A_645 = arith.extui %or3A_644 : i1 to i32
      %cond3A_646 = arith.constant 0 : i32
      %cond3A_647 = arith.cmpi ne, %convert_element_type3A_645, %cond3A_646 : i32
      scf.if %cond3A_647 {
        %add3A_648 = arith.constant 3 : i32
        %add3A_649 = arith.addi %add3A_541, %add3A_648 : i32
        %mul3A_650 = arith.constant 16 : i32
        %mul3A_651 = arith.muli %add3A_649, %mul3A_650 : i32
        %add3A_652 = arith.addi %mul3A_651, %arg1 : i32
        %dma_start3A_653 = arith.constant 0 : i32
        %dma_start3A_654 = arith.constant 0 : i32
        %dma_start3A_655 = arith.constant 0 : i32
        %dma_start3A_656 = tpu.memref_slice %arg3[%add3A_6, %dma_start3A_653, %dma_start3A_654, %dma_start3A_655] : memref<4x1250x2x64xi32, #tpu.memory_space<hbm>> -> memref<1x1250x2x64xi32, #tpu.memory_space<hbm>>
        %dma_start3A_657 = tpu.memref_squeeze %dma_start3A_656 : memref<1x1250x2x64xi32, #tpu.memory_space<hbm>> -> memref<1250x2x64xi32, #tpu.memory_space<hbm>>
        %dma_start3A_658 = arith.constant 0 : i32
        %dma_start3A_659 = arith.constant 0 : i32
        %dma_start3A_660 = tpu.memref_slice %dma_start3A_657[%add3A_652, %dma_start3A_658, %dma_start3A_659] : memref<1250x2x64xi32, #tpu.memory_space<hbm>> -> memref<1x2x64xi32, #tpu.memory_space<hbm>>
        %dma_start3A_661 = tpu.memref_squeeze %dma_start3A_660 : memref<1x2x64xi32, #tpu.memory_space<hbm>> -> memref<2x64xi32, #tpu.memory_space<hbm>>
        %dma_start3A_662 = arith.constant 0 : i32
        %dma_start3A_663 = arith.constant 0 : i32
        %dma_start3A_664 = arith.constant 0 : i32
        %dma_start3A_665 = tpu.memref_slice %arg3[%add3A_6, %dma_start3A_662, %dma_start3A_663, %dma_start3A_664] : memref<4x1250x2x64xi32, #tpu.memory_space<hbm>> -> memref<1x1250x2x64xi32, #tpu.memory_space<hbm>>
        %dma_start3A_666 = tpu.memref_squeeze %dma_start3A_665 : memref<1x1250x2x64xi32, #tpu.memory_space<hbm>> -> memref<1250x2x64xi32, #tpu.memory_space<hbm>>
        %dma_start3A_667 = arith.constant 0 : i32
        %dma_start3A_668 = arith.constant 0 : i32
        %dma_start3A_669 = tpu.memref_slice %dma_start3A_666[%add3A_652, %dma_start3A_667, %dma_start3A_668] : memref<1250x2x64xi32, #tpu.memory_space<hbm>> -> memref<1x2x64xi32, #tpu.memory_space<hbm>>
        %dma_start3A_670 = tpu.memref_squeeze %dma_start3A_669 : memref<1x2x64xi32, #tpu.memory_space<hbm>> -> memref<2x64xi32, #tpu.memory_space<hbm>>
        tpu.enqueue_dma source(%dma_start3A_670 : memref<2x64xi32, #tpu.memory_space<hbm>>) target(%arg13 : memref<2x64xi32, #tpu.memory_space<vmem>>) target_semaphore(%arg23 : memref<!tpu.dma_semaphore, #tpu.memory_space<semaphore_mem>>)
      } else {
      }
    }
    %scan3A_164 = arith.constant 26 : i32
    %lt3A = arith.constant 2 : i32
    %lt3A_165 = arith.cmpi slt, %arg1, %lt3A : i32
    %convert_element_type3A = arith.extui %lt3A_165 : i1 to i32
    %cond3A = arith.constant 0 : i32
    %cond3A_166 = arith.cmpi ne, %convert_element_type3A, %cond3A : i32
    scf.if %cond3A_166 {
      %add3A_320 = arith.constant 1248 : i32
      %add3A_321 = arith.addi %add3A_320, %arg1 : i32
      %dma_wait3A_322 = arith.constant 0 : i32
      %dma_wait3A_323 = arith.constant 0 : i32
      %dma_wait3A_324 = tpu.memref_slice %arg11[%dma_wait3A_322, %dma_wait3A_323] : memref<2x64xi32, #tpu.memory_space<vmem>> -> memref<1x64xi32, #tpu.memory_space<vmem>>
      %dma_wait3A_325 = tpu.memref_squeeze %dma_wait3A_324 : memref<1x64xi32, #tpu.memory_space<vmem>> -> memref<64xi32, #tpu.memory_space<vmem>>
      %dma_wait3A_326 = arith.constant 0 : i32
      %dma_wait3A_327 = arith.constant 0 : i32
      %dma_wait3A_328 = tpu.memref_slice %arg2[%dma_wait3A_326, %dma_wait3A_327] : memref<10000x128xf32, #tpu.memory_space<hbm>> -> memref<10000x128xf32, #tpu.memory_space<hbm>>
      tpu.wait_indirect_dma semaphore(%arg24 : memref<!tpu.dma_semaphore, #tpu.memory_space<semaphore_mem>>) src(%dma_wait3A_328 : memref<10000x128xf32, #tpu.memory_space<hbm>>) dst(%arg14 : memref<64x128xf32, #tpu.memory_space<vmem>>)
      %dma_start3A_329 = arith.constant 1 : i32
      %dma_start3A_330 = arith.constant 0 : i32
      %dma_start3A_331 = tpu.memref_slice %arg11[%dma_start3A_329, %dma_start3A_330] : memref<2x64xi32, #tpu.memory_space<vmem>> -> memref<1x64xi32, #tpu.memory_space<vmem>>
      %dma_start3A_332 = tpu.memref_squeeze %dma_start3A_331 : memref<1x64xi32, #tpu.memory_space<vmem>> -> memref<64xi32, #tpu.memory_space<vmem>>
      %dma_start3A_333 = arith.constant 0 : i32
      %dma_start3A_334 = arith.constant 0 : i32
      %dma_start3A_335 = tpu.memref_slice %arg8[%dma_start3A_333, %dma_start3A_334] : memref<10112x128xf32, #tpu.memory_space<vmem_shared>> -> memref<10112x128xf32, #tpu.memory_space<vmem_shared>>
      tpu.enqueue_indirect_dma source(%arg14 : memref<64x128xf32, #tpu.memory_space<vmem>>) target(%dma_start3A_335 : memref<10112x128xf32, #tpu.memory_space<vmem_shared>>) offsets(%dma_start3A_332 : memref<64xi32, #tpu.memory_space<vmem>>) semaphore(%arg30 : memref<!tpu.dma_semaphore, #tpu.memory_space<semaphore_mem>>) {add = true}
      %dma_start3A_336 = arith.constant 1 : i32
      %dma_start3A_337 = arith.constant 0 : i32
      %dma_start3A_338 = tpu.memref_slice %arg11[%dma_start3A_336, %dma_start3A_337] : memref<2x64xi32, #tpu.memory_space<vmem>> -> memref<1x64xi32, #tpu.memory_space<vmem>>
      %dma_start3A_339 = tpu.memref_squeeze %dma_start3A_338 : memref<1x64xi32, #tpu.memory_space<vmem>> -> memref<64xi32, #tpu.memory_space<vmem>>
      %dma_start3A_340 = arith.constant 0 : i32
      %dma_start3A_341 = arith.constant 0 : i32
      %dma_start3A_342 = tpu.memref_slice %arg10[%dma_start3A_340, %dma_start3A_341] : memref<10112x16xf32, #tpu.memory_space<vmem_shared>> -> memref<10112x16xf32, #tpu.memory_space<vmem_shared>>
      tpu.enqueue_indirect_dma source(%arg20 : memref<64x16xf32, #tpu.memory_space<vmem>>) target(%dma_start3A_342 : memref<10112x16xf32, #tpu.memory_space<vmem_shared>>) offsets(%dma_start3A_339 : memref<64xi32, #tpu.memory_space<vmem>>) semaphore(%arg30 : memref<!tpu.dma_semaphore, #tpu.memory_space<semaphore_mem>>) {add = true}
      %mul3A_343 = arith.constant 64 : i32
      %mul3A_344 = arith.muli %add3A_321, %mul3A_343 : i32
      %multiple_of3A_345 = tpu.assume_multiple %mul3A_344, 64 : i32
      %dma_wait3A_346 = arith.constant 0 : i32
      %dma_wait3A_347 = arith.constant 0 : i32
      %dma_wait3A_348 = tpu.memref_slice %arg4[%add3A_6, %dma_wait3A_346, %dma_wait3A_347] : memref<4x80000x16xf32, #tpu.memory_space<hbm>> -> memref<1x80000x16xf32, #tpu.memory_space<hbm>>
      %dma_wait3A_349 = tpu.memref_squeeze %dma_wait3A_348 : memref<1x80000x16xf32, #tpu.memory_space<hbm>> -> memref<80000x16xf32, #tpu.memory_space<hbm>>
      %dma_wait3A_350 = arith.constant 0 : i32
      %dma_wait3A_351 = tpu.memref_slice %dma_wait3A_349[%multiple_of3A_345, %dma_wait3A_350] : memref<80000x16xf32, #tpu.memory_space<hbm>> -> memref<64x16xf32, #tpu.memory_space<hbm>>
      %dma_wait3A_352 = arith.constant 0 : i32
      %dma_wait3A_353 = arith.constant 0 : i32
      %dma_wait3A_354 = tpu.memref_slice %arg4[%add3A_6, %dma_wait3A_352, %dma_wait3A_353] : memref<4x80000x16xf32, #tpu.memory_space<hbm>> -> memref<1x80000x16xf32, #tpu.memory_space<hbm>>
      %dma_wait3A_355 = tpu.memref_squeeze %dma_wait3A_354 : memref<1x80000x16xf32, #tpu.memory_space<hbm>> -> memref<80000x16xf32, #tpu.memory_space<hbm>>
      %dma_wait3A_356 = arith.constant 0 : i32
      %dma_wait3A_357 = tpu.memref_slice %dma_wait3A_355[%multiple_of3A_345, %dma_wait3A_356] : memref<80000x16xf32, #tpu.memory_space<hbm>> -> memref<64x16xf32, #tpu.memory_space<hbm>>
      tpu.wait_dma2 semaphore(%arg27 : memref<!tpu.dma_semaphore, #tpu.memory_space<semaphore_mem>>) src(%dma_wait3A_357 : memref<64x16xf32, #tpu.memory_space<hbm>>) dst(%arg17 : memref<64x16xf32, #tpu.memory_space<vmem>>)
      %dma_start3A_358 = arith.constant 1 : i32
      %dma_start3A_359 = arith.constant 0 : i32
      %dma_start3A_360 = tpu.memref_slice %arg11[%dma_start3A_358, %dma_start3A_359] : memref<2x64xi32, #tpu.memory_space<vmem>> -> memref<1x64xi32, #tpu.memory_space<vmem>>
      %dma_start3A_361 = tpu.memref_squeeze %dma_start3A_360 : memref<1x64xi32, #tpu.memory_space<vmem>> -> memref<64xi32, #tpu.memory_space<vmem>>
      %dma_start3A_362 = arith.constant 0 : i32
      %dma_start3A_363 = arith.constant 0 : i32
      %dma_start3A_364 = tpu.memref_slice %arg9[%dma_start3A_362, %dma_start3A_363] : memref<10112x16xf32, #tpu.memory_space<vmem_shared>> -> memref<10112x16xf32, #tpu.memory_space<vmem_shared>>
      tpu.enqueue_indirect_dma source(%arg17 : memref<64x16xf32, #tpu.memory_space<vmem>>) target(%dma_start3A_364 : memref<10112x16xf32, #tpu.memory_space<vmem_shared>>) offsets(%dma_start3A_361 : memref<64xi32, #tpu.memory_space<vmem>>) semaphore(%arg30 : memref<!tpu.dma_semaphore, #tpu.memory_space<semaphore_mem>>) {add = true}
      %dma_wait3A_365 = arith.constant 1 : i32
      %dma_wait3A_366 = arith.constant 0 : i32
      %dma_wait3A_367 = tpu.memref_slice %arg11[%dma_wait3A_365, %dma_wait3A_366] : memref<2x64xi32, #tpu.memory_space<vmem>> -> memref<1x64xi32, #tpu.memory_space<vmem>>
      %dma_wait3A_368 = tpu.memref_squeeze %dma_wait3A_367 : memref<1x64xi32, #tpu.memory_space<vmem>> -> memref<64xi32, #tpu.memory_space<vmem>>
      %dma_wait3A_369 = arith.constant 0 : i32
      %dma_wait3A_370 = arith.constant 0 : i32
      %dma_wait3A_371 = tpu.memref_slice %arg9[%dma_wait3A_369, %dma_wait3A_370] : memref<10112x16xf32, #tpu.memory_space<vmem_shared>> -> memref<10112x16xf32, #tpu.memory_space<vmem_shared>>
      tpu.wait_indirect_dma semaphore(%arg30 : memref<!tpu.dma_semaphore, #tpu.memory_space<semaphore_mem>>) src(%arg17 : memref<64x16xf32, #tpu.memory_space<vmem>>) dst(%dma_wait3A_371 : memref<10112x16xf32, #tpu.memory_space<vmem_shared>>)
      %dma_wait3A_372 = arith.constant 1 : i32
      %dma_wait3A_373 = arith.constant 0 : i32
      %dma_wait3A_374 = tpu.memref_slice %arg11[%dma_wait3A_372, %dma_wait3A_373] : memref<2x64xi32, #tpu.memory_space<vmem>> -> memref<1x64xi32, #tpu.memory_space<vmem>>
      %dma_wait3A_375 = tpu.memref_squeeze %dma_wait3A_374 : memref<1x64xi32, #tpu.memory_space<vmem>> -> memref<64xi32, #tpu.memory_space<vmem>>
      %dma_wait3A_376 = arith.constant 0 : i32
      %dma_wait3A_377 = arith.constant 0 : i32
      %dma_wait3A_378 = tpu.memref_slice %arg8[%dma_wait3A_376, %dma_wait3A_377] : memref<10112x128xf32, #tpu.memory_space<vmem_shared>> -> memref<10112x128xf32, #tpu.memory_space<vmem_shared>>
      tpu.wait_indirect_dma semaphore(%arg30 : memref<!tpu.dma_semaphore, #tpu.memory_space<semaphore_mem>>) src(%arg14 : memref<64x128xf32, #tpu.memory_space<vmem>>) dst(%dma_wait3A_378 : memref<10112x128xf32, #tpu.memory_space<vmem_shared>>)
      %dma_wait3A_379 = arith.constant 1 : i32
      %dma_wait3A_380 = arith.constant 0 : i32
      %dma_wait3A_381 = tpu.memref_slice %arg11[%dma_wait3A_379, %dma_wait3A_380] : memref<2x64xi32, #tpu.memory_space<vmem>> -> memref<1x64xi32, #tpu.memory_space<vmem>>
      %dma_wait3A_382 = tpu.memref_squeeze %dma_wait3A_381 : memref<1x64xi32, #tpu.memory_space<vmem>> -> memref<64xi32, #tpu.memory_space<vmem>>
      %dma_wait3A_383 = arith.constant 0 : i32
      %dma_wait3A_384 = arith.constant 0 : i32
      %dma_wait3A_385 = tpu.memref_slice %arg10[%dma_wait3A_383, %dma_wait3A_384] : memref<10112x16xf32, #tpu.memory_space<vmem_shared>> -> memref<10112x16xf32, #tpu.memory_space<vmem_shared>>
      tpu.wait_indirect_dma semaphore(%arg30 : memref<!tpu.dma_semaphore, #tpu.memory_space<semaphore_mem>>) src(%arg20 : memref<64x16xf32, #tpu.memory_space<vmem>>) dst(%dma_wait3A_385 : memref<10112x16xf32, #tpu.memory_space<vmem_shared>>)
    } else {
    }
    %barrier3A_167 = arith.constant 0 : index
    tpu.barrier barrier_id(%barrier3A_167)
    "tpu.region"() ({
      %run_scoped3A = tpu.sem_alloc : memref<!tpu.dma_semaphore, #tpu.memory_space<semaphore_mem>>
      %dma_start3A_320 = arith.constant 0 : i32
      %dma_start3A_321 = arith.constant 0 : i32
      %dma_start3A_322 = tpu.memref_slice %arg5[%add3A_6, %dma_start3A_320, %dma_start3A_321] : memref<4x10112x128xf32, #tpu.memory_space<hbm>> -> memref<1x10112x128xf32, #tpu.memory_space<hbm>>
      %dma_start3A_323 = tpu.memref_squeeze %dma_start3A_322 : memref<1x10112x128xf32, #tpu.memory_space<hbm>> -> memref<10112x128xf32, #tpu.memory_space<hbm>>
      %dma_start3A_324 = arith.constant 0 : i32
      %dma_start3A_325 = tpu.memref_slice %dma_start3A_323[%multiple_of3A, %dma_start3A_324] : memref<10112x128xf32, #tpu.memory_space<hbm>> -> memref<632x128xf32, #tpu.memory_space<hbm>>
      %dma_start3A_326 = arith.constant 0 : i32
      %dma_start3A_327 = tpu.memref_slice %arg8[%multiple_of3A, %dma_start3A_326] : memref<10112x128xf32, #tpu.memory_space<vmem_shared>> -> memref<632x128xf32, #tpu.memory_space<vmem_shared>>
      tpu.enqueue_dma source(%dma_start3A_327 : memref<632x128xf32, #tpu.memory_space<vmem_shared>>) target(%dma_start3A_325 : memref<632x128xf32, #tpu.memory_space<hbm>>) target_semaphore(%run_scoped3A : memref<!tpu.dma_semaphore, #tpu.memory_space<semaphore_mem>>)
      %dma_wait3A_328 = arith.constant 0 : i32
      %dma_wait3A_329 = arith.constant 0 : i32
      %dma_wait3A_330 = tpu.memref_slice %arg5[%add3A_6, %dma_wait3A_328, %dma_wait3A_329] : memref<4x10112x128xf32, #tpu.memory_space<hbm>> -> memref<1x10112x128xf32, #tpu.memory_space<hbm>>
      %dma_wait3A_331 = tpu.memref_squeeze %dma_wait3A_330 : memref<1x10112x128xf32, #tpu.memory_space<hbm>> -> memref<10112x128xf32, #tpu.memory_space<hbm>>
      %dma_wait3A_332 = arith.constant 0 : i32
      %dma_wait3A_333 = tpu.memref_slice %dma_wait3A_331[%multiple_of3A, %dma_wait3A_332] : memref<10112x128xf32, #tpu.memory_space<hbm>> -> memref<632x128xf32, #tpu.memory_space<hbm>>
      %dma_wait3A_334 = arith.constant 0 : i32
      %dma_wait3A_335 = tpu.memref_slice %arg8[%multiple_of3A, %dma_wait3A_334] : memref<10112x128xf32, #tpu.memory_space<vmem_shared>> -> memref<632x128xf32, #tpu.memory_space<vmem_shared>>
      tpu.wait_dma2 semaphore(%run_scoped3A : memref<!tpu.dma_semaphore, #tpu.memory_space<semaphore_mem>>) src(%dma_wait3A_335 : memref<632x128xf32, #tpu.memory_space<vmem_shared>>) dst(%dma_wait3A_333 : memref<632x128xf32, #tpu.memory_space<hbm>>)
      tpu.yield
    }) : () -> ()
    "tpu.region"() ({
      %run_scoped3A = tpu.sem_alloc : memref<!tpu.dma_semaphore, #tpu.memory_space<semaphore_mem>>
      %dma_start3A_320 = arith.constant 0 : i32
      %dma_start3A_321 = arith.constant 0 : i32
      %dma_start3A_322 = tpu.memref_slice %arg7[%add3A_6, %dma_start3A_320, %dma_start3A_321] : memref<4x10112x16xf32, #tpu.memory_space<hbm>> -> memref<1x10112x16xf32, #tpu.memory_space<hbm>>
      %dma_start3A_323 = tpu.memref_squeeze %dma_start3A_322 : memref<1x10112x16xf32, #tpu.memory_space<hbm>> -> memref<10112x16xf32, #tpu.memory_space<hbm>>
      %dma_start3A_324 = arith.constant 0 : i32
      %dma_start3A_325 = tpu.memref_slice %dma_start3A_323[%multiple_of3A, %dma_start3A_324] : memref<10112x16xf32, #tpu.memory_space<hbm>> -> memref<632x16xf32, #tpu.memory_space<hbm>>
      %dma_start3A_326 = arith.constant 0 : i32
      %dma_start3A_327 = tpu.memref_slice %arg10[%multiple_of3A, %dma_start3A_326] : memref<10112x16xf32, #tpu.memory_space<vmem_shared>> -> memref<632x16xf32, #tpu.memory_space<vmem_shared>>
      tpu.enqueue_dma source(%dma_start3A_327 : memref<632x16xf32, #tpu.memory_space<vmem_shared>>) target(%dma_start3A_325 : memref<632x16xf32, #tpu.memory_space<hbm>>) target_semaphore(%run_scoped3A : memref<!tpu.dma_semaphore, #tpu.memory_space<semaphore_mem>>)
      %dma_wait3A_328 = arith.constant 0 : i32
      %dma_wait3A_329 = arith.constant 0 : i32
      %dma_wait3A_330 = tpu.memref_slice %arg7[%add3A_6, %dma_wait3A_328, %dma_wait3A_329] : memref<4x10112x16xf32, #tpu.memory_space<hbm>> -> memref<1x10112x16xf32, #tpu.memory_space<hbm>>
      %dma_wait3A_331 = tpu.memref_squeeze %dma_wait3A_330 : memref<1x10112x16xf32, #tpu.memory_space<hbm>> -> memref<10112x16xf32, #tpu.memory_space<hbm>>
      %dma_wait3A_332 = arith.constant 0 : i32
      %dma_wait3A_333 = tpu.memref_slice %dma_wait3A_331[%multiple_of3A, %dma_wait3A_332] : memref<10112x16xf32, #tpu.memory_space<hbm>> -> memref<632x16xf32, #tpu.memory_space<hbm>>
      %dma_wait3A_334 = arith.constant 0 : i32
      %dma_wait3A_335 = tpu.memref_slice %arg10[%multiple_of3A, %dma_wait3A_334] : memref<10112x16xf32, #tpu.memory_space<vmem_shared>> -> memref<632x16xf32, #tpu.memory_space<vmem_shared>>
      tpu.wait_dma2 semaphore(%run_scoped3A : memref<!tpu.dma_semaphore, #tpu.memory_space<semaphore_mem>>) src(%dma_wait3A_335 : memref<632x16xf32, #tpu.memory_space<vmem_shared>>) dst(%dma_wait3A_333 : memref<632x16xf32, #tpu.memory_space<hbm>>)
      tpu.yield
    }) : () -> ()
    "tpu.region"() ({
      %run_scoped3A = tpu.sem_alloc : memref<!tpu.dma_semaphore, #tpu.memory_space<semaphore_mem>>
      %dma_start3A_320 = arith.constant 0 : i32
      %dma_start3A_321 = arith.constant 0 : i32
      %dma_start3A_322 = tpu.memref_slice %arg6[%arg0, %dma_start3A_320, %dma_start3A_321] : memref<2x10112x16xf32, #tpu.memory_space<hbm>> -> memref<1x10112x16xf32, #tpu.memory_space<hbm>>
      %dma_start3A_323 = tpu.memref_squeeze %dma_start3A_322 : memref<1x10112x16xf32, #tpu.memory_space<hbm>> -> memref<10112x16xf32, #tpu.memory_space<hbm>>
      %dma_start3A_324 = arith.constant 0 : i32
      %dma_start3A_325 = tpu.memref_slice %dma_start3A_323[%multiple_of3A, %dma_start3A_324] : memref<10112x16xf32, #tpu.memory_space<hbm>> -> memref<632x16xf32, #tpu.memory_space<hbm>>
      %dma_start3A_326 = arith.constant 0 : i32
      %dma_start3A_327 = tpu.memref_slice %arg9[%multiple_of3A, %dma_start3A_326] : memref<10112x16xf32, #tpu.memory_space<vmem_shared>> -> memref<632x16xf32, #tpu.memory_space<vmem_shared>>
      tpu.enqueue_dma source(%dma_start3A_327 : memref<632x16xf32, #tpu.memory_space<vmem_shared>>) target(%dma_start3A_325 : memref<632x16xf32, #tpu.memory_space<hbm>>) target_semaphore(%run_scoped3A : memref<!tpu.dma_semaphore, #tpu.memory_space<semaphore_mem>>)
      %dma_wait3A_328 = arith.constant 0 : i32
      %dma_wait3A_329 = arith.constant 0 : i32
      %dma_wait3A_330 = tpu.memref_slice %arg6[%arg0, %dma_wait3A_328, %dma_wait3A_329] : memref<2x10112x16xf32, #tpu.memory_space<hbm>> -> memref<1x10112x16xf32, #tpu.memory_space<hbm>>
      %dma_wait3A_331 = tpu.memref_squeeze %dma_wait3A_330 : memref<1x10112x16xf32, #tpu.memory_space<hbm>> -> memref<10112x16xf32, #tpu.memory_space<hbm>>
      %dma_wait3A_332 = arith.constant 0 : i32
      %dma_wait3A_333 = tpu.memref_slice %dma_wait3A_331[%multiple_of3A, %dma_wait3A_332] : memref<10112x16xf32, #tpu.memory_space<hbm>> -> memref<632x16xf32, #tpu.memory_space<hbm>>
      %dma_wait3A_334 = arith.constant 0 : i32
      %dma_wait3A_335 = tpu.memref_slice %arg9[%multiple_of3A, %dma_wait3A_334] : memref<10112x16xf32, #tpu.memory_space<vmem_shared>> -> memref<632x16xf32, #tpu.memory_space<vmem_shared>>
      tpu.wait_dma2 semaphore(%run_scoped3A : memref<!tpu.dma_semaphore, #tpu.memory_space<semaphore_mem>>) src(%dma_wait3A_335 : memref<632x16xf32, #tpu.memory_space<vmem_shared>>) dst(%dma_wait3A_333 : memref<632x16xf32, #tpu.memory_space<hbm>>)
      tpu.yield
    }) : () -> ()
    %add3A_168 = arith.constant 2 : i32
    %add3A_169 = arith.addi %arg0, %add3A_168 : i32
    %scan3A_170 = arith.constant 0 : i32
    %scan3A_171 = arith.constant 0 : i32
    %scan3A_172 = arith.constant 64 : i32
    %scan3A_173 = arith.addi %scan3A_171, %scan3A_172 : i32
    %scan3A_174 = arith.constant 1 : i32
    scf.for %scan3A_320 = %scan3A_171 to %scan3A_173 step %scan3A_174  : i32 {
      %broadcast_in_dim3A = arith.constant 0.000000e+00 : f32
      %broadcast_in_dim3A_321 = vector.broadcast %broadcast_in_dim3A : f32 to vector<16xf32>
      %swap3A = arith.index_cast %scan3A_320 : i32 to index
      %swap3A_322 = arith.constant 0 : index
      %swap3A_323 = tpu.vector_load %arg14[%swap3A, %swap3A_322] {strides = array<i32>} : memref<64x128xf32, #tpu.memory_space<vmem>>, vector<1x16xf32>,
      %swap3A_324 = vector.shape_cast %swap3A_323 : vector<1x16xf32> to vector<16xf32>
      %swap3A_325 = vector.shape_cast %broadcast_in_dim3A_321 : vector<16xf32> to vector<1x16xf32>
      tpu.vector_store %arg14[%swap3A, %swap3A_322], %swap3A_325 {strides = array<i32>} : memref<64x128xf32, #tpu.memory_space<vmem>>, vector<1x16xf32>,
      %broadcast_in_dim3A_326 = arith.constant 0.000000e+00 : f32
      %broadcast_in_dim3A_327 = vector.broadcast %broadcast_in_dim3A_326 : f32 to vector<16xf32>
      %swap3A_328 = arith.index_cast %scan3A_320 : i32 to index
      %swap3A_329 = arith.constant 16 : index
      %swap3A_330 = tpu.vector_load %arg14[%swap3A_328, %swap3A_329] {strides = array<i32>} : memref<64x128xf32, #tpu.memory_space<vmem>>, vector<1x16xf32>,
      %swap3A_331 = vector.shape_cast %swap3A_330 : vector<1x16xf32> to vector<16xf32>
      %swap3A_332 = vector.shape_cast %broadcast_in_dim3A_327 : vector<16xf32> to vector<1x16xf32>
      tpu.vector_store %arg14[%swap3A_328, %swap3A_329], %swap3A_332 {strides = array<i32>} : memref<64x128xf32, #tpu.memory_space<vmem>>, vector<1x16xf32>,
      %broadcast_in_dim3A_333 = arith.constant 0.000000e+00 : f32
      %broadcast_in_dim3A_334 = vector.broadcast %broadcast_in_dim3A_333 : f32 to vector<16xf32>
      %swap3A_335 = arith.index_cast %scan3A_320 : i32 to index
      %swap3A_336 = arith.constant 32 : index
      %swap3A_337 = tpu.vector_load %arg14[%swap3A_335, %swap3A_336] {strides = array<i32>} : memref<64x128xf32, #tpu.memory_space<vmem>>, vector<1x16xf32>,
      %swap3A_338 = vector.shape_cast %swap3A_337 : vector<1x16xf32> to vector<16xf32>
      %swap3A_339 = vector.shape_cast %broadcast_in_dim3A_334 : vector<16xf32> to vector<1x16xf32>
      tpu.vector_store %arg14[%swap3A_335, %swap3A_336], %swap3A_339 {strides = array<i32>} : memref<64x128xf32, #tpu.memory_space<vmem>>, vector<1x16xf32>,
      %broadcast_in_dim3A_340 = arith.constant 0.000000e+00 : f32
      %broadcast_in_dim3A_341 = vector.broadcast %broadcast_in_dim3A_340 : f32 to vector<16xf32>
      %swap3A_342 = arith.index_cast %scan3A_320 : i32 to index
      %swap3A_343 = arith.constant 48 : index
      %swap3A_344 = tpu.vector_load %arg14[%swap3A_342, %swap3A_343] {strides = array<i32>} : memref<64x128xf32, #tpu.memory_space<vmem>>, vector<1x16xf32>,
      %swap3A_345 = vector.shape_cast %swap3A_344 : vector<1x16xf32> to vector<16xf32>
      %swap3A_346 = vector.shape_cast %broadcast_in_dim3A_341 : vector<16xf32> to vector<1x16xf32>
      tpu.vector_store %arg14[%swap3A_342, %swap3A_343], %swap3A_346 {strides = array<i32>} : memref<64x128xf32, #tpu.memory_space<vmem>>, vector<1x16xf32>,
      %broadcast_in_dim3A_347 = arith.constant 0.000000e+00 : f32
      %broadcast_in_dim3A_348 = vector.broadcast %broadcast_in_dim3A_347 : f32 to vector<16xf32>
      %swap3A_349 = arith.index_cast %scan3A_320 : i32 to index
      %swap3A_350 = arith.constant 64 : index
      %swap3A_351 = tpu.vector_load %arg14[%swap3A_349, %swap3A_350] {strides = array<i32>} : memref<64x128xf32, #tpu.memory_space<vmem>>, vector<1x16xf32>,
      %swap3A_352 = vector.shape_cast %swap3A_351 : vector<1x16xf32> to vector<16xf32>
      %swap3A_353 = vector.shape_cast %broadcast_in_dim3A_348 : vector<16xf32> to vector<1x16xf32>
      tpu.vector_store %arg14[%swap3A_349, %swap3A_350], %swap3A_353 {strides = array<i32>} : memref<64x128xf32, #tpu.memory_space<vmem>>, vector<1x16xf32>,
      %broadcast_in_dim3A_354 = arith.constant 0.000000e+00 : f32
      %broadcast_in_dim3A_355 = vector.broadcast %broadcast_in_dim3A_354 : f32 to vector<16xf32>
      %swap3A_356 = arith.index_cast %scan3A_320 : i32 to index
      %swap3A_357 = arith.constant 80 : index
      %swap3A_358 = tpu.vector_load %arg14[%swap3A_356, %swap3A_357] {strides = array<i32>} : memref<64x128xf32, #tpu.memory_space<vmem>>, vector<1x16xf32>,
      %swap3A_359 = vector.shape_cast %swap3A_358 : vector<1x16xf32> to vector<16xf32>
      %swap3A_360 = vector.shape_cast %broadcast_in_dim3A_355 : vector<16xf32> to vector<1x16xf32>
      tpu.vector_store %arg14[%swap3A_356, %swap3A_357], %swap3A_360 {strides = array<i32>} : memref<64x128xf32, #tpu.memory_space<vmem>>, vector<1x16xf32>,
      %broadcast_in_dim3A_361 = arith.constant 0.000000e+00 : f32
      %broadcast_in_dim3A_362 = vector.broadcast %broadcast_in_dim3A_361 : f32 to vector<16xf32>
      %swap3A_363 = arith.index_cast %scan3A_320 : i32 to index
      %swap3A_364 = arith.constant 96 : index
      %swap3A_365 = tpu.vector_load %arg14[%swap3A_363, %swap3A_364] {strides = array<i32>} : memref<64x128xf32, #tpu.memory_space<vmem>>, vector<1x16xf32>,
      %swap3A_366 = vector.shape_cast %swap3A_365 : vector<1x16xf32> to vector<16xf32>
      %swap3A_367 = vector.shape_cast %broadcast_in_dim3A_362 : vector<16xf32> to vector<1x16xf32>
      tpu.vector_store %arg14[%swap3A_363, %swap3A_364], %swap3A_367 {strides = array<i32>} : memref<64x128xf32, #tpu.memory_space<vmem>>, vector<1x16xf32>,
      %broadcast_in_dim3A_368 = arith.constant 0.000000e+00 : f32
      %broadcast_in_dim3A_369 = vector.broadcast %broadcast_in_dim3A_368 : f32 to vector<16xf32>
      %swap3A_370 = arith.index_cast %scan3A_320 : i32 to index
      %swap3A_371 = arith.constant 112 : index
      %swap3A_372 = tpu.vector_load %arg14[%swap3A_370, %swap3A_371] {strides = array<i32>} : memref<64x128xf32, #tpu.memory_space<vmem>>, vector<1x16xf32>,
      %swap3A_373 = vector.shape_cast %swap3A_372 : vector<1x16xf32> to vector<16xf32>
      %swap3A_374 = vector.shape_cast %broadcast_in_dim3A_369 : vector<16xf32> to vector<1x16xf32>
      tpu.vector_store %arg14[%swap3A_370, %swap3A_371], %swap3A_374 {strides = array<i32>} : memref<64x128xf32, #tpu.memory_space<vmem>>, vector<1x16xf32>,
    }
    %scan3A_175 = arith.constant 64 : i32
    %scan3A_176 = arith.constant 0 : i32
    %scan3A_177 = arith.constant 0 : i32
    %scan3A_178 = arith.constant 64 : i32
    %scan3A_179 = arith.addi %scan3A_177, %scan3A_178 : i32
    %scan3A_180 = arith.constant 1 : i32
    scf.for %scan3A_320 = %scan3A_177 to %scan3A_179 step %scan3A_180  : i32 {
      %broadcast_in_dim3A = arith.constant 0.000000e+00 : f32
      %broadcast_in_dim3A_321 = vector.broadcast %broadcast_in_dim3A : f32 to vector<16xf32>
      %swap3A = arith.index_cast %scan3A_320 : i32 to index
      %swap3A_322 = arith.constant 0 : index
      %swap3A_323 = tpu.vector_load %arg17[%swap3A, %swap3A_322] {strides = array<i32>} : memref<64x16xf32, #tpu.memory_space<vmem>>, vector<1x16xf32>,
      %swap3A_324 = vector.shape_cast %swap3A_323 : vector<1x16xf32> to vector<16xf32>
      %swap3A_325 = vector.shape_cast %broadcast_in_dim3A_321 : vector<16xf32> to vector<1x16xf32>
      tpu.vector_store %arg17[%swap3A, %swap3A_322], %swap3A_325 {strides = array<i32>} : memref<64x16xf32, #tpu.memory_space<vmem>>, vector<1x16xf32>,
    }
    %scan3A_181 = arith.constant 64 : i32
    %scan3A_182 = arith.constant 0 : i32
    %scan3A_183 = arith.constant 0 : i32
    %scan3A_184 = arith.constant 9 : i32
    %scan3A_185 = arith.addi %scan3A_183, %scan3A_184 : i32
    %scan3A_186 = arith.constant 1 : i32
    scf.for %scan3A_320 = %scan3A_183 to %scan3A_185 step %scan3A_186  : i32 {
      %mul3A_321 = arith.constant 632 : i32
      %mul3A_322 = arith.muli %arg1, %mul3A_321 : i32
      %mul3A_323 = arith.constant 64 : i32
      %mul3A_324 = arith.muli %scan3A_320, %mul3A_323 : i32
      %add3A_325 = arith.addi %mul3A_322, %mul3A_324 : i32
      %multiple_of3A_326 = tpu.assume_multiple %add3A_325, 8 : i32
      "tpu.region"() ({
        %run_scoped3A = tpu.sem_alloc : memref<!tpu.dma_semaphore, #tpu.memory_space<semaphore_mem>>
        %dma_start3A_327 = arith.constant 0 : i32
        %dma_start3A_328 = tpu.memref_slice %arg8[%multiple_of3A_326, %dma_start3A_327] : memref<10112x128xf32, #tpu.memory_space<vmem_shared>> -> memref<64x128xf32, #tpu.memory_space<vmem_shared>>
        %dma_start3A_329 = arith.constant 0 : i32
        %dma_start3A_330 = tpu.memref_slice %arg8[%multiple_of3A_326, %dma_start3A_329] : memref<10112x128xf32, #tpu.memory_space<vmem_shared>> -> memref<64x128xf32, #tpu.memory_space<vmem_shared>>
        tpu.enqueue_dma source(%arg14 : memref<64x128xf32, #tpu.memory_space<vmem>>) target(%dma_start3A_330 : memref<64x128xf32, #tpu.memory_space<vmem_shared>>) target_semaphore(%run_scoped3A : memref<!tpu.dma_semaphore, #tpu.memory_space<semaphore_mem>>)
        %dma_wait3A_331 = arith.constant 0 : i32
        %dma_wait3A_332 = tpu.memref_slice %arg8[%multiple_of3A_326, %dma_wait3A_331] : memref<10112x128xf32, #tpu.memory_space<vmem_shared>> -> memref<64x128xf32, #tpu.memory_space<vmem_shared>>
        %dma_wait3A_333 = arith.constant 0 : i32
        %dma_wait3A_334 = tpu.memref_slice %arg8[%multiple_of3A_326, %dma_wait3A_333] : memref<10112x128xf32, #tpu.memory_space<vmem_shared>> -> memref<64x128xf32, #tpu.memory_space<vmem_shared>>
        tpu.wait_dma2 semaphore(%run_scoped3A : memref<!tpu.dma_semaphore, #tpu.memory_space<semaphore_mem>>) src(%arg14 : memref<64x128xf32, #tpu.memory_space<vmem>>) dst(%dma_wait3A_334 : memref<64x128xf32, #tpu.memory_space<vmem_shared>>)
        tpu.yield
      }) : () -> ()
      "tpu.region"() ({
        %run_scoped3A = tpu.sem_alloc : memref<!tpu.dma_semaphore, #tpu.memory_space<semaphore_mem>>
        %dma_start3A_327 = arith.constant 0 : i32
        %dma_start3A_328 = tpu.memref_slice %arg10[%multiple_of3A_326, %dma_start3A_327] : memref<10112x16xf32, #tpu.memory_space<vmem_shared>> -> memref<64x16xf32, #tpu.memory_space<vmem_shared>>
        %dma_start3A_329 = arith.constant 0 : i32
        %dma_start3A_330 = tpu.memref_slice %arg10[%multiple_of3A_326, %dma_start3A_329] : memref<10112x16xf32, #tpu.memory_space<vmem_shared>> -> memref<64x16xf32, #tpu.memory_space<vmem_shared>>
        tpu.enqueue_dma source(%arg17 : memref<64x16xf32, #tpu.memory_space<vmem>>) target(%dma_start3A_330 : memref<64x16xf32, #tpu.memory_space<vmem_shared>>) target_semaphore(%run_scoped3A : memref<!tpu.dma_semaphore, #tpu.memory_space<semaphore_mem>>)
        %dma_wait3A_331 = arith.constant 0 : i32
        %dma_wait3A_332 = tpu.memref_slice %arg10[%multiple_of3A_326, %dma_wait3A_331] : memref<10112x16xf32, #tpu.memory_space<vmem_shared>> -> memref<64x16xf32, #tpu.memory_space<vmem_shared>>
        %dma_wait3A_333 = arith.constant 0 : i32
        %dma_wait3A_334 = tpu.memref_slice %arg10[%multiple_of3A_326, %dma_wait3A_333] : memref<10112x16xf32, #tpu.memory_space<vmem_shared>> -> memref<64x16xf32, #tpu.memory_space<vmem_shared>>
        tpu.wait_dma2 semaphore(%run_scoped3A : memref<!tpu.dma_semaphore, #tpu.memory_space<semaphore_mem>>) src(%arg17 : memref<64x16xf32, #tpu.memory_space<vmem>>) dst(%dma_wait3A_334 : memref<64x16xf32, #tpu.memory_space<vmem_shared>>)
        tpu.yield
      }) : () -> ()
    }
    %scan3A_187 = arith.constant 9 : i32
    %mul3A_188 = arith.constant 632 : i32
    %mul3A_189 = arith.muli %arg1, %mul3A_188 : i32
    %add3A_190 = arith.constant 576 : i32
    %add3A_191 = arith.addi %mul3A_189, %add3A_190 : i32
    %multiple_of3A_192 = tpu.assume_multiple %add3A_191, 8 : i32
    "tpu.region"() ({
      %run_scoped3A = tpu.sem_alloc : memref<!tpu.dma_semaphore, #tpu.memory_space<semaphore_mem>>
      %dma_start3A_320 = arith.constant 0 : i32
      %dma_start3A_321 = arith.constant 0 : i32
      %dma_start3A_322 = tpu.memref_slice %arg14[%dma_start3A_320, %dma_start3A_321] : memref<64x128xf32, #tpu.memory_space<vmem>> -> memref<56x128xf32, #tpu.memory_space<vmem>>
      %dma_start3A_323 = arith.constant 0 : i32
      %dma_start3A_324 = tpu.memref_slice %arg8[%multiple_of3A_192, %dma_start3A_323] : memref<10112x128xf32, #tpu.memory_space<vmem_shared>> -> memref<56x128xf32, #tpu.memory_space<vmem_shared>>
      %dma_start3A_325 = arith.constant 0 : i32
      %dma_start3A_326 = tpu.memref_slice %arg8[%multiple_of3A_192, %dma_start3A_325] : memref<10112x128xf32, #tpu.memory_space<vmem_shared>> -> memref<56x128xf32, #tpu.memory_space<vmem_shared>>
      %dma_start3A_327 = arith.constant 0 : i32
      %dma_start3A_328 = arith.constant 0 : i32
      %dma_start3A_329 = tpu.memref_slice %arg14[%dma_start3A_327, %dma_start3A_328] : memref<64x128xf32, #tpu.memory_space<vmem>> -> memref<56x128xf32, #tpu.memory_space<vmem>>
      tpu.enqueue_dma source(%dma_start3A_329 : memref<56x128xf32, #tpu.memory_space<vmem>>) target(%dma_start3A_326 : memref<56x128xf32, #tpu.memory_space<vmem_shared>>) target_semaphore(%run_scoped3A : memref<!tpu.dma_semaphore, #tpu.memory_space<semaphore_mem>>)
      %dma_wait3A_330 = arith.constant 0 : i32
      %dma_wait3A_331 = arith.constant 0 : i32
      %dma_wait3A_332 = tpu.memref_slice %arg14[%dma_wait3A_330, %dma_wait3A_331] : memref<64x128xf32, #tpu.memory_space<vmem>> -> memref<56x128xf32, #tpu.memory_space<vmem>>
      %dma_wait3A_333 = arith.constant 0 : i32
      %dma_wait3A_334 = tpu.memref_slice %arg8[%multiple_of3A_192, %dma_wait3A_333] : memref<10112x128xf32, #tpu.memory_space<vmem_shared>> -> memref<56x128xf32, #tpu.memory_space<vmem_shared>>
      %dma_wait3A_335 = arith.constant 0 : i32
      %dma_wait3A_336 = tpu.memref_slice %arg8[%multiple_of3A_192, %dma_wait3A_335] : memref<10112x128xf32, #tpu.memory_space<vmem_shared>> -> memref<56x128xf32, #tpu.memory_space<vmem_shared>>
      %dma_wait3A_337 = arith.constant 0 : i32
      %dma_wait3A_338 = arith.constant 0 : i32
      %dma_wait3A_339 = tpu.memref_slice %arg14[%dma_wait3A_337, %dma_wait3A_338] : memref<64x128xf32, #tpu.memory_space<vmem>> -> memref<56x128xf32, #tpu.memory_space<vmem>>
      tpu.wait_dma2 semaphore(%run_scoped3A : memref<!tpu.dma_semaphore, #tpu.memory_space<semaphore_mem>>) src(%dma_wait3A_339 : memref<56x128xf32, #tpu.memory_space<vmem>>) dst(%dma_wait3A_336 : memref<56x128xf32, #tpu.memory_space<vmem_shared>>)
      tpu.yield
    }) : () -> ()
    "tpu.region"() ({
      %run_scoped3A = tpu.sem_alloc : memref<!tpu.dma_semaphore, #tpu.memory_space<semaphore_mem>>
      %dma_start3A_320 = arith.constant 0 : i32
      %dma_start3A_321 = arith.constant 0 : i32
      %dma_start3A_322 = tpu.memref_slice %arg17[%dma_start3A_320, %dma_start3A_321] : memref<64x16xf32, #tpu.memory_space<vmem>> -> memref<56x16xf32, #tpu.memory_space<vmem>>
      %dma_start3A_323 = arith.constant 0 : i32
      %dma_start3A_324 = tpu.memref_slice %arg10[%multiple_of3A_192, %dma_start3A_323] : memref<10112x16xf32, #tpu.memory_space<vmem_shared>> -> memref<56x16xf32, #tpu.memory_space<vmem_shared>>
      %dma_start3A_325 = arith.constant 0 : i32
      %dma_start3A_326 = tpu.memref_slice %arg10[%multiple_of3A_192, %dma_start3A_325] : memref<10112x16xf32, #tpu.memory_space<vmem_shared>> -> memref<56x16xf32, #tpu.memory_space<vmem_shared>>
      %dma_start3A_327 = arith.constant 0 : i32
      %dma_start3A_328 = arith.constant 0 : i32
      %dma_start3A_329 = tpu.memref_slice %arg17[%dma_start3A_327, %dma_start3A_328] : memref<64x16xf32, #tpu.memory_space<vmem>> -> memref<56x16xf32, #tpu.memory_space<vmem>>
      tpu.enqueue_dma source(%dma_start3A_329 : memref<56x16xf32, #tpu.memory_space<vmem>>) target(%dma_start3A_326 : memref<56x16xf32, #tpu.memory_space<vmem_shared>>) target_semaphore(%run_scoped3A : memref<!tpu.dma_semaphore, #tpu.memory_space<semaphore_mem>>)
      %dma_wait3A_330 = arith.constant 0 : i32
      %dma_wait3A_331 = arith.constant 0 : i32
      %dma_wait3A_332 = tpu.memref_slice %arg17[%dma_wait3A_330, %dma_wait3A_331] : memref<64x16xf32, #tpu.memory_space<vmem>> -> memref<56x16xf32, #tpu.memory_space<vmem>>
      %dma_wait3A_333 = arith.constant 0 : i32
      %dma_wait3A_334 = tpu.memref_slice %arg10[%multiple_of3A_192, %dma_wait3A_333] : memref<10112x16xf32, #tpu.memory_space<vmem_shared>> -> memref<56x16xf32, #tpu.memory_space<vmem_shared>>
      %dma_wait3A_335 = arith.constant 0 : i32
      %dma_wait3A_336 = tpu.memref_slice %arg10[%multiple_of3A_192, %dma_wait3A_335] : memref<10112x16xf32, #tpu.memory_space<vmem_shared>> -> memref<56x16xf32, #tpu.memory_space<vmem_shared>>
      %dma_wait3A_337 = arith.constant 0 : i32
      %dma_wait3A_338 = arith.constant 0 : i32
      %dma_wait3A_339 = tpu.memref_slice %arg17[%dma_wait3A_337, %dma_wait3A_338] : memref<64x16xf32, #tpu.memory_space<vmem>> -> memref<56x16xf32, #tpu.memory_space<vmem>>
      tpu.wait_dma2 semaphore(%run_scoped3A : memref<!tpu.dma_semaphore, #tpu.memory_space<semaphore_mem>>) src(%dma_wait3A_339 : memref<56x16xf32, #tpu.memory_space<vmem>>) dst(%dma_wait3A_336 : memref<56x16xf32, #tpu.memory_space<vmem_shared>>)
      tpu.yield
    }) : () -> ()
    %add3A_193 = arith.constant 0 : i32
    %add3A_194 = arith.addi %add3A_193, %arg1 : i32
    %dma_start3A_195 = arith.constant 0 : i32
    %dma_start3A_196 = arith.constant 0 : i32
    %dma_start3A_197 = arith.constant 0 : i32
    %dma_start3A_198 = tpu.memref_slice %arg3[%add3A_169, %dma_start3A_195, %dma_start3A_196, %dma_start3A_197] : memref<4x1250x2x64xi32, #tpu.memory_space<hbm>> -> memref<1x1250x2x64xi32, #tpu.memory_space<hbm>>
    %dma_start3A_199 = tpu.memref_squeeze %dma_start3A_198 : memref<1x1250x2x64xi32, #tpu.memory_space<hbm>> -> memref<1250x2x64xi32, #tpu.memory_space<hbm>>
    %dma_start3A_200 = arith.constant 0 : i32
    %dma_start3A_201 = arith.constant 0 : i32
    %dma_start3A_202 = tpu.memref_slice %dma_start3A_199[%add3A_194, %dma_start3A_200, %dma_start3A_201] : memref<1250x2x64xi32, #tpu.memory_space<hbm>> -> memref<1x2x64xi32, #tpu.memory_space<hbm>>
    %dma_start3A_203 = tpu.memref_squeeze %dma_start3A_202 : memref<1x2x64xi32, #tpu.memory_space<hbm>> -> memref<2x64xi32, #tpu.memory_space<hbm>>
    %dma_start3A_204 = arith.constant 0 : i32
    %dma_start3A_205 = arith.constant 0 : i32
    %dma_start3A_206 = arith.constant 0 : i32
    %dma_start3A_207 = tpu.memref_slice %arg3[%add3A_169, %dma_start3A_204, %dma_start3A_205, %dma_start3A_206] : memref<4x1250x2x64xi32, #tpu.memory_space<hbm>> -> memref<1x1250x2x64xi32, #tpu.memory_space<hbm>>
    %dma_start3A_208 = tpu.memref_squeeze %dma_start3A_207 : memref<1x1250x2x64xi32, #tpu.memory_space<hbm>> -> memref<1250x2x64xi32, #tpu.memory_space<hbm>>
    %dma_start3A_209 = arith.constant 0 : i32
    %dma_start3A_210 = arith.constant 0 : i32
    %dma_start3A_211 = tpu.memref_slice %dma_start3A_208[%add3A_194, %dma_start3A_209, %dma_start3A_210] : memref<1250x2x64xi32, #tpu.memory_space<hbm>> -> memref<1x2x64xi32, #tpu.memory_space<hbm>>
    %dma_start3A_212 = tpu.memref_squeeze %dma_start3A_211 : memref<1x2x64xi32, #tpu.memory_space<hbm>> -> memref<2x64xi32, #tpu.memory_space<hbm>>
    tpu.enqueue_dma source(%dma_start3A_212 : memref<2x64xi32, #tpu.memory_space<hbm>>) target(%arg11 : memref<2x64xi32, #tpu.memory_space<vmem>>) target_semaphore(%arg21 : memref<!tpu.dma_semaphore, #tpu.memory_space<semaphore_mem>>)
    %add3A_213 = arith.constant 16 : i32
    %add3A_214 = arith.addi %add3A_213, %arg1 : i32
    %dma_start3A_215 = arith.constant 0 : i32
    %dma_start3A_216 = arith.constant 0 : i32
    %dma_start3A_217 = arith.constant 0 : i32
    %dma_start3A_218 = tpu.memref_slice %arg3[%add3A_169, %dma_start3A_215, %dma_start3A_216, %dma_start3A_217] : memref<4x1250x2x64xi32, #tpu.memory_space<hbm>> -> memref<1x1250x2x64xi32, #tpu.memory_space<hbm>>
    %dma_start3A_219 = tpu.memref_squeeze %dma_start3A_218 : memref<1x1250x2x64xi32, #tpu.memory_space<hbm>> -> memref<1250x2x64xi32, #tpu.memory_space<hbm>>
    %dma_start3A_220 = arith.constant 0 : i32
    %dma_start3A_221 = arith.constant 0 : i32
    %dma_start3A_222 = tpu.memref_slice %dma_start3A_219[%add3A_214, %dma_start3A_220, %dma_start3A_221] : memref<1250x2x64xi32, #tpu.memory_space<hbm>> -> memref<1x2x64xi32, #tpu.memory_space<hbm>>
    %dma_start3A_223 = tpu.memref_squeeze %dma_start3A_222 : memref<1x2x64xi32, #tpu.memory_space<hbm>> -> memref<2x64xi32, #tpu.memory_space<hbm>>
    %dma_start3A_224 = arith.constant 0 : i32
    %dma_start3A_225 = arith.constant 0 : i32
    %dma_start3A_226 = arith.constant 0 : i32
    %dma_start3A_227 = tpu.memref_slice %arg3[%add3A_169, %dma_start3A_224, %dma_start3A_225, %dma_start3A_226] : memref<4x1250x2x64xi32, #tpu.memory_space<hbm>> -> memref<1x1250x2x64xi32, #tpu.memory_space<hbm>>
    %dma_start3A_228 = tpu.memref_squeeze %dma_start3A_227 : memref<1x1250x2x64xi32, #tpu.memory_space<hbm>> -> memref<1250x2x64xi32, #tpu.memory_space<hbm>>
    %dma_start3A_229 = arith.constant 0 : i32
    %dma_start3A_230 = arith.constant 0 : i32
    %dma_start3A_231 = tpu.memref_slice %dma_start3A_228[%add3A_214, %dma_start3A_229, %dma_start3A_230] : memref<1250x2x64xi32, #tpu.memory_space<hbm>> -> memref<1x2x64xi32, #tpu.memory_space<hbm>>
    %dma_start3A_232 = tpu.memref_squeeze %dma_start3A_231 : memref<1x2x64xi32, #tpu.memory_space<hbm>> -> memref<2x64xi32, #tpu.memory_space<hbm>>
    tpu.enqueue_dma source(%dma_start3A_232 : memref<2x64xi32, #tpu.memory_space<hbm>>) target(%arg12 : memref<2x64xi32, #tpu.memory_space<vmem>>) target_semaphore(%arg22 : memref<!tpu.dma_semaphore, #tpu.memory_space<semaphore_mem>>)
    %add3A_233 = arith.constant 32 : i32
    %add3A_234 = arith.addi %add3A_233, %arg1 : i32
    %dma_start3A_235 = arith.constant 0 : i32
    %dma_start3A_236 = arith.constant 0 : i32
    %dma_start3A_237 = arith.constant 0 : i32
    %dma_start3A_238 = tpu.memref_slice %arg3[%add3A_169, %dma_start3A_235, %dma_start3A_236, %dma_start3A_237] : memref<4x1250x2x64xi32, #tpu.memory_space<hbm>> -> memref<1x1250x2x64xi32, #tpu.memory_space<hbm>>
    %dma_start3A_239 = tpu.memref_squeeze %dma_start3A_238 : memref<1x1250x2x64xi32, #tpu.memory_space<hbm>> -> memref<1250x2x64xi32, #tpu.memory_space<hbm>>
    %dma_start3A_240 = arith.constant 0 : i32
    %dma_start3A_241 = arith.constant 0 : i32
    %dma_start3A_242 = tpu.memref_slice %dma_start3A_239[%add3A_234, %dma_start3A_240, %dma_start3A_241] : memref<1250x2x64xi32, #tpu.memory_space<hbm>> -> memref<1x2x64xi32, #tpu.memory_space<hbm>>
    %dma_start3A_243 = tpu.memref_squeeze %dma_start3A_242 : memref<1x2x64xi32, #tpu.memory_space<hbm>> -> memref<2x64xi32, #tpu.memory_space<hbm>>
    %dma_start3A_244 = arith.constant 0 : i32
    %dma_start3A_245 = arith.constant 0 : i32
    %dma_start3A_246 = arith.constant 0 : i32
    %dma_start3A_247 = tpu.memref_slice %arg3[%add3A_169, %dma_start3A_244, %dma_start3A_245, %dma_start3A_246] : memref<4x1250x2x64xi32, #tpu.memory_space<hbm>> -> memref<1x1250x2x64xi32, #tpu.memory_space<hbm>>
    %dma_start3A_248 = tpu.memref_squeeze %dma_start3A_247 : memref<1x1250x2x64xi32, #tpu.memory_space<hbm>> -> memref<1250x2x64xi32, #tpu.memory_space<hbm>>
    %dma_start3A_249 = arith.constant 0 : i32
    %dma_start3A_250 = arith.constant 0 : i32
    %dma_start3A_251 = tpu.memref_slice %dma_start3A_248[%add3A_234, %dma_start3A_249, %dma_start3A_250] : memref<1250x2x64xi32, #tpu.memory_space<hbm>> -> memref<1x2x64xi32, #tpu.memory_space<hbm>>
    %dma_start3A_252 = tpu.memref_squeeze %dma_start3A_251 : memref<1x2x64xi32, #tpu.memory_space<hbm>> -> memref<2x64xi32, #tpu.memory_space<hbm>>
    tpu.enqueue_dma source(%dma_start3A_252 : memref<2x64xi32, #tpu.memory_space<hbm>>) target(%arg13 : memref<2x64xi32, #tpu.memory_space<vmem>>) target_semaphore(%arg23 : memref<!tpu.dma_semaphore, #tpu.memory_space<semaphore_mem>>)
    %add3A_253 = arith.constant 0 : i32
    %add3A_254 = arith.addi %add3A_253, %arg1 : i32
    %dma_wait3A_255 = arith.constant 0 : i32
    %dma_wait3A_256 = arith.constant 0 : i32
    %dma_wait3A_257 = arith.constant 0 : i32
    %dma_wait3A_258 = tpu.memref_slice %arg3[%add3A_169, %dma_wait3A_255, %dma_wait3A_256, %dma_wait3A_257] : memref<4x1250x2x64xi32, #tpu.memory_space<hbm>> -> memref<1x1250x2x64xi32, #tpu.memory_space<hbm>>
    %dma_wait3A_259 = tpu.memref_squeeze %dma_wait3A_258 : memref<1x1250x2x64xi32, #tpu.memory_space<hbm>> -> memref<1250x2x64xi32, #tpu.memory_space<hbm>>
    %dma_wait3A_260 = arith.constant 0 : i32
    %dma_wait3A_261 = arith.constant 0 : i32
    %dma_wait3A_262 = tpu.memref_slice %dma_wait3A_259[%add3A_254, %dma_wait3A_260, %dma_wait3A_261] : memref<1250x2x64xi32, #tpu.memory_space<hbm>> -> memref<1x2x64xi32, #tpu.memory_space<hbm>>
    %dma_wait3A_263 = tpu.memref_squeeze %dma_wait3A_262 : memref<1x2x64xi32, #tpu.memory_space<hbm>> -> memref<2x64xi32, #tpu.memory_space<hbm>>
    %dma_wait3A_264 = arith.constant 0 : i32
    %dma_wait3A_265 = arith.constant 0 : i32
    %dma_wait3A_266 = arith.constant 0 : i32
    %dma_wait3A_267 = tpu.memref_slice %arg3[%add3A_169, %dma_wait3A_264, %dma_wait3A_265, %dma_wait3A_266] : memref<4x1250x2x64xi32, #tpu.memory_space<hbm>> -> memref<1x1250x2x64xi32, #tpu.memory_space<hbm>>
    %dma_wait3A_268 = tpu.memref_squeeze %dma_wait3A_267 : memref<1x1250x2x64xi32, #tpu.memory_space<hbm>> -> memref<1250x2x64xi32, #tpu.memory_space<hbm>>
    %dma_wait3A_269 = arith.constant 0 : i32
    %dma_wait3A_270 = arith.constant 0 : i32
    %dma_wait3A_271 = tpu.memref_slice %dma_wait3A_268[%add3A_254, %dma_wait3A_269, %dma_wait3A_270] : memref<1250x2x64xi32, #tpu.memory_space<hbm>> -> memref<1x2x64xi32, #tpu.memory_space<hbm>>
    %dma_wait3A_272 = tpu.memref_squeeze %dma_wait3A_271 : memref<1x2x64xi32, #tpu.memory_space<hbm>> -> memref<2x64xi32, #tpu.memory_space<hbm>>
    tpu.wait_dma2 semaphore(%arg21 : memref<!tpu.dma_semaphore, #tpu.memory_space<semaphore_mem>>) src(%dma_wait3A_272 : memref<2x64xi32, #tpu.memory_space<hbm>>) dst(%arg11 : memref<2x64xi32, #tpu.memory_space<vmem>>)
    %dma_start3A_273 = arith.constant 0 : i32
    %dma_start3A_274 = arith.constant 0 : i32
    %dma_start3A_275 = tpu.memref_slice %arg11[%dma_start3A_273, %dma_start3A_274] : memref<2x64xi32, #tpu.memory_space<vmem>> -> memref<1x64xi32, #tpu.memory_space<vmem>>
    %dma_start3A_276 = tpu.memref_squeeze %dma_start3A_275 : memref<1x64xi32, #tpu.memory_space<vmem>> -> memref<64xi32, #tpu.memory_space<vmem>>
    %dma_start3A_277 = arith.constant 0 : i32
    %dma_start3A_278 = arith.constant 0 : i32
    %dma_start3A_279 = tpu.memref_slice %arg2[%dma_start3A_277, %dma_start3A_278] : memref<10000x128xf32, #tpu.memory_space<hbm>> -> memref<10000x128xf32, #tpu.memory_space<hbm>>
    tpu.enqueue_indirect_dma source(%dma_start3A_279 : memref<10000x128xf32, #tpu.memory_space<hbm>>) target(%arg14 : memref<64x128xf32, #tpu.memory_space<vmem>>) offsets(%dma_start3A_276 : memref<64xi32, #tpu.memory_space<vmem>>) semaphore(%arg24 : memref<!tpu.dma_semaphore, #tpu.memory_space<semaphore_mem>>)
    %add3A_280 = arith.constant 16 : i32
    %add3A_281 = arith.addi %add3A_280, %arg1 : i32
    %dma_wait3A_282 = arith.constant 0 : i32
    %dma_wait3A_283 = arith.constant 0 : i32
    %dma_wait3A_284 = arith.constant 0 : i32
    %dma_wait3A_285 = tpu.memref_slice %arg3[%add3A_169, %dma_wait3A_282, %dma_wait3A_283, %dma_wait3A_284] : memref<4x1250x2x64xi32, #tpu.memory_space<hbm>> -> memref<1x1250x2x64xi32, #tpu.memory_space<hbm>>
    %dma_wait3A_286 = tpu.memref_squeeze %dma_wait3A_285 : memref<1x1250x2x64xi32, #tpu.memory_space<hbm>> -> memref<1250x2x64xi32, #tpu.memory_space<hbm>>
    %dma_wait3A_287 = arith.constant 0 : i32
    %dma_wait3A_288 = arith.constant 0 : i32
    %dma_wait3A_289 = tpu.memref_slice %dma_wait3A_286[%add3A_281, %dma_wait3A_287, %dma_wait3A_288] : memref<1250x2x64xi32, #tpu.memory_space<hbm>> -> memref<1x2x64xi32, #tpu.memory_space<hbm>>
    %dma_wait3A_290 = tpu.memref_squeeze %dma_wait3A_289 : memref<1x2x64xi32, #tpu.memory_space<hbm>> -> memref<2x64xi32, #tpu.memory_space<hbm>>
    %dma_wait3A_291 = arith.constant 0 : i32
    %dma_wait3A_292 = arith.constant 0 : i32
    %dma_wait3A_293 = arith.constant 0 : i32
    %dma_wait3A_294 = tpu.memref_slice %arg3[%add3A_169, %dma_wait3A_291, %dma_wait3A_292, %dma_wait3A_293] : memref<4x1250x2x64xi32, #tpu.memory_space<hbm>> -> memref<1x1250x2x64xi32, #tpu.memory_space<hbm>>
    %dma_wait3A_295 = tpu.memref_squeeze %dma_wait3A_294 : memref<1x1250x2x64xi32, #tpu.memory_space<hbm>> -> memref<1250x2x64xi32, #tpu.memory_space<hbm>>
    %dma_wait3A_296 = arith.constant 0 : i32
    %dma_wait3A_297 = arith.constant 0 : i32
    %dma_wait3A_298 = tpu.memref_slice %dma_wait3A_295[%add3A_281, %dma_wait3A_296, %dma_wait3A_297] : memref<1250x2x64xi32, #tpu.memory_space<hbm>> -> memref<1x2x64xi32, #tpu.memory_space<hbm>>
    %dma_wait3A_299 = tpu.memref_squeeze %dma_wait3A_298 : memref<1x2x64xi32, #tpu.memory_space<hbm>> -> memref<2x64xi32, #tpu.memory_space<hbm>>
    tpu.wait_dma2 semaphore(%arg22 : memref<!tpu.dma_semaphore, #tpu.memory_space<semaphore_mem>>) src(%dma_wait3A_299 : memref<2x64xi32, #tpu.memory_space<hbm>>) dst(%arg12 : memref<2x64xi32, #tpu.memory_space<vmem>>)
    %dma_start3A_300 = arith.constant 0 : i32
    %dma_start3A_301 = arith.constant 0 : i32
    %dma_start3A_302 = tpu.memref_slice %arg12[%dma_start3A_300, %dma_start3A_301] : memref<2x64xi32, #tpu.memory_space<vmem>> -> memref<1x64xi32, #tpu.memory_space<vmem>>
    %dma_start3A_303 = tpu.memref_squeeze %dma_start3A_302 : memref<1x64xi32, #tpu.memory_space<vmem>> -> memref<64xi32, #tpu.memory_space<vmem>>
    %dma_start3A_304 = arith.constant 0 : i32
    %dma_start3A_305 = arith.constant 0 : i32
    %dma_start3A_306 = tpu.memref_slice %arg2[%dma_start3A_304, %dma_start3A_305] : memref<10000x128xf32, #tpu.memory_space<hbm>> -> memref<10000x128xf32, #tpu.memory_space<hbm>>
    tpu.enqueue_indirect_dma source(%dma_start3A_306 : memref<10000x128xf32, #tpu.memory_space<hbm>>) target(%arg15 : memref<64x128xf32, #tpu.memory_space<vmem>>) offsets(%dma_start3A_303 : memref<64xi32, #tpu.memory_space<vmem>>) semaphore(%arg25 : memref<!tpu.dma_semaphore, #tpu.memory_space<semaphore_mem>>)
    %barrier3A_307 = arith.constant 0 : index
    tpu.barrier barrier_id(%barrier3A_307)
    %scan3A_308 = arith.constant 0 : i32
    %scan3A_309 = arith.constant 0 : i32
    %scan3A_310 = arith.constant 26 : i32
    %scan3A_311 = arith.addi %scan3A_309, %scan3A_310 : i32
    %scan3A_312 = arith.constant 1 : i32
    scf.for %scan3A_320 = %scan3A_309 to %scan3A_311 step %scan3A_312  : i32 {
      %mul3A_321 = arith.constant 3 : i32
      %mul3A_322 = arith.muli %mul3A_321, %scan3A_320 : i32
      %add3A_323 = arith.constant 0 : i32
      %add3A_324 = arith.addi %mul3A_322, %add3A_323 : i32
      %add3A_325 = arith.constant 2 : i32
      %add3A_326 = arith.addi %add3A_324, %add3A_325 : i32
      %lt3A_327 = arith.constant 78 : i32
      %lt3A_328 = arith.cmpi slt, %add3A_326, %lt3A_327 : i32
      %eq3A = arith.constant 78 : i32
      %eq3A_329 = arith.cmpi eq, %add3A_326, %eq3A : i32
      %lt3A_330 = arith.constant 2 : i32
      %lt3A_331 = arith.cmpi slt, %arg1, %lt3A_330 : i32
      %and3A = arith.andi %eq3A_329, %lt3A_331 : i1
      %or3A = arith.ori %lt3A_328, %and3A : i1
      %convert_element_type3A_332 = arith.extui %or3A : i1 to i32
      %cond3A_333 = arith.constant 0 : i32
      %cond3A_334 = arith.cmpi ne, %convert_element_type3A_332, %cond3A_333 : i32
      scf.if %cond3A_334 {
        %add3A_522 = arith.constant 2 : i32
        %add3A_523 = arith.addi %add3A_324, %add3A_522 : i32
        %mul3A_524 = arith.constant 16 : i32
        %mul3A_525 = arith.muli %add3A_523, %mul3A_524 : i32
        %add3A_526 = arith.addi %mul3A_525, %arg1 : i32
        %dma_wait3A_527 = arith.constant 0 : i32
        %dma_wait3A_528 = arith.constant 0 : i32
        %dma_wait3A_529 = arith.constant 0 : i32
        %dma_wait3A_530 = tpu.memref_slice %arg3[%add3A_169, %dma_wait3A_527, %dma_wait3A_528, %dma_wait3A_529] : memref<4x1250x2x64xi32, #tpu.memory_space<hbm>> -> memref<1x1250x2x64xi32, #tpu.memory_space<hbm>>
        %dma_wait3A_531 = tpu.memref_squeeze %dma_wait3A_530 : memref<1x1250x2x64xi32, #tpu.memory_space<hbm>> -> memref<1250x2x64xi32, #tpu.memory_space<hbm>>
        %dma_wait3A_532 = arith.constant 0 : i32
        %dma_wait3A_533 = arith.constant 0 : i32
        %dma_wait3A_534 = tpu.memref_slice %dma_wait3A_531[%add3A_526, %dma_wait3A_532, %dma_wait3A_533] : memref<1250x2x64xi32, #tpu.memory_space<hbm>> -> memref<1x2x64xi32, #tpu.memory_space<hbm>>
        %dma_wait3A_535 = tpu.memref_squeeze %dma_wait3A_534 : memref<1x2x64xi32, #tpu.memory_space<hbm>> -> memref<2x64xi32, #tpu.memory_space<hbm>>
        %dma_wait3A_536 = arith.constant 0 : i32
        %dma_wait3A_537 = arith.constant 0 : i32
        %dma_wait3A_538 = arith.constant 0 : i32
        %dma_wait3A_539 = tpu.memref_slice %arg3[%add3A_169, %dma_wait3A_536, %dma_wait3A_537, %dma_wait3A_538] : memref<4x1250x2x64xi32, #tpu.memory_space<hbm>> -> memref<1x1250x2x64xi32, #tpu.memory_space<hbm>>
        %dma_wait3A_540 = tpu.memref_squeeze %dma_wait3A_539 : memref<1x1250x2x64xi32, #tpu.memory_space<hbm>> -> memref<1250x2x64xi32, #tpu.memory_space<hbm>>
        %dma_wait3A_541 = arith.constant 0 : i32
        %dma_wait3A_542 = arith.constant 0 : i32
        %dma_wait3A_543 = tpu.memref_slice %dma_wait3A_540[%add3A_526, %dma_wait3A_541, %dma_wait3A_542] : memref<1250x2x64xi32, #tpu.memory_space<hbm>> -> memref<1x2x64xi32, #tpu.memory_space<hbm>>
        %dma_wait3A_544 = tpu.memref_squeeze %dma_wait3A_543 : memref<1x2x64xi32, #tpu.memory_space<hbm>> -> memref<2x64xi32, #tpu.memory_space<hbm>>
        tpu.wait_dma2 semaphore(%arg23 : memref<!tpu.dma_semaphore, #tpu.memory_space<semaphore_mem>>) src(%dma_wait3A_544 : memref<2x64xi32, #tpu.memory_space<hbm>>) dst(%arg13 : memref<2x64xi32, #tpu.memory_space<vmem>>)
        %dma_start3A_545 = arith.constant 0 : i32
        %dma_start3A_546 = arith.constant 0 : i32
        %dma_start3A_547 = tpu.memref_slice %arg13[%dma_start3A_545, %dma_start3A_546] : memref<2x64xi32, #tpu.memory_space<vmem>> -> memref<1x64xi32, #tpu.memory_space<vmem>>
        %dma_start3A_548 = tpu.memref_squeeze %dma_start3A_547 : memref<1x64xi32, #tpu.memory_space<vmem>> -> memref<64xi32, #tpu.memory_space<vmem>>
        %dma_start3A_549 = arith.constant 0 : i32
        %dma_start3A_550 = arith.constant 0 : i32
        %dma_start3A_551 = tpu.memref_slice %arg2[%dma_start3A_549, %dma_start3A_550] : memref<10000x128xf32, #tpu.memory_space<hbm>> -> memref<10000x128xf32, #tpu.memory_space<hbm>>
        tpu.enqueue_indirect_dma source(%dma_start3A_551 : memref<10000x128xf32, #tpu.memory_space<hbm>>) target(%arg16 : memref<64x128xf32, #tpu.memory_space<vmem>>) offsets(%dma_start3A_548 : memref<64xi32, #tpu.memory_space<vmem>>) semaphore(%arg26 : memref<!tpu.dma_semaphore, #tpu.memory_space<semaphore_mem>>)
      } else {
      }
      %mul3A_335 = arith.constant 16 : i32
      %mul3A_336 = arith.muli %add3A_324, %mul3A_335 : i32
      %add3A_337 = arith.addi %mul3A_336, %arg1 : i32
      %dma_wait3A_338 = arith.constant 0 : i32
      %dma_wait3A_339 = arith.constant 0 : i32
      %dma_wait3A_340 = tpu.memref_slice %arg11[%dma_wait3A_338, %dma_wait3A_339] : memref<2x64xi32, #tpu.memory_space<vmem>> -> memref<1x64xi32, #tpu.memory_space<vmem>>
      %dma_wait3A_341 = tpu.memref_squeeze %dma_wait3A_340 : memref<1x64xi32, #tpu.memory_space<vmem>> -> memref<64xi32, #tpu.memory_space<vmem>>
      %dma_wait3A_342 = arith.constant 0 : i32
      %dma_wait3A_343 = arith.constant 0 : i32
      %dma_wait3A_344 = tpu.memref_slice %arg2[%dma_wait3A_342, %dma_wait3A_343] : memref<10000x128xf32, #tpu.memory_space<hbm>> -> memref<10000x128xf32, #tpu.memory_space<hbm>>
      tpu.wait_indirect_dma semaphore(%arg24 : memref<!tpu.dma_semaphore, #tpu.memory_space<semaphore_mem>>) src(%dma_wait3A_344 : memref<10000x128xf32, #tpu.memory_space<hbm>>) dst(%arg14 : memref<64x128xf32, #tpu.memory_space<vmem>>)
      %dma_start3A_345 = arith.constant 1 : i32
      %dma_start3A_346 = arith.constant 0 : i32
      %dma_start3A_347 = tpu.memref_slice %arg11[%dma_start3A_345, %dma_start3A_346] : memref<2x64xi32, #tpu.memory_space<vmem>> -> memref<1x64xi32, #tpu.memory_space<vmem>>
      %dma_start3A_348 = tpu.memref_squeeze %dma_start3A_347 : memref<1x64xi32, #tpu.memory_space<vmem>> -> memref<64xi32, #tpu.memory_space<vmem>>
      %dma_start3A_349 = arith.constant 0 : i32
      %dma_start3A_350 = arith.constant 0 : i32
      %dma_start3A_351 = tpu.memref_slice %arg8[%dma_start3A_349, %dma_start3A_350] : memref<10112x128xf32, #tpu.memory_space<vmem_shared>> -> memref<10112x128xf32, #tpu.memory_space<vmem_shared>>
      tpu.enqueue_indirect_dma source(%arg14 : memref<64x128xf32, #tpu.memory_space<vmem>>) target(%dma_start3A_351 : memref<10112x128xf32, #tpu.memory_space<vmem_shared>>) offsets(%dma_start3A_348 : memref<64xi32, #tpu.memory_space<vmem>>) semaphore(%arg30 : memref<!tpu.dma_semaphore, #tpu.memory_space<semaphore_mem>>) {add = true}
      %dma_start3A_352 = arith.constant 1 : i32
      %dma_start3A_353 = arith.constant 0 : i32
      %dma_start3A_354 = tpu.memref_slice %arg11[%dma_start3A_352, %dma_start3A_353] : memref<2x64xi32, #tpu.memory_space<vmem>> -> memref<1x64xi32, #tpu.memory_space<vmem>>
      %dma_start3A_355 = tpu.memref_squeeze %dma_start3A_354 : memref<1x64xi32, #tpu.memory_space<vmem>> -> memref<64xi32, #tpu.memory_space<vmem>>
      %dma_start3A_356 = arith.constant 0 : i32
      %dma_start3A_357 = arith.constant 0 : i32
      %dma_start3A_358 = tpu.memref_slice %arg10[%dma_start3A_356, %dma_start3A_357] : memref<10112x16xf32, #tpu.memory_space<vmem_shared>> -> memref<10112x16xf32, #tpu.memory_space<vmem_shared>>
      tpu.enqueue_indirect_dma source(%arg20 : memref<64x16xf32, #tpu.memory_space<vmem>>) target(%dma_start3A_358 : memref<10112x16xf32, #tpu.memory_space<vmem_shared>>) offsets(%dma_start3A_355 : memref<64xi32, #tpu.memory_space<vmem>>) semaphore(%arg30 : memref<!tpu.dma_semaphore, #tpu.memory_space<semaphore_mem>>) {add = true}
      %dma_wait3A_359 = arith.constant 1 : i32
      %dma_wait3A_360 = arith.constant 0 : i32
      %dma_wait3A_361 = tpu.memref_slice %arg11[%dma_wait3A_359, %dma_wait3A_360] : memref<2x64xi32, #tpu.memory_space<vmem>> -> memref<1x64xi32, #tpu.memory_space<vmem>>
      %dma_wait3A_362 = tpu.memref_squeeze %dma_wait3A_361 : memref<1x64xi32, #tpu.memory_space<vmem>> -> memref<64xi32, #tpu.memory_space<vmem>>
      %dma_wait3A_363 = arith.constant 0 : i32
      %dma_wait3A_364 = arith.constant 0 : i32
      %dma_wait3A_365 = tpu.memref_slice %arg8[%dma_wait3A_363, %dma_wait3A_364] : memref<10112x128xf32, #tpu.memory_space<vmem_shared>> -> memref<10112x128xf32, #tpu.memory_space<vmem_shared>>
      tpu.wait_indirect_dma semaphore(%arg30 : memref<!tpu.dma_semaphore, #tpu.memory_space<semaphore_mem>>) src(%arg14 : memref<64x128xf32, #tpu.memory_space<vmem>>) dst(%dma_wait3A_365 : memref<10112x128xf32, #tpu.memory_space<vmem_shared>>)
      %dma_wait3A_366 = arith.constant 1 : i32
      %dma_wait3A_367 = arith.constant 0 : i32
      %dma_wait3A_368 = tpu.memref_slice %arg11[%dma_wait3A_366, %dma_wait3A_367] : memref<2x64xi32, #tpu.memory_space<vmem>> -> memref<1x64xi32, #tpu.memory_space<vmem>>
      %dma_wait3A_369 = tpu.memref_squeeze %dma_wait3A_368 : memref<1x64xi32, #tpu.memory_space<vmem>> -> memref<64xi32, #tpu.memory_space<vmem>>
      %dma_wait3A_370 = arith.constant 0 : i32
      %dma_wait3A_371 = arith.constant 0 : i32
      %dma_wait3A_372 = tpu.memref_slice %arg10[%dma_wait3A_370, %dma_wait3A_371] : memref<10112x16xf32, #tpu.memory_space<vmem_shared>> -> memref<10112x16xf32, #tpu.memory_space<vmem_shared>>
      tpu.wait_indirect_dma semaphore(%arg30 : memref<!tpu.dma_semaphore, #tpu.memory_space<semaphore_mem>>) src(%arg20 : memref<64x16xf32, #tpu.memory_space<vmem>>) dst(%dma_wait3A_372 : memref<10112x16xf32, #tpu.memory_space<vmem_shared>>)
      %add3A_373 = arith.constant 3 : i32
      %add3A_374 = arith.addi %add3A_324, %add3A_373 : i32
      %lt3A_375 = arith.constant 78 : i32
      %lt3A_376 = arith.cmpi slt, %add3A_374, %lt3A_375 : i32
      %eq3A_377 = arith.constant 78 : i32
      %eq3A_378 = arith.cmpi eq, %add3A_374, %eq3A_377 : i32
      %lt3A_379 = arith.constant 2 : i32
      %lt3A_380 = arith.cmpi slt, %arg1, %lt3A_379 : i32
      %and3A_381 = arith.andi %eq3A_378, %lt3A_380 : i1
      %or3A_382 = arith.ori %lt3A_376, %and3A_381 : i1
      %convert_element_type3A_383 = arith.extui %or3A_382 : i1 to i32
      %cond3A_384 = arith.constant 0 : i32
      %cond3A_385 = arith.cmpi ne, %convert_element_type3A_383, %cond3A_384 : i32
      scf.if %cond3A_385 {
        %add3A_522 = arith.constant 3 : i32
        %add3A_523 = arith.addi %add3A_324, %add3A_522 : i32
        %mul3A_524 = arith.constant 16 : i32
        %mul3A_525 = arith.muli %add3A_523, %mul3A_524 : i32
        %add3A_526 = arith.addi %mul3A_525, %arg1 : i32
        %dma_start3A_527 = arith.constant 0 : i32
        %dma_start3A_528 = arith.constant 0 : i32
        %dma_start3A_529 = arith.constant 0 : i32
        %dma_start3A_530 = tpu.memref_slice %arg3[%add3A_169, %dma_start3A_527, %dma_start3A_528, %dma_start3A_529] : memref<4x1250x2x64xi32, #tpu.memory_space<hbm>> -> memref<1x1250x2x64xi32, #tpu.memory_space<hbm>>
        %dma_start3A_531 = tpu.memref_squeeze %dma_start3A_530 : memref<1x1250x2x64xi32, #tpu.memory_space<hbm>> -> memref<1250x2x64xi32, #tpu.memory_space<hbm>>
        %dma_start3A_532 = arith.constant 0 : i32
        %dma_start3A_533 = arith.constant 0 : i32
        %dma_start3A_534 = tpu.memref_slice %dma_start3A_531[%add3A_526, %dma_start3A_532, %dma_start3A_533] : memref<1250x2x64xi32, #tpu.memory_space<hbm>> -> memref<1x2x64xi32, #tpu.memory_space<hbm>>
        %dma_start3A_535 = tpu.memref_squeeze %dma_start3A_534 : memref<1x2x64xi32, #tpu.memory_space<hbm>> -> memref<2x64xi32, #tpu.memory_space<hbm>>
        %dma_start3A_536 = arith.constant 0 : i32
        %dma_start3A_537 = arith.constant 0 : i32
        %dma_start3A_538 = arith.constant 0 : i32
        %dma_start3A_539 = tpu.memref_slice %arg3[%add3A_169, %dma_start3A_536, %dma_start3A_537, %dma_start3A_538] : memref<4x1250x2x64xi32, #tpu.memory_space<hbm>> -> memref<1x1250x2x64xi32, #tpu.memory_space<hbm>>
        %dma_start3A_540 = tpu.memref_squeeze %dma_start3A_539 : memref<1x1250x2x64xi32, #tpu.memory_space<hbm>> -> memref<1250x2x64xi32, #tpu.memory_space<hbm>>
        %dma_start3A_541 = arith.constant 0 : i32
        %dma_start3A_542 = arith.constant 0 : i32
        %dma_start3A_543 = tpu.memref_slice %dma_start3A_540[%add3A_526, %dma_start3A_541, %dma_start3A_542] : memref<1250x2x64xi32, #tpu.memory_space<hbm>> -> memref<1x2x64xi32, #tpu.memory_space<hbm>>
        %dma_start3A_544 = tpu.memref_squeeze %dma_start3A_543 : memref<1x2x64xi32, #tpu.memory_space<hbm>> -> memref<2x64xi32, #tpu.memory_space<hbm>>
        tpu.enqueue_dma source(%dma_start3A_544 : memref<2x64xi32, #tpu.memory_space<hbm>>) target(%arg11 : memref<2x64xi32, #tpu.memory_space<vmem>>) target_semaphore(%arg21 : memref<!tpu.dma_semaphore, #tpu.memory_space<semaphore_mem>>)
      } else {
      }
      %mul3A_386 = arith.constant 3 : i32
      %mul3A_387 = arith.muli %mul3A_386, %scan3A_320 : i32
      %add3A_388 = arith.constant 1 : i32
      %add3A_389 = arith.addi %mul3A_387, %add3A_388 : i32
      %add3A_390 = arith.constant 2 : i32
      %add3A_391 = arith.addi %add3A_389, %add3A_390 : i32
      %lt3A_392 = arith.constant 78 : i32
      %lt3A_393 = arith.cmpi slt, %add3A_391, %lt3A_392 : i32
      %eq3A_394 = arith.constant 78 : i32
      %eq3A_395 = arith.cmpi eq, %add3A_391, %eq3A_394 : i32
      %lt3A_396 = arith.constant 2 : i32
      %lt3A_397 = arith.cmpi slt, %arg1, %lt3A_396 : i32
      %and3A_398 = arith.andi %eq3A_395, %lt3A_397 : i1
      %or3A_399 = arith.ori %lt3A_393, %and3A_398 : i1
      %convert_element_type3A_400 = arith.extui %or3A_399 : i1 to i32
      %cond3A_401 = arith.constant 0 : i32
      %cond3A_402 = arith.cmpi ne, %convert_element_type3A_400, %cond3A_401 : i32
      scf.if %cond3A_402 {
        %add3A_522 = arith.constant 2 : i32
        %add3A_523 = arith.addi %add3A_389, %add3A_522 : i32
        %mul3A_524 = arith.constant 16 : i32
        %mul3A_525 = arith.muli %add3A_523, %mul3A_524 : i32
        %add3A_526 = arith.addi %mul3A_525, %arg1 : i32
        %dma_wait3A_527 = arith.constant 0 : i32
        %dma_wait3A_528 = arith.constant 0 : i32
        %dma_wait3A_529 = arith.constant 0 : i32
        %dma_wait3A_530 = tpu.memref_slice %arg3[%add3A_169, %dma_wait3A_527, %dma_wait3A_528, %dma_wait3A_529] : memref<4x1250x2x64xi32, #tpu.memory_space<hbm>> -> memref<1x1250x2x64xi32, #tpu.memory_space<hbm>>
        %dma_wait3A_531 = tpu.memref_squeeze %dma_wait3A_530 : memref<1x1250x2x64xi32, #tpu.memory_space<hbm>> -> memref<1250x2x64xi32, #tpu.memory_space<hbm>>
        %dma_wait3A_532 = arith.constant 0 : i32
        %dma_wait3A_533 = arith.constant 0 : i32
        %dma_wait3A_534 = tpu.memref_slice %dma_wait3A_531[%add3A_526, %dma_wait3A_532, %dma_wait3A_533] : memref<1250x2x64xi32, #tpu.memory_space<hbm>> -> memref<1x2x64xi32, #tpu.memory_space<hbm>>
        %dma_wait3A_535 = tpu.memref_squeeze %dma_wait3A_534 : memref<1x2x64xi32, #tpu.memory_space<hbm>> -> memref<2x64xi32, #tpu.memory_space<hbm>>
        %dma_wait3A_536 = arith.constant 0 : i32
        %dma_wait3A_537 = arith.constant 0 : i32
        %dma_wait3A_538 = arith.constant 0 : i32
        %dma_wait3A_539 = tpu.memref_slice %arg3[%add3A_169, %dma_wait3A_536, %dma_wait3A_537, %dma_wait3A_538] : memref<4x1250x2x64xi32, #tpu.memory_space<hbm>> -> memref<1x1250x2x64xi32, #tpu.memory_space<hbm>>
        %dma_wait3A_540 = tpu.memref_squeeze %dma_wait3A_539 : memref<1x1250x2x64xi32, #tpu.memory_space<hbm>> -> memref<1250x2x64xi32, #tpu.memory_space<hbm>>
        %dma_wait3A_541 = arith.constant 0 : i32
        %dma_wait3A_542 = arith.constant 0 : i32
        %dma_wait3A_543 = tpu.memref_slice %dma_wait3A_540[%add3A_526, %dma_wait3A_541, %dma_wait3A_542] : memref<1250x2x64xi32, #tpu.memory_space<hbm>> -> memref<1x2x64xi32, #tpu.memory_space<hbm>>
        %dma_wait3A_544 = tpu.memref_squeeze %dma_wait3A_543 : memref<1x2x64xi32, #tpu.memory_space<hbm>> -> memref<2x64xi32, #tpu.memory_space<hbm>>
        tpu.wait_dma2 semaphore(%arg21 : memref<!tpu.dma_semaphore, #tpu.memory_space<semaphore_mem>>) src(%dma_wait3A_544 : memref<2x64xi32, #tpu.memory_space<hbm>>) dst(%arg11 : memref<2x64xi32, #tpu.memory_space<vmem>>)
        %dma_start3A_545 = arith.constant 0 : i32
        %dma_start3A_546 = arith.constant 0 : i32
        %dma_start3A_547 = tpu.memref_slice %arg11[%dma_start3A_545, %dma_start3A_546] : memref<2x64xi32, #tpu.memory_space<vmem>> -> memref<1x64xi32, #tpu.memory_space<vmem>>
        %dma_start3A_548 = tpu.memref_squeeze %dma_start3A_547 : memref<1x64xi32, #tpu.memory_space<vmem>> -> memref<64xi32, #tpu.memory_space<vmem>>
        %dma_start3A_549 = arith.constant 0 : i32
        %dma_start3A_550 = arith.constant 0 : i32
        %dma_start3A_551 = tpu.memref_slice %arg2[%dma_start3A_549, %dma_start3A_550] : memref<10000x128xf32, #tpu.memory_space<hbm>> -> memref<10000x128xf32, #tpu.memory_space<hbm>>
        tpu.enqueue_indirect_dma source(%dma_start3A_551 : memref<10000x128xf32, #tpu.memory_space<hbm>>) target(%arg14 : memref<64x128xf32, #tpu.memory_space<vmem>>) offsets(%dma_start3A_548 : memref<64xi32, #tpu.memory_space<vmem>>) semaphore(%arg24 : memref<!tpu.dma_semaphore, #tpu.memory_space<semaphore_mem>>)
      } else {
      }
      %mul3A_403 = arith.constant 16 : i32
      %mul3A_404 = arith.muli %add3A_389, %mul3A_403 : i32
      %add3A_405 = arith.addi %mul3A_404, %arg1 : i32
      %dma_wait3A_406 = arith.constant 0 : i32
      %dma_wait3A_407 = arith.constant 0 : i32
      %dma_wait3A_408 = tpu.memref_slice %arg12[%dma_wait3A_406, %dma_wait3A_407] : memref<2x64xi32, #tpu.memory_space<vmem>> -> memref<1x64xi32, #tpu.memory_space<vmem>>
      %dma_wait3A_409 = tpu.memref_squeeze %dma_wait3A_408 : memref<1x64xi32, #tpu.memory_space<vmem>> -> memref<64xi32, #tpu.memory_space<vmem>>
      %dma_wait3A_410 = arith.constant 0 : i32
      %dma_wait3A_411 = arith.constant 0 : i32
      %dma_wait3A_412 = tpu.memref_slice %arg2[%dma_wait3A_410, %dma_wait3A_411] : memref<10000x128xf32, #tpu.memory_space<hbm>> -> memref<10000x128xf32, #tpu.memory_space<hbm>>
      tpu.wait_indirect_dma semaphore(%arg25 : memref<!tpu.dma_semaphore, #tpu.memory_space<semaphore_mem>>) src(%dma_wait3A_412 : memref<10000x128xf32, #tpu.memory_space<hbm>>) dst(%arg15 : memref<64x128xf32, #tpu.memory_space<vmem>>)
      %dma_start3A_413 = arith.constant 1 : i32
      %dma_start3A_414 = arith.constant 0 : i32
      %dma_start3A_415 = tpu.memref_slice %arg12[%dma_start3A_413, %dma_start3A_414] : memref<2x64xi32, #tpu.memory_space<vmem>> -> memref<1x64xi32, #tpu.memory_space<vmem>>
      %dma_start3A_416 = tpu.memref_squeeze %dma_start3A_415 : memref<1x64xi32, #tpu.memory_space<vmem>> -> memref<64xi32, #tpu.memory_space<vmem>>
      %dma_start3A_417 = arith.constant 0 : i32
      %dma_start3A_418 = arith.constant 0 : i32
      %dma_start3A_419 = tpu.memref_slice %arg8[%dma_start3A_417, %dma_start3A_418] : memref<10112x128xf32, #tpu.memory_space<vmem_shared>> -> memref<10112x128xf32, #tpu.memory_space<vmem_shared>>
      tpu.enqueue_indirect_dma source(%arg15 : memref<64x128xf32, #tpu.memory_space<vmem>>) target(%dma_start3A_419 : memref<10112x128xf32, #tpu.memory_space<vmem_shared>>) offsets(%dma_start3A_416 : memref<64xi32, #tpu.memory_space<vmem>>) semaphore(%arg30 : memref<!tpu.dma_semaphore, #tpu.memory_space<semaphore_mem>>) {add = true}
      %dma_start3A_420 = arith.constant 1 : i32
      %dma_start3A_421 = arith.constant 0 : i32
      %dma_start3A_422 = tpu.memref_slice %arg12[%dma_start3A_420, %dma_start3A_421] : memref<2x64xi32, #tpu.memory_space<vmem>> -> memref<1x64xi32, #tpu.memory_space<vmem>>
      %dma_start3A_423 = tpu.memref_squeeze %dma_start3A_422 : memref<1x64xi32, #tpu.memory_space<vmem>> -> memref<64xi32, #tpu.memory_space<vmem>>
      %dma_start3A_424 = arith.constant 0 : i32
      %dma_start3A_425 = arith.constant 0 : i32
      %dma_start3A_426 = tpu.memref_slice %arg10[%dma_start3A_424, %dma_start3A_425] : memref<10112x16xf32, #tpu.memory_space<vmem_shared>> -> memref<10112x16xf32, #tpu.memory_space<vmem_shared>>
      tpu.enqueue_indirect_dma source(%arg20 : memref<64x16xf32, #tpu.memory_space<vmem>>) target(%dma_start3A_426 : memref<10112x16xf32, #tpu.memory_space<vmem_shared>>) offsets(%dma_start3A_423 : memref<64xi32, #tpu.memory_space<vmem>>) semaphore(%arg30 : memref<!tpu.dma_semaphore, #tpu.memory_space<semaphore_mem>>) {add = true}
      %dma_wait3A_427 = arith.constant 1 : i32
      %dma_wait3A_428 = arith.constant 0 : i32
      %dma_wait3A_429 = tpu.memref_slice %arg12[%dma_wait3A_427, %dma_wait3A_428] : memref<2x64xi32, #tpu.memory_space<vmem>> -> memref<1x64xi32, #tpu.memory_space<vmem>>
      %dma_wait3A_430 = tpu.memref_squeeze %dma_wait3A_429 : memref<1x64xi32, #tpu.memory_space<vmem>> -> memref<64xi32, #tpu.memory_space<vmem>>
      %dma_wait3A_431 = arith.constant 0 : i32
      %dma_wait3A_432 = arith.constant 0 : i32
      %dma_wait3A_433 = tpu.memref_slice %arg8[%dma_wait3A_431, %dma_wait3A_432] : memref<10112x128xf32, #tpu.memory_space<vmem_shared>> -> memref<10112x128xf32, #tpu.memory_space<vmem_shared>>
      tpu.wait_indirect_dma semaphore(%arg30 : memref<!tpu.dma_semaphore, #tpu.memory_space<semaphore_mem>>) src(%arg15 : memref<64x128xf32, #tpu.memory_space<vmem>>) dst(%dma_wait3A_433 : memref<10112x128xf32, #tpu.memory_space<vmem_shared>>)
      %dma_wait3A_434 = arith.constant 1 : i32
      %dma_wait3A_435 = arith.constant 0 : i32
      %dma_wait3A_436 = tpu.memref_slice %arg12[%dma_wait3A_434, %dma_wait3A_435] : memref<2x64xi32, #tpu.memory_space<vmem>> -> memref<1x64xi32, #tpu.memory_space<vmem>>
      %dma_wait3A_437 = tpu.memref_squeeze %dma_wait3A_436 : memref<1x64xi32, #tpu.memory_space<vmem>> -> memref<64xi32, #tpu.memory_space<vmem>>
      %dma_wait3A_438 = arith.constant 0 : i32
      %dma_wait3A_439 = arith.constant 0 : i32
      %dma_wait3A_440 = tpu.memref_slice %arg10[%dma_wait3A_438, %dma_wait3A_439] : memref<10112x16xf32, #tpu.memory_space<vmem_shared>> -> memref<10112x16xf32, #tpu.memory_space<vmem_shared>>
      tpu.wait_indirect_dma semaphore(%arg30 : memref<!tpu.dma_semaphore, #tpu.memory_space<semaphore_mem>>) src(%arg20 : memref<64x16xf32, #tpu.memory_space<vmem>>) dst(%dma_wait3A_440 : memref<10112x16xf32, #tpu.memory_space<vmem_shared>>)
      %add3A_441 = arith.constant 3 : i32
      %add3A_442 = arith.addi %add3A_389, %add3A_441 : i32
      %lt3A_443 = arith.constant 78 : i32
      %lt3A_444 = arith.cmpi slt, %add3A_442, %lt3A_443 : i32
      %eq3A_445 = arith.constant 78 : i32
      %eq3A_446 = arith.cmpi eq, %add3A_442, %eq3A_445 : i32
      %lt3A_447 = arith.constant 2 : i32
      %lt3A_448 = arith.cmpi slt, %arg1, %lt3A_447 : i32
      %and3A_449 = arith.andi %eq3A_446, %lt3A_448 : i1
      %or3A_450 = arith.ori %lt3A_444, %and3A_449 : i1
      %convert_element_type3A_451 = arith.extui %or3A_450 : i1 to i32
      %cond3A_452 = arith.constant 0 : i32
      %cond3A_453 = arith.cmpi ne, %convert_element_type3A_451, %cond3A_452 : i32
      scf.if %cond3A_453 {
        %add3A_522 = arith.constant 3 : i32
        %add3A_523 = arith.addi %add3A_389, %add3A_522 : i32
        %mul3A_524 = arith.constant 16 : i32
        %mul3A_525 = arith.muli %add3A_523, %mul3A_524 : i32
        %add3A_526 = arith.addi %mul3A_525, %arg1 : i32
        %dma_start3A_527 = arith.constant 0 : i32
        %dma_start3A_528 = arith.constant 0 : i32
        %dma_start3A_529 = arith.constant 0 : i32
        %dma_start3A_530 = tpu.memref_slice %arg3[%add3A_169, %dma_start3A_527, %dma_start3A_528, %dma_start3A_529] : memref<4x1250x2x64xi32, #tpu.memory_space<hbm>> -> memref<1x1250x2x64xi32, #tpu.memory_space<hbm>>
        %dma_start3A_531 = tpu.memref_squeeze %dma_start3A_530 : memref<1x1250x2x64xi32, #tpu.memory_space<hbm>> -> memref<1250x2x64xi32, #tpu.memory_space<hbm>>
        %dma_start3A_532 = arith.constant 0 : i32
        %dma_start3A_533 = arith.constant 0 : i32
        %dma_start3A_534 = tpu.memref_slice %dma_start3A_531[%add3A_526, %dma_start3A_532, %dma_start3A_533] : memref<1250x2x64xi32, #tpu.memory_space<hbm>> -> memref<1x2x64xi32, #tpu.memory_space<hbm>>
        %dma_start3A_535 = tpu.memref_squeeze %dma_start3A_534 : memref<1x2x64xi32, #tpu.memory_space<hbm>> -> memref<2x64xi32, #tpu.memory_space<hbm>>
        %dma_start3A_536 = arith.constant 0 : i32
        %dma_start3A_537 = arith.constant 0 : i32
        %dma_start3A_538 = arith.constant 0 : i32
        %dma_start3A_539 = tpu.memref_slice %arg3[%add3A_169, %dma_start3A_536, %dma_start3A_537, %dma_start3A_538] : memref<4x1250x2x64xi32, #tpu.memory_space<hbm>> -> memref<1x1250x2x64xi32, #tpu.memory_space<hbm>>
        %dma_start3A_540 = tpu.memref_squeeze %dma_start3A_539 : memref<1x1250x2x64xi32, #tpu.memory_space<hbm>> -> memref<1250x2x64xi32, #tpu.memory_space<hbm>>
        %dma_start3A_541 = arith.constant 0 : i32
        %dma_start3A_542 = arith.constant 0 : i32
        %dma_start3A_543 = tpu.memref_slice %dma_start3A_540[%add3A_526, %dma_start3A_541, %dma_start3A_542] : memref<1250x2x64xi32, #tpu.memory_space<hbm>> -> memref<1x2x64xi32, #tpu.memory_space<hbm>>
        %dma_start3A_544 = tpu.memref_squeeze %dma_start3A_543 : memref<1x2x64xi32, #tpu.memory_space<hbm>> -> memref<2x64xi32, #tpu.memory_space<hbm>>
        tpu.enqueue_dma source(%dma_start3A_544 : memref<2x64xi32, #tpu.memory_space<hbm>>) target(%arg12 : memref<2x64xi32, #tpu.memory_space<vmem>>) target_semaphore(%arg22 : memref<!tpu.dma_semaphore, #tpu.memory_space<semaphore_mem>>)
      } else {
      }
      %mul3A_454 = arith.constant 3 : i32
      %mul3A_455 = arith.muli %mul3A_454, %scan3A_320 : i32
      %add3A_456 = arith.constant 2 : i32
      %add3A_457 = arith.addi %mul3A_455, %add3A_456 : i32
      %add3A_458 = arith.constant 2 : i32
      %add3A_459 = arith.addi %add3A_457, %add3A_458 : i32
      %lt3A_460 = arith.constant 78 : i32
      %lt3A_461 = arith.cmpi slt, %add3A_459, %lt3A_460 : i32
      %eq3A_462 = arith.constant 78 : i32
      %eq3A_463 = arith.cmpi eq, %add3A_459, %eq3A_462 : i32
      %lt3A_464 = arith.constant 2 : i32
      %lt3A_465 = arith.cmpi slt, %arg1, %lt3A_464 : i32
      %and3A_466 = arith.andi %eq3A_463, %lt3A_465 : i1
      %or3A_467 = arith.ori %lt3A_461, %and3A_466 : i1
      %convert_element_type3A_468 = arith.extui %or3A_467 : i1 to i32
      %cond3A_469 = arith.constant 0 : i32
      %cond3A_470 = arith.cmpi ne, %convert_element_type3A_468, %cond3A_469 : i32
      scf.if %cond3A_470 {
        %add3A_522 = arith.constant 2 : i32
        %add3A_523 = arith.addi %add3A_457, %add3A_522 : i32
        %mul3A_524 = arith.constant 16 : i32
        %mul3A_525 = arith.muli %add3A_523, %mul3A_524 : i32
        %add3A_526 = arith.addi %mul3A_525, %arg1 : i32
        %dma_wait3A_527 = arith.constant 0 : i32
        %dma_wait3A_528 = arith.constant 0 : i32
        %dma_wait3A_529 = arith.constant 0 : i32
        %dma_wait3A_530 = tpu.memref_slice %arg3[%add3A_169, %dma_wait3A_527, %dma_wait3A_528, %dma_wait3A_529] : memref<4x1250x2x64xi32, #tpu.memory_space<hbm>> -> memref<1x1250x2x64xi32, #tpu.memory_space<hbm>>
        %dma_wait3A_531 = tpu.memref_squeeze %dma_wait3A_530 : memref<1x1250x2x64xi32, #tpu.memory_space<hbm>> -> memref<1250x2x64xi32, #tpu.memory_space<hbm>>
        %dma_wait3A_532 = arith.constant 0 : i32
        %dma_wait3A_533 = arith.constant 0 : i32
        %dma_wait3A_534 = tpu.memref_slice %dma_wait3A_531[%add3A_526, %dma_wait3A_532, %dma_wait3A_533] : memref<1250x2x64xi32, #tpu.memory_space<hbm>> -> memref<1x2x64xi32, #tpu.memory_space<hbm>>
        %dma_wait3A_535 = tpu.memref_squeeze %dma_wait3A_534 : memref<1x2x64xi32, #tpu.memory_space<hbm>> -> memref<2x64xi32, #tpu.memory_space<hbm>>
        %dma_wait3A_536 = arith.constant 0 : i32
        %dma_wait3A_537 = arith.constant 0 : i32
        %dma_wait3A_538 = arith.constant 0 : i32
        %dma_wait3A_539 = tpu.memref_slice %arg3[%add3A_169, %dma_wait3A_536, %dma_wait3A_537, %dma_wait3A_538] : memref<4x1250x2x64xi32, #tpu.memory_space<hbm>> -> memref<1x1250x2x64xi32, #tpu.memory_space<hbm>>
        %dma_wait3A_540 = tpu.memref_squeeze %dma_wait3A_539 : memref<1x1250x2x64xi32, #tpu.memory_space<hbm>> -> memref<1250x2x64xi32, #tpu.memory_space<hbm>>
        %dma_wait3A_541 = arith.constant 0 : i32
        %dma_wait3A_542 = arith.constant 0 : i32
        %dma_wait3A_543 = tpu.memref_slice %dma_wait3A_540[%add3A_526, %dma_wait3A_541, %dma_wait3A_542] : memref<1250x2x64xi32, #tpu.memory_space<hbm>> -> memref<1x2x64xi32, #tpu.memory_space<hbm>>
        %dma_wait3A_544 = tpu.memref_squeeze %dma_wait3A_543 : memref<1x2x64xi32, #tpu.memory_space<hbm>> -> memref<2x64xi32, #tpu.memory_space<hbm>>
        tpu.wait_dma2 semaphore(%arg22 : memref<!tpu.dma_semaphore, #tpu.memory_space<semaphore_mem>>) src(%dma_wait3A_544 : memref<2x64xi32, #tpu.memory_space<hbm>>) dst(%arg12 : memref<2x64xi32, #tpu.memory_space<vmem>>)
        %dma_start3A_545 = arith.constant 0 : i32
        %dma_start3A_546 = arith.constant 0 : i32
        %dma_start3A_547 = tpu.memref_slice %arg12[%dma_start3A_545, %dma_start3A_546] : memref<2x64xi32, #tpu.memory_space<vmem>> -> memref<1x64xi32, #tpu.memory_space<vmem>>
        %dma_start3A_548 = tpu.memref_squeeze %dma_start3A_547 : memref<1x64xi32, #tpu.memory_space<vmem>> -> memref<64xi32, #tpu.memory_space<vmem>>
        %dma_start3A_549 = arith.constant 0 : i32
        %dma_start3A_550 = arith.constant 0 : i32
        %dma_start3A_551 = tpu.memref_slice %arg2[%dma_start3A_549, %dma_start3A_550] : memref<10000x128xf32, #tpu.memory_space<hbm>> -> memref<10000x128xf32, #tpu.memory_space<hbm>>
        tpu.enqueue_indirect_dma source(%dma_start3A_551 : memref<10000x128xf32, #tpu.memory_space<hbm>>) target(%arg15 : memref<64x128xf32, #tpu.memory_space<vmem>>) offsets(%dma_start3A_548 : memref<64xi32, #tpu.memory_space<vmem>>) semaphore(%arg25 : memref<!tpu.dma_semaphore, #tpu.memory_space<semaphore_mem>>)
      } else {
      }
      %mul3A_471 = arith.constant 16 : i32
      %mul3A_472 = arith.muli %add3A_457, %mul3A_471 : i32
      %add3A_473 = arith.addi %mul3A_472, %arg1 : i32
      %dma_wait3A_474 = arith.constant 0 : i32
      %dma_wait3A_475 = arith.constant 0 : i32
      %dma_wait3A_476 = tpu.memref_slice %arg13[%dma_wait3A_474, %dma_wait3A_475] : memref<2x64xi32, #tpu.memory_space<vmem>> -> memref<1x64xi32, #tpu.memory_space<vmem>>
      %dma_wait3A_477 = tpu.memref_squeeze %dma_wait3A_476 : memref<1x64xi32, #tpu.memory_space<vmem>> -> memref<64xi32, #tpu.memory_space<vmem>>
      %dma_wait3A_478 = arith.constant 0 : i32
      %dma_wait3A_479 = arith.constant 0 : i32
      %dma_wait3A_480 = tpu.memref_slice %arg2[%dma_wait3A_478, %dma_wait3A_479] : memref<10000x128xf32, #tpu.memory_space<hbm>> -> memref<10000x128xf32, #tpu.memory_space<hbm>>
      tpu.wait_indirect_dma semaphore(%arg26 : memref<!tpu.dma_semaphore, #tpu.memory_space<semaphore_mem>>) src(%dma_wait3A_480 : memref<10000x128xf32, #tpu.memory_space<hbm>>) dst(%arg16 : memref<64x128xf32, #tpu.memory_space<vmem>>)
      %dma_start3A_481 = arith.constant 1 : i32
      %dma_start3A_482 = arith.constant 0 : i32
      %dma_start3A_483 = tpu.memref_slice %arg13[%dma_start3A_481, %dma_start3A_482] : memref<2x64xi32, #tpu.memory_space<vmem>> -> memref<1x64xi32, #tpu.memory_space<vmem>>
      %dma_start3A_484 = tpu.memref_squeeze %dma_start3A_483 : memref<1x64xi32, #tpu.memory_space<vmem>> -> memref<64xi32, #tpu.memory_space<vmem>>
      %dma_start3A_485 = arith.constant 0 : i32
      %dma_start3A_486 = arith.constant 0 : i32
      %dma_start3A_487 = tpu.memref_slice %arg8[%dma_start3A_485, %dma_start3A_486] : memref<10112x128xf32, #tpu.memory_space<vmem_shared>> -> memref<10112x128xf32, #tpu.memory_space<vmem_shared>>
      tpu.enqueue_indirect_dma source(%arg16 : memref<64x128xf32, #tpu.memory_space<vmem>>) target(%dma_start3A_487 : memref<10112x128xf32, #tpu.memory_space<vmem_shared>>) offsets(%dma_start3A_484 : memref<64xi32, #tpu.memory_space<vmem>>) semaphore(%arg30 : memref<!tpu.dma_semaphore, #tpu.memory_space<semaphore_mem>>) {add = true}
      %dma_start3A_488 = arith.constant 1 : i32
      %dma_start3A_489 = arith.constant 0 : i32
      %dma_start3A_490 = tpu.memref_slice %arg13[%dma_start3A_488, %dma_start3A_489] : memref<2x64xi32, #tpu.memory_space<vmem>> -> memref<1x64xi32, #tpu.memory_space<vmem>>
      %dma_start3A_491 = tpu.memref_squeeze %dma_start3A_490 : memref<1x64xi32, #tpu.memory_space<vmem>> -> memref<64xi32, #tpu.memory_space<vmem>>
      %dma_start3A_492 = arith.constant 0 : i32
      %dma_start3A_493 = arith.constant 0 : i32
      %dma_start3A_494 = tpu.memref_slice %arg10[%dma_start3A_492, %dma_start3A_493] : memref<10112x16xf32, #tpu.memory_space<vmem_shared>> -> memref<10112x16xf32, #tpu.memory_space<vmem_shared>>
      tpu.enqueue_indirect_dma source(%arg20 : memref<64x16xf32, #tpu.memory_space<vmem>>) target(%dma_start3A_494 : memref<10112x16xf32, #tpu.memory_space<vmem_shared>>) offsets(%dma_start3A_491 : memref<64xi32, #tpu.memory_space<vmem>>) semaphore(%arg30 : memref<!tpu.dma_semaphore, #tpu.memory_space<semaphore_mem>>) {add = true}
      %dma_wait3A_495 = arith.constant 1 : i32
      %dma_wait3A_496 = arith.constant 0 : i32
      %dma_wait3A_497 = tpu.memref_slice %arg13[%dma_wait3A_495, %dma_wait3A_496] : memref<2x64xi32, #tpu.memory_space<vmem>> -> memref<1x64xi32, #tpu.memory_space<vmem>>
      %dma_wait3A_498 = tpu.memref_squeeze %dma_wait3A_497 : memref<1x64xi32, #tpu.memory_space<vmem>> -> memref<64xi32, #tpu.memory_space<vmem>>
      %dma_wait3A_499 = arith.constant 0 : i32
      %dma_wait3A_500 = arith.constant 0 : i32
      %dma_wait3A_501 = tpu.memref_slice %arg8[%dma_wait3A_499, %dma_wait3A_500] : memref<10112x128xf32, #tpu.memory_space<vmem_shared>> -> memref<10112x128xf32, #tpu.memory_space<vmem_shared>>
      tpu.wait_indirect_dma semaphore(%arg30 : memref<!tpu.dma_semaphore, #tpu.memory_space<semaphore_mem>>) src(%arg16 : memref<64x128xf32, #tpu.memory_space<vmem>>) dst(%dma_wait3A_501 : memref<10112x128xf32, #tpu.memory_space<vmem_shared>>)
      %dma_wait3A_502 = arith.constant 1 : i32
      %dma_wait3A_503 = arith.constant 0 : i32
      %dma_wait3A_504 = tpu.memref_slice %arg13[%dma_wait3A_502, %dma_wait3A_503] : memref<2x64xi32, #tpu.memory_space<vmem>> -> memref<1x64xi32, #tpu.memory_space<vmem>>
      %dma_wait3A_505 = tpu.memref_squeeze %dma_wait3A_504 : memref<1x64xi32, #tpu.memory_space<vmem>> -> memref<64xi32, #tpu.memory_space<vmem>>
      %dma_wait3A_506 = arith.constant 0 : i32
      %dma_wait3A_507 = arith.constant 0 : i32
      %dma_wait3A_508 = tpu.memref_slice %arg10[%dma_wait3A_506, %dma_wait3A_507] : memref<10112x16xf32, #tpu.memory_space<vmem_shared>> -> memref<10112x16xf32, #tpu.memory_space<vmem_shared>>
      tpu.wait_indirect_dma semaphore(%arg30 : memref<!tpu.dma_semaphore, #tpu.memory_space<semaphore_mem>>) src(%arg20 : memref<64x16xf32, #tpu.memory_space<vmem>>) dst(%dma_wait3A_508 : memref<10112x16xf32, #tpu.memory_space<vmem_shared>>)
      %add3A_509 = arith.constant 3 : i32
      %add3A_510 = arith.addi %add3A_457, %add3A_509 : i32
      %lt3A_511 = arith.constant 78 : i32
      %lt3A_512 = arith.cmpi slt, %add3A_510, %lt3A_511 : i32
      %eq3A_513 = arith.constant 78 : i32
      %eq3A_514 = arith.cmpi eq, %add3A_510, %eq3A_513 : i32
      %lt3A_515 = arith.constant 2 : i32
      %lt3A_516 = arith.cmpi slt, %arg1, %lt3A_515 : i32
      %and3A_517 = arith.andi %eq3A_514, %lt3A_516 : i1
      %or3A_518 = arith.ori %lt3A_512, %and3A_517 : i1
      %convert_element_type3A_519 = arith.extui %or3A_518 : i1 to i32
      %cond3A_520 = arith.constant 0 : i32
      %cond3A_521 = arith.cmpi ne, %convert_element_type3A_519, %cond3A_520 : i32
      scf.if %cond3A_521 {
        %add3A_522 = arith.constant 3 : i32
        %add3A_523 = arith.addi %add3A_457, %add3A_522 : i32
        %mul3A_524 = arith.constant 16 : i32
        %mul3A_525 = arith.muli %add3A_523, %mul3A_524 : i32
        %add3A_526 = arith.addi %mul3A_525, %arg1 : i32
        %dma_start3A_527 = arith.constant 0 : i32
        %dma_start3A_528 = arith.constant 0 : i32
        %dma_start3A_529 = arith.constant 0 : i32
        %dma_start3A_530 = tpu.memref_slice %arg3[%add3A_169, %dma_start3A_527, %dma_start3A_528, %dma_start3A_529] : memref<4x1250x2x64xi32, #tpu.memory_space<hbm>> -> memref<1x1250x2x64xi32, #tpu.memory_space<hbm>>
        %dma_start3A_531 = tpu.memref_squeeze %dma_start3A_530 : memref<1x1250x2x64xi32, #tpu.memory_space<hbm>> -> memref<1250x2x64xi32, #tpu.memory_space<hbm>>
        %dma_start3A_532 = arith.constant 0 : i32
        %dma_start3A_533 = arith.constant 0 : i32
        %dma_start3A_534 = tpu.memref_slice %dma_start3A_531[%add3A_526, %dma_start3A_532, %dma_start3A_533] : memref<1250x2x64xi32, #tpu.memory_space<hbm>> -> memref<1x2x64xi32, #tpu.memory_space<hbm>>
        %dma_start3A_535 = tpu.memref_squeeze %dma_start3A_534 : memref<1x2x64xi32, #tpu.memory_space<hbm>> -> memref<2x64xi32, #tpu.memory_space<hbm>>
        %dma_start3A_536 = arith.constant 0 : i32
        %dma_start3A_537 = arith.constant 0 : i32
        %dma_start3A_538 = arith.constant 0 : i32
        %dma_start3A_539 = tpu.memref_slice %arg3[%add3A_169, %dma_start3A_536, %dma_start3A_537, %dma_start3A_538] : memref<4x1250x2x64xi32, #tpu.memory_space<hbm>> -> memref<1x1250x2x64xi32, #tpu.memory_space<hbm>>
        %dma_start3A_540 = tpu.memref_squeeze %dma_start3A_539 : memref<1x1250x2x64xi32, #tpu.memory_space<hbm>> -> memref<1250x2x64xi32, #tpu.memory_space<hbm>>
        %dma_start3A_541 = arith.constant 0 : i32
        %dma_start3A_542 = arith.constant 0 : i32
        %dma_start3A_543 = tpu.memref_slice %dma_start3A_540[%add3A_526, %dma_start3A_541, %dma_start3A_542] : memref<1250x2x64xi32, #tpu.memory_space<hbm>> -> memref<1x2x64xi32, #tpu.memory_space<hbm>>
        %dma_start3A_544 = tpu.memref_squeeze %dma_start3A_543 : memref<1x2x64xi32, #tpu.memory_space<hbm>> -> memref<2x64xi32, #tpu.memory_space<hbm>>
        tpu.enqueue_dma source(%dma_start3A_544 : memref<2x64xi32, #tpu.memory_space<hbm>>) target(%arg13 : memref<2x64xi32, #tpu.memory_space<vmem>>) target_semaphore(%arg23 : memref<!tpu.dma_semaphore, #tpu.memory_space<semaphore_mem>>)
      } else {
      }
    }
    %scan3A_313 = arith.constant 26 : i32
    %lt3A_314 = arith.constant 2 : i32
    %lt3A_315 = arith.cmpi slt, %arg1, %lt3A_314 : i32
    %convert_element_type3A_316 = arith.extui %lt3A_315 : i1 to i32
    %cond3A_317 = arith.constant 0 : i32
    %cond3A_318 = arith.cmpi ne, %convert_element_type3A_316, %cond3A_317 : i32
    scf.if %cond3A_318 {
      %add3A_320 = arith.constant 1248 : i32
      %add3A_321 = arith.addi %add3A_320, %arg1 : i32
      %dma_wait3A_322 = arith.constant 0 : i32
      %dma_wait3A_323 = arith.constant 0 : i32
      %dma_wait3A_324 = tpu.memref_slice %arg11[%dma_wait3A_322, %dma_wait3A_323] : memref<2x64xi32, #tpu.memory_space<vmem>> -> memref<1x64xi32, #tpu.memory_space<vmem>>
      %dma_wait3A_325 = tpu.memref_squeeze %dma_wait3A_324 : memref<1x64xi32, #tpu.memory_space<vmem>> -> memref<64xi32, #tpu.memory_space<vmem>>
      %dma_wait3A_326 = arith.constant 0 : i32
      %dma_wait3A_327 = arith.constant 0 : i32
      %dma_wait3A_328 = tpu.memref_slice %arg2[%dma_wait3A_326, %dma_wait3A_327] : memref<10000x128xf32, #tpu.memory_space<hbm>> -> memref<10000x128xf32, #tpu.memory_space<hbm>>
      tpu.wait_indirect_dma semaphore(%arg24 : memref<!tpu.dma_semaphore, #tpu.memory_space<semaphore_mem>>) src(%dma_wait3A_328 : memref<10000x128xf32, #tpu.memory_space<hbm>>) dst(%arg14 : memref<64x128xf32, #tpu.memory_space<vmem>>)
      %dma_start3A_329 = arith.constant 1 : i32
      %dma_start3A_330 = arith.constant 0 : i32
      %dma_start3A_331 = tpu.memref_slice %arg11[%dma_start3A_329, %dma_start3A_330] : memref<2x64xi32, #tpu.memory_space<vmem>> -> memref<1x64xi32, #tpu.memory_space<vmem>>
      %dma_start3A_332 = tpu.memref_squeeze %dma_start3A_331 : memref<1x64xi32, #tpu.memory_space<vmem>> -> memref<64xi32, #tpu.memory_space<vmem>>
      %dma_start3A_333 = arith.constant 0 : i32
      %dma_start3A_334 = arith.constant 0 : i32
      %dma_start3A_335 = tpu.memref_slice %arg8[%dma_start3A_333, %dma_start3A_334] : memref<10112x128xf32, #tpu.memory_space<vmem_shared>> -> memref<10112x128xf32, #tpu.memory_space<vmem_shared>>
      tpu.enqueue_indirect_dma source(%arg14 : memref<64x128xf32, #tpu.memory_space<vmem>>) target(%dma_start3A_335 : memref<10112x128xf32, #tpu.memory_space<vmem_shared>>) offsets(%dma_start3A_332 : memref<64xi32, #tpu.memory_space<vmem>>) semaphore(%arg30 : memref<!tpu.dma_semaphore, #tpu.memory_space<semaphore_mem>>) {add = true}
      %dma_start3A_336 = arith.constant 1 : i32
      %dma_start3A_337 = arith.constant 0 : i32
      %dma_start3A_338 = tpu.memref_slice %arg11[%dma_start3A_336, %dma_start3A_337] : memref<2x64xi32, #tpu.memory_space<vmem>> -> memref<1x64xi32, #tpu.memory_space<vmem>>
      %dma_start3A_339 = tpu.memref_squeeze %dma_start3A_338 : memref<1x64xi32, #tpu.memory_space<vmem>> -> memref<64xi32, #tpu.memory_space<vmem>>
      %dma_start3A_340 = arith.constant 0 : i32
      %dma_start3A_341 = arith.constant 0 : i32
      %dma_start3A_342 = tpu.memref_slice %arg10[%dma_start3A_340, %dma_start3A_341] : memref<10112x16xf32, #tpu.memory_space<vmem_shared>> -> memref<10112x16xf32, #tpu.memory_space<vmem_shared>>
      tpu.enqueue_indirect_dma source(%arg20 : memref<64x16xf32, #tpu.memory_space<vmem>>) target(%dma_start3A_342 : memref<10112x16xf32, #tpu.memory_space<vmem_shared>>) offsets(%dma_start3A_339 : memref<64xi32, #tpu.memory_space<vmem>>) semaphore(%arg30 : memref<!tpu.dma_semaphore, #tpu.memory_space<semaphore_mem>>) {add = true}
      %dma_wait3A_343 = arith.constant 1 : i32
      %dma_wait3A_344 = arith.constant 0 : i32
      %dma_wait3A_345 = tpu.memref_slice %arg11[%dma_wait3A_343, %dma_wait3A_344] : memref<2x64xi32, #tpu.memory_space<vmem>> -> memref<1x64xi32, #tpu.memory_space<vmem>>
      %dma_wait3A_346 = tpu.memref_squeeze %dma_wait3A_345 : memref<1x64xi32, #tpu.memory_space<vmem>> -> memref<64xi32, #tpu.memory_space<vmem>>
      %dma_wait3A_347 = arith.constant 0 : i32
      %dma_wait3A_348 = arith.constant 0 : i32
      %dma_wait3A_349 = tpu.memref_slice %arg8[%dma_wait3A_347, %dma_wait3A_348] : memref<10112x128xf32, #tpu.memory_space<vmem_shared>> -> memref<10112x128xf32, #tpu.memory_space<vmem_shared>>
      tpu.wait_indirect_dma semaphore(%arg30 : memref<!tpu.dma_semaphore, #tpu.memory_space<semaphore_mem>>) src(%arg14 : memref<64x128xf32, #tpu.memory_space<vmem>>) dst(%dma_wait3A_349 : memref<10112x128xf32, #tpu.memory_space<vmem_shared>>)
      %dma_wait3A_350 = arith.constant 1 : i32
      %dma_wait3A_351 = arith.constant 0 : i32
      %dma_wait3A_352 = tpu.memref_slice %arg11[%dma_wait3A_350, %dma_wait3A_351] : memref<2x64xi32, #tpu.memory_space<vmem>> -> memref<1x64xi32, #tpu.memory_space<vmem>>
      %dma_wait3A_353 = tpu.memref_squeeze %dma_wait3A_352 : memref<1x64xi32, #tpu.memory_space<vmem>> -> memref<64xi32, #tpu.memory_space<vmem>>
      %dma_wait3A_354 = arith.constant 0 : i32
      %dma_wait3A_355 = arith.constant 0 : i32
      %dma_wait3A_356 = tpu.memref_slice %arg10[%dma_wait3A_354, %dma_wait3A_355] : memref<10112x16xf32, #tpu.memory_space<vmem_shared>> -> memref<10112x16xf32, #tpu.memory_space<vmem_shared>>
      tpu.wait_indirect_dma semaphore(%arg30 : memref<!tpu.dma_semaphore, #tpu.memory_space<semaphore_mem>>) src(%arg20 : memref<64x16xf32, #tpu.memory_space<vmem>>) dst(%dma_wait3A_356 : memref<10112x16xf32, #tpu.memory_space<vmem_shared>>)
    } else {
    }
    %barrier3A_319 = arith.constant 0 : index
    tpu.barrier barrier_id(%barrier3A_319)
    "tpu.region"() ({
      %run_scoped3A = tpu.sem_alloc : memref<!tpu.dma_semaphore, #tpu.memory_space<semaphore_mem>>
      %dma_start3A_320 = arith.constant 0 : i32
      %dma_start3A_321 = arith.constant 0 : i32
      %dma_start3A_322 = tpu.memref_slice %arg5[%add3A_169, %dma_start3A_320, %dma_start3A_321] : memref<4x10112x128xf32, #tpu.memory_space<hbm>> -> memref<1x10112x128xf32, #tpu.memory_space<hbm>>
      %dma_start3A_323 = tpu.memref_squeeze %dma_start3A_322 : memref<1x10112x128xf32, #tpu.memory_space<hbm>> -> memref<10112x128xf32, #tpu.memory_space<hbm>>
      %dma_start3A_324 = arith.constant 0 : i32
      %dma_start3A_325 = tpu.memref_slice %dma_start3A_323[%multiple_of3A, %dma_start3A_324] : memref<10112x128xf32, #tpu.memory_space<hbm>> -> memref<632x128xf32, #tpu.memory_space<hbm>>
      %dma_start3A_326 = arith.constant 0 : i32
      %dma_start3A_327 = tpu.memref_slice %arg8[%multiple_of3A, %dma_start3A_326] : memref<10112x128xf32, #tpu.memory_space<vmem_shared>> -> memref<632x128xf32, #tpu.memory_space<vmem_shared>>
      tpu.enqueue_dma source(%dma_start3A_327 : memref<632x128xf32, #tpu.memory_space<vmem_shared>>) target(%dma_start3A_325 : memref<632x128xf32, #tpu.memory_space<hbm>>) target_semaphore(%run_scoped3A : memref<!tpu.dma_semaphore, #tpu.memory_space<semaphore_mem>>)
      %dma_wait3A_328 = arith.constant 0 : i32
      %dma_wait3A_329 = arith.constant 0 : i32
      %dma_wait3A_330 = tpu.memref_slice %arg5[%add3A_169, %dma_wait3A_328, %dma_wait3A_329] : memref<4x10112x128xf32, #tpu.memory_space<hbm>> -> memref<1x10112x128xf32, #tpu.memory_space<hbm>>
      %dma_wait3A_331 = tpu.memref_squeeze %dma_wait3A_330 : memref<1x10112x128xf32, #tpu.memory_space<hbm>> -> memref<10112x128xf32, #tpu.memory_space<hbm>>
      %dma_wait3A_332 = arith.constant 0 : i32
      %dma_wait3A_333 = tpu.memref_slice %dma_wait3A_331[%multiple_of3A, %dma_wait3A_332] : memref<10112x128xf32, #tpu.memory_space<hbm>> -> memref<632x128xf32, #tpu.memory_space<hbm>>
      %dma_wait3A_334 = arith.constant 0 : i32
      %dma_wait3A_335 = tpu.memref_slice %arg8[%multiple_of3A, %dma_wait3A_334] : memref<10112x128xf32, #tpu.memory_space<vmem_shared>> -> memref<632x128xf32, #tpu.memory_space<vmem_shared>>
      tpu.wait_dma2 semaphore(%run_scoped3A : memref<!tpu.dma_semaphore, #tpu.memory_space<semaphore_mem>>) src(%dma_wait3A_335 : memref<632x128xf32, #tpu.memory_space<vmem_shared>>) dst(%dma_wait3A_333 : memref<632x128xf32, #tpu.memory_space<hbm>>)
      tpu.yield
    }) : () -> ()
    "tpu.region"() ({
      %run_scoped3A = tpu.sem_alloc : memref<!tpu.dma_semaphore, #tpu.memory_space<semaphore_mem>>
      %dma_start3A_320 = arith.constant 0 : i32
      %dma_start3A_321 = arith.constant 0 : i32
      %dma_start3A_322 = tpu.memref_slice %arg7[%add3A_169, %dma_start3A_320, %dma_start3A_321] : memref<4x10112x16xf32, #tpu.memory_space<hbm>> -> memref<1x10112x16xf32, #tpu.memory_space<hbm>>
      %dma_start3A_323 = tpu.memref_squeeze %dma_start3A_322 : memref<1x10112x16xf32, #tpu.memory_space<hbm>> -> memref<10112x16xf32, #tpu.memory_space<hbm>>
      %dma_start3A_324 = arith.constant 0 : i32
      %dma_start3A_325 = tpu.memref_slice %dma_start3A_323[%multiple_of3A, %dma_start3A_324] : memref<10112x16xf32, #tpu.memory_space<hbm>> -> memref<632x16xf32, #tpu.memory_space<hbm>>
      %dma_start3A_326 = arith.constant 0 : i32
      %dma_start3A_327 = tpu.memref_slice %arg10[%multiple_of3A, %dma_start3A_326] : memref<10112x16xf32, #tpu.memory_space<vmem_shared>> -> memref<632x16xf32, #tpu.memory_space<vmem_shared>>
      tpu.enqueue_dma source(%dma_start3A_327 : memref<632x16xf32, #tpu.memory_space<vmem_shared>>) target(%dma_start3A_325 : memref<632x16xf32, #tpu.memory_space<hbm>>) target_semaphore(%run_scoped3A : memref<!tpu.dma_semaphore, #tpu.memory_space<semaphore_mem>>)
      %dma_wait3A_328 = arith.constant 0 : i32
      %dma_wait3A_329 = arith.constant 0 : i32
      %dma_wait3A_330 = tpu.memref_slice %arg7[%add3A_169, %dma_wait3A_328, %dma_wait3A_329] : memref<4x10112x16xf32, #tpu.memory_space<hbm>> -> memref<1x10112x16xf32, #tpu.memory_space<hbm>>
      %dma_wait3A_331 = tpu.memref_squeeze %dma_wait3A_330 : memref<1x10112x16xf32, #tpu.memory_space<hbm>> -> memref<10112x16xf32, #tpu.memory_space<hbm>>
      %dma_wait3A_332 = arith.constant 0 : i32
      %dma_wait3A_333 = tpu.memref_slice %dma_wait3A_331[%multiple_of3A, %dma_wait3A_332] : memref<10112x16xf32, #tpu.memory_space<hbm>> -> memref<632x16xf32, #tpu.memory_space<hbm>>
      %dma_wait3A_334 = arith.constant 0 : i32
      %dma_wait3A_335 = tpu.memref_slice %arg10[%multiple_of3A, %dma_wait3A_334] : memref<10112x16xf32, #tpu.memory_space<vmem_shared>> -> memref<632x16xf32, #tpu.memory_space<vmem_shared>>
      tpu.wait_dma2 semaphore(%run_scoped3A : memref<!tpu.dma_semaphore, #tpu.memory_space<semaphore_mem>>) src(%dma_wait3A_335 : memref<632x16xf32, #tpu.memory_space<vmem_shared>>) dst(%dma_wait3A_333 : memref<632x16xf32, #tpu.memory_space<hbm>>)
      tpu.yield
    }) : () -> ()
    return
  }
}

module attributes {stable_mosaic.version = 14 : i64} {
  func.func @body(%arg0: i32, %arg1: memref<1000x128xf32, #tpu.memory_space<vmem>>, %arg2: memref<4x1000x128xf32, #tpu.memory_space<vmem>>, %arg3: memref<2x1000x16xf32, #tpu.memory_space<vmem>>, %arg4: memref<4x1000x16xf32, #tpu.memory_space<vmem>>, %arg5: memref<128x128xf32, #tpu.memory_space<vmem>>, %arg6: memref<144x128xf32, #tpu.memory_space<vmem>>, %arg7: memref<144x128xf32, #tpu.memory_space<vmem>>, %arg8: memref<128x128xf32, #tpu.memory_space<vmem>>, %arg9: memref<128x128xf32, #tpu.memory_space<vmem>>, %arg10: memref<1x128xf32, #tpu.memory_space<vmem>>, %arg11: memref<1x128xf32, #tpu.memory_space<vmem>>, %arg12: memref<1000x128xf32, #tpu.memory_space<vmem>>) attributes {dimension_semantics = [#tpu.dimension_semantics<arbitrary>], iteration_bounds = array<i64: 10>, scalar_prefetch = 0 : i64, scratch_operands = 0 : i64, tpu.core_type = #tpu.core_type<tc>, window_params = [{transform_indices = @transform_0, window_bounds = array<i64: 1000, 128>}, {transform_indices = @transform_1, window_bounds = array<i64: 4, 1000, 128>}, {transform_indices = @transform_2, window_bounds = array<i64: 2, 1000, 16>}, {transform_indices = @transform_3, window_bounds = array<i64: 4, 1000, 16>}, {pipeline_mode = #tpu.pipeline_mode<synchronous>, transform_indices = @transform_4, window_bounds = array<i64: 128, 128>}, {pipeline_mode = #tpu.pipeline_mode<synchronous>, transform_indices = @transform_5, window_bounds = array<i64: 144, 128>}, {pipeline_mode = #tpu.pipeline_mode<synchronous>, transform_indices = @transform_6, window_bounds = array<i64: 144, 128>}, {pipeline_mode = #tpu.pipeline_mode<synchronous>, transform_indices = @transform_7, window_bounds = array<i64: 128, 128>}, {pipeline_mode = #tpu.pipeline_mode<synchronous>, transform_indices = @transform_8, window_bounds = array<i64: 128, 128>}, {pipeline_mode = #tpu.pipeline_mode<synchronous>, transform_indices = @transform_9, window_bounds = array<i64: 1, 128>}, {pipeline_mode = #tpu.pipeline_mode<synchronous>, transform_indices = @transform_10, window_bounds = array<i64: 1, 128>}, {transform_indices = @transform_11, window_bounds = array<i64: 1000, 128>}]} {
    %get3A = arith.constant 0 : index
    %get3A_0 = arith.constant 0 : index
    %get3A_1 = vector.load %arg1[%get3A, %get3A_0] : memref<1000x128xf32, #tpu.memory_space<vmem>>, vector<1000x128xf32>
    %get3A_2 = arith.constant 0 : index
    %get3A_3 = arith.constant 0 : index
    %get3A_4 = vector.load %arg5[%get3A_2, %get3A_3] : memref<128x128xf32, #tpu.memory_space<vmem>>, vector<128x128xf32>
    %dot_general3A = arith.constant dense<0.000000e+00> : vector<1000x128xf32>
    %dot_general3A_5 = tpu.matmul %get3A_1, %get3A_4, %dot_general3A {dimension_numbers = #tpu.dot_dimension_numbers<[1], [0], [0], [1], [0, 0, 1, 1], [], []>, transpose_lhs_hint = false} : vector<1000x128xf32>, vector<128x128xf32>, vector<1000x128xf32> -> vector<1000x128xf32>
    %get3A_6 = arith.constant 0 : index
    %get3A_7 = arith.constant 0 : index
    %get3A_8 = arith.constant 0 : index
    %get3A_9 = vector.load %arg2[%get3A_6, %get3A_7, %get3A_8] : memref<4x1000x128xf32, #tpu.memory_space<vmem>>, vector<1x1000x128xf32>
    %get3A_10 = vector.shape_cast %get3A_9 : vector<1x1000x128xf32> to vector<1000x128xf32>
    %get3A_11 = arith.constant 0 : index
    %get3A_12 = arith.constant 0 : index
    %get3A_13 = vector.load %arg6[%get3A_11, %get3A_12] : memref<144x128xf32, #tpu.memory_space<vmem>>, vector<128x128xf32>
    %dot_general3A_14 = arith.constant dense<0.000000e+00> : vector<1000x128xf32>
    %dot_general3A_15 = tpu.matmul %get3A_10, %get3A_13, %dot_general3A_14 {dimension_numbers = #tpu.dot_dimension_numbers<[1], [0], [0], [1], [0, 0, 1, 1], [], []>, transpose_lhs_hint = false} : vector<1000x128xf32>, vector<128x128xf32>, vector<1000x128xf32> -> vector<1000x128xf32>
    %get3A_16 = arith.constant 0 : index
    %get3A_17 = arith.constant 0 : index
    %get3A_18 = arith.constant 0 : index
    %get3A_19 = vector.load %arg3[%get3A_16, %get3A_17, %get3A_18] : memref<2x1000x16xf32, #tpu.memory_space<vmem>>, vector<1x1000x16xf32>
    %get3A_20 = vector.shape_cast %get3A_19 : vector<1x1000x16xf32> to vector<1000x16xf32>
    %get3A_21 = arith.constant 128 : index
    %get3A_22 = arith.constant 0 : index
    %get3A_23 = vector.load %arg6[%get3A_21, %get3A_22] : memref<144x128xf32, #tpu.memory_space<vmem>>, vector<16x128xf32>
    %dot_general3A_24 = arith.constant dense<0.000000e+00> : vector<1000x128xf32>
    %dot_general3A_25 = tpu.matmul %get3A_20, %get3A_23, %dot_general3A_24 {dimension_numbers = #tpu.dot_dimension_numbers<[1], [0], [0], [1], [0, 0, 1, 1], [], []>, transpose_lhs_hint = false} : vector<1000x16xf32>, vector<16x128xf32>, vector<1000x128xf32> -> vector<1000x128xf32>
    %add3A = arith.addf %dot_general3A_15, %dot_general3A_25 : vector<1000x128xf32>
    %get3A_26 = arith.constant 0 : index
    %get3A_27 = arith.constant 0 : index
    %get3A_28 = arith.constant 0 : index
    %get3A_29 = vector.load %arg4[%get3A_26, %get3A_27, %get3A_28] : memref<4x1000x16xf32, #tpu.memory_space<vmem>>, vector<1x1000x1xf32>
    %get3A_30 = vector.shape_cast %get3A_29 : vector<1x1000x1xf32> to vector<1000x1xf32>
    %max3A = arith.constant 1.000000e+00 : f32
    %max3A_31 = vector.broadcast %max3A : f32 to vector<1000x1xf32>
    %max3A_32 = arith.maximumf %get3A_30, %max3A_31 : vector<1000x1xf32>
    %integer_pow3A = arith.constant 1.000000e+00 : f32
    %integer_pow3A_33 = vector.broadcast %integer_pow3A : f32 to vector<1000x1xf32>
    %integer_pow3A_34 = arith.divf %integer_pow3A_33, %max3A_32 : vector<1000x1xf32>
    %mul3A = vector.broadcast %integer_pow3A_34 : vector<1000x1xf32> to vector<1000x128xf32>
    %mul3A_35 = arith.mulf %add3A, %mul3A : vector<1000x128xf32>
    %add3A_36 = arith.addf %dot_general3A_5, %mul3A_35 : vector<1000x128xf32>
    %get3A_37 = arith.constant 1 : index
    %get3A_38 = arith.constant 0 : index
    %get3A_39 = arith.constant 0 : index
    %get3A_40 = vector.load %arg2[%get3A_37, %get3A_38, %get3A_39] : memref<4x1000x128xf32, #tpu.memory_space<vmem>>, vector<1x1000x128xf32>
    %get3A_41 = vector.shape_cast %get3A_40 : vector<1x1000x128xf32> to vector<1000x128xf32>
    %get3A_42 = arith.constant 0 : index
    %get3A_43 = arith.constant 0 : index
    %get3A_44 = vector.load %arg7[%get3A_42, %get3A_43] : memref<144x128xf32, #tpu.memory_space<vmem>>, vector<128x128xf32>
    %dot_general3A_45 = arith.constant dense<0.000000e+00> : vector<1000x128xf32>
    %dot_general3A_46 = tpu.matmul %get3A_41, %get3A_44, %dot_general3A_45 {dimension_numbers = #tpu.dot_dimension_numbers<[1], [0], [0], [1], [0, 0, 1, 1], [], []>, transpose_lhs_hint = false} : vector<1000x128xf32>, vector<128x128xf32>, vector<1000x128xf32> -> vector<1000x128xf32>
    %get3A_47 = arith.constant 1 : index
    %get3A_48 = arith.constant 0 : index
    %get3A_49 = arith.constant 0 : index
    %get3A_50 = vector.load %arg3[%get3A_47, %get3A_48, %get3A_49] : memref<2x1000x16xf32, #tpu.memory_space<vmem>>, vector<1x1000x16xf32>
    %get3A_51 = vector.shape_cast %get3A_50 : vector<1x1000x16xf32> to vector<1000x16xf32>
    %get3A_52 = arith.constant 128 : index
    %get3A_53 = arith.constant 0 : index
    %get3A_54 = vector.load %arg7[%get3A_52, %get3A_53] : memref<144x128xf32, #tpu.memory_space<vmem>>, vector<16x128xf32>
    %dot_general3A_55 = arith.constant dense<0.000000e+00> : vector<1000x128xf32>
    %dot_general3A_56 = tpu.matmul %get3A_51, %get3A_54, %dot_general3A_55 {dimension_numbers = #tpu.dot_dimension_numbers<[1], [0], [0], [1], [0, 0, 1, 1], [], []>, transpose_lhs_hint = false} : vector<1000x16xf32>, vector<16x128xf32>, vector<1000x128xf32> -> vector<1000x128xf32>
    %add3A_57 = arith.addf %dot_general3A_46, %dot_general3A_56 : vector<1000x128xf32>
    %get3A_58 = arith.constant 1 : index
    %get3A_59 = arith.constant 0 : index
    %get3A_60 = arith.constant 0 : index
    %get3A_61 = vector.load %arg4[%get3A_58, %get3A_59, %get3A_60] : memref<4x1000x16xf32, #tpu.memory_space<vmem>>, vector<1x1000x1xf32>
    %get3A_62 = vector.shape_cast %get3A_61 : vector<1x1000x1xf32> to vector<1000x1xf32>
    %max3A_63 = arith.constant 1.000000e+00 : f32
    %max3A_64 = vector.broadcast %max3A_63 : f32 to vector<1000x1xf32>
    %max3A_65 = arith.maximumf %get3A_62, %max3A_64 : vector<1000x1xf32>
    %integer_pow3A_66 = arith.constant 1.000000e+00 : f32
    %integer_pow3A_67 = vector.broadcast %integer_pow3A_66 : f32 to vector<1000x1xf32>
    %integer_pow3A_68 = arith.divf %integer_pow3A_67, %max3A_65 : vector<1000x1xf32>
    %mul3A_69 = vector.broadcast %integer_pow3A_68 : vector<1000x1xf32> to vector<1000x128xf32>
    %mul3A_70 = arith.mulf %add3A_57, %mul3A_69 : vector<1000x128xf32>
    %add3A_71 = arith.addf %add3A_36, %mul3A_70 : vector<1000x128xf32>
    %get3A_72 = arith.constant 2 : index
    %get3A_73 = arith.constant 0 : index
    %get3A_74 = arith.constant 0 : index
    %get3A_75 = vector.load %arg2[%get3A_72, %get3A_73, %get3A_74] : memref<4x1000x128xf32, #tpu.memory_space<vmem>>, vector<1x1000x128xf32>
    %get3A_76 = vector.shape_cast %get3A_75 : vector<1x1000x128xf32> to vector<1000x128xf32>
    %get3A_77 = arith.constant 0 : index
    %get3A_78 = arith.constant 0 : index
    %get3A_79 = vector.load %arg8[%get3A_77, %get3A_78] : memref<128x128xf32, #tpu.memory_space<vmem>>, vector<128x128xf32>
    %dot_general3A_80 = arith.constant dense<0.000000e+00> : vector<1000x128xf32>
    %dot_general3A_81 = tpu.matmul %get3A_76, %get3A_79, %dot_general3A_80 {dimension_numbers = #tpu.dot_dimension_numbers<[1], [0], [0], [1], [0, 0, 1, 1], [], []>, transpose_lhs_hint = false} : vector<1000x128xf32>, vector<128x128xf32>, vector<1000x128xf32> -> vector<1000x128xf32>
    %get3A_82 = arith.constant 2 : index
    %get3A_83 = arith.constant 0 : index
    %get3A_84 = arith.constant 0 : index
    %get3A_85 = vector.load %arg4[%get3A_82, %get3A_83, %get3A_84] : memref<4x1000x16xf32, #tpu.memory_space<vmem>>, vector<1x1000x1xf32>
    %get3A_86 = vector.shape_cast %get3A_85 : vector<1x1000x1xf32> to vector<1000x1xf32>
    %max3A_87 = arith.constant 1.000000e+00 : f32
    %max3A_88 = vector.broadcast %max3A_87 : f32 to vector<1000x1xf32>
    %max3A_89 = arith.maximumf %get3A_86, %max3A_88 : vector<1000x1xf32>
    %integer_pow3A_90 = arith.constant 1.000000e+00 : f32
    %integer_pow3A_91 = vector.broadcast %integer_pow3A_90 : f32 to vector<1000x1xf32>
    %integer_pow3A_92 = arith.divf %integer_pow3A_91, %max3A_89 : vector<1000x1xf32>
    %mul3A_93 = vector.broadcast %integer_pow3A_92 : vector<1000x1xf32> to vector<1000x128xf32>
    %mul3A_94 = arith.mulf %dot_general3A_81, %mul3A_93 : vector<1000x128xf32>
    %add3A_95 = arith.addf %add3A_71, %mul3A_94 : vector<1000x128xf32>
    %get3A_96 = arith.constant 3 : index
    %get3A_97 = arith.constant 0 : index
    %get3A_98 = arith.constant 0 : index
    %get3A_99 = vector.load %arg2[%get3A_96, %get3A_97, %get3A_98] : memref<4x1000x128xf32, #tpu.memory_space<vmem>>, vector<1x1000x128xf32>
    %get3A_100 = vector.shape_cast %get3A_99 : vector<1x1000x128xf32> to vector<1000x128xf32>
    %get3A_101 = arith.constant 0 : index
    %get3A_102 = arith.constant 0 : index
    %get3A_103 = vector.load %arg9[%get3A_101, %get3A_102] : memref<128x128xf32, #tpu.memory_space<vmem>>, vector<128x128xf32>
    %dot_general3A_104 = arith.constant dense<0.000000e+00> : vector<1000x128xf32>
    %dot_general3A_105 = tpu.matmul %get3A_100, %get3A_103, %dot_general3A_104 {dimension_numbers = #tpu.dot_dimension_numbers<[1], [0], [0], [1], [0, 0, 1, 1], [], []>, transpose_lhs_hint = false} : vector<1000x128xf32>, vector<128x128xf32>, vector<1000x128xf32> -> vector<1000x128xf32>
    %get3A_106 = arith.constant 3 : index
    %get3A_107 = arith.constant 0 : index
    %get3A_108 = arith.constant 0 : index
    %get3A_109 = vector.load %arg4[%get3A_106, %get3A_107, %get3A_108] : memref<4x1000x16xf32, #tpu.memory_space<vmem>>, vector<1x1000x1xf32>
    %get3A_110 = vector.shape_cast %get3A_109 : vector<1x1000x1xf32> to vector<1000x1xf32>
    %max3A_111 = arith.constant 1.000000e+00 : f32
    %max3A_112 = vector.broadcast %max3A_111 : f32 to vector<1000x1xf32>
    %max3A_113 = arith.maximumf %get3A_110, %max3A_112 : vector<1000x1xf32>
    %integer_pow3A_114 = arith.constant 1.000000e+00 : f32
    %integer_pow3A_115 = vector.broadcast %integer_pow3A_114 : f32 to vector<1000x1xf32>
    %integer_pow3A_116 = arith.divf %integer_pow3A_115, %max3A_113 : vector<1000x1xf32>
    %mul3A_117 = vector.broadcast %integer_pow3A_116 : vector<1000x1xf32> to vector<1000x128xf32>
    %mul3A_118 = arith.mulf %dot_general3A_105, %mul3A_117 : vector<1000x128xf32>
    %add3A_119 = arith.addf %add3A_95, %mul3A_118 : vector<1000x128xf32>
    %reduce_sum3A = arith.constant dense<0.000000e+00> : vector<1000xf32>
    %reduce_sum3A_120 = vector.multi_reduction <add>, %add3A_119, %reduce_sum3A [1] : vector<1000x128xf32> to vector<1000xf32>
    %broadcast_in_dim3A = vector.shape_cast %reduce_sum3A_120 : vector<1000xf32> to vector<1000x1xf32>
    %div3A = arith.constant 1.280000e+02 : f32
    %div3A_121 = vector.broadcast %div3A : f32 to vector<1000x1xf32>
    %div3A_122 = arith.divf %broadcast_in_dim3A, %div3A_121 : vector<1000x1xf32>
    %sub3A = vector.broadcast %div3A_122 : vector<1000x1xf32> to vector<1000x128xf32>
    %sub3A_123 = arith.subf %add3A_119, %sub3A : vector<1000x128xf32>
    %square3A = arith.mulf %sub3A_123, %sub3A_123 : vector<1000x128xf32>
    %reduce_sum3A_124 = arith.constant dense<0.000000e+00> : vector<1000xf32>
    %reduce_sum3A_125 = vector.multi_reduction <add>, %square3A, %reduce_sum3A_124 [1] : vector<1000x128xf32> to vector<1000xf32>
    %broadcast_in_dim3A_126 = vector.shape_cast %reduce_sum3A_125 : vector<1000xf32> to vector<1000x1xf32>
    %div3A_127 = arith.constant 1.280000e+02 : f32
    %div3A_128 = vector.broadcast %div3A_127 : f32 to vector<1000x1xf32>
    %div3A_129 = arith.divf %broadcast_in_dim3A_126, %div3A_128 : vector<1000x1xf32>
    %sub3A_130 = vector.broadcast %div3A_122 : vector<1000x1xf32> to vector<1000x128xf32>
    %sub3A_131 = arith.subf %add3A_119, %sub3A_130 : vector<1000x128xf32>
    %add3A_132 = arith.constant 9.99999997E-7 : f32
    %add3A_133 = vector.broadcast %add3A_132 : f32 to vector<1000x1xf32>
    %add3A_134 = arith.addf %div3A_129, %add3A_133 : vector<1000x1xf32>
    %rsqrt3A = math.rsqrt %add3A_134 : vector<1000x1xf32>
    %mul3A_135 = vector.broadcast %rsqrt3A : vector<1000x1xf32> to vector<1000x128xf32>
    %mul3A_136 = arith.mulf %sub3A_131, %mul3A_135 : vector<1000x128xf32>
    %get3A_137 = arith.constant 0 : index
    %get3A_138 = arith.constant 0 : index
    %get3A_139 = vector.load %arg10[%get3A_137, %get3A_138] : memref<1x128xf32, #tpu.memory_space<vmem>>, vector<1x128xf32>
    %mul3A_140 = vector.broadcast %get3A_139 : vector<1x128xf32> to vector<1000x128xf32>
    %mul3A_141 = arith.mulf %mul3A_136, %mul3A_140 : vector<1000x128xf32>
    %get3A_142 = arith.constant 0 : index
    %get3A_143 = arith.constant 0 : index
    %get3A_144 = vector.load %arg11[%get3A_142, %get3A_143] : memref<1x128xf32, #tpu.memory_space<vmem>>, vector<1x128xf32>
    %add3A_145 = vector.broadcast %get3A_144 : vector<1x128xf32> to vector<1000x128xf32>
    %add3A_146 = arith.addf %mul3A_141, %add3A_145 : vector<1000x128xf32>
    %max3A_147 = arith.constant 0.000000e+00 : f32
    %max3A_148 = vector.broadcast %max3A_147 : f32 to vector<1000x128xf32>
    %max3A_149 = arith.maximumf %add3A_146, %max3A_148 : vector<1000x128xf32>
    %swap3A = arith.constant 0 : index
    %swap3A_150 = arith.constant 0 : index
    %swap3A_151 = vector.load %arg12[%swap3A, %swap3A_150] : memref<1000x128xf32, #tpu.memory_space<vmem>>, vector<1000x128xf32>
    tpu.vector_store %arg12[%swap3A, %swap3A_150], %max3A_149 {strides = array<i32>} : memref<1000x128xf32, #tpu.memory_space<vmem>>, vector<1000x128xf32>,
    return
  }
  func.func @transform_0(%arg0: i32) -> (i32, i32) {
    %c0_i32 = arith.constant 0 : i32
    %c0_i32_0 = arith.constant 0 : i32
    return %arg0, %c0_i32 : i32, i32
  }
  func.func @transform_1(%arg0: i32) -> (i32, i32, i32) {
    %c0_i32 = arith.constant 0 : i32
    %c0_i32_0 = arith.constant 0 : i32
    %c0_i32_1 = arith.constant 0 : i32
    return %c0_i32, %arg0, %c0_i32_0 : i32, i32, i32
  }
  func.func @transform_2(%arg0: i32) -> (i32, i32, i32) {
    %c0_i32 = arith.constant 0 : i32
    %c0_i32_0 = arith.constant 0 : i32
    %c0_i32_1 = arith.constant 0 : i32
    return %c0_i32, %arg0, %c0_i32_0 : i32, i32, i32
  }
  func.func @transform_3(%arg0: i32) -> (i32, i32, i32) {
    %c0_i32 = arith.constant 0 : i32
    %c0_i32_0 = arith.constant 0 : i32
    %c0_i32_1 = arith.constant 0 : i32
    return %c0_i32, %arg0, %c0_i32_0 : i32, i32, i32
  }
  func.func @transform_4(%arg0: i32) -> (i32, i32) {
    %c0_i32 = arith.constant 0 : i32
    %c0_i32_0 = arith.constant 0 : i32
    %c0_i32_1 = arith.constant 0 : i32
    return %c0_i32, %c0_i32_0 : i32, i32
  }
  func.func @transform_5(%arg0: i32) -> (i32, i32) {
    %c0_i32 = arith.constant 0 : i32
    %c0_i32_0 = arith.constant 0 : i32
    %c0_i32_1 = arith.constant 0 : i32
    return %c0_i32, %c0_i32_0 : i32, i32
  }
  func.func @transform_6(%arg0: i32) -> (i32, i32) {
    %c0_i32 = arith.constant 0 : i32
    %c0_i32_0 = arith.constant 0 : i32
    %c0_i32_1 = arith.constant 0 : i32
    return %c0_i32, %c0_i32_0 : i32, i32
  }
  func.func @transform_7(%arg0: i32) -> (i32, i32) {
    %c0_i32 = arith.constant 0 : i32
    %c0_i32_0 = arith.constant 0 : i32
    %c0_i32_1 = arith.constant 0 : i32
    return %c0_i32, %c0_i32_0 : i32, i32
  }
  func.func @transform_8(%arg0: i32) -> (i32, i32) {
    %c0_i32 = arith.constant 0 : i32
    %c0_i32_0 = arith.constant 0 : i32
    %c0_i32_1 = arith.constant 0 : i32
    return %c0_i32, %c0_i32_0 : i32, i32
  }
  func.func @transform_9(%arg0: i32) -> (i32, i32) {
    %c0_i32 = arith.constant 0 : i32
    %c0_i32_0 = arith.constant 0 : i32
    %c0_i32_1 = arith.constant 0 : i32
    return %c0_i32, %c0_i32_0 : i32, i32
  }
  func.func @transform_10(%arg0: i32) -> (i32, i32) {
    %c0_i32 = arith.constant 0 : i32
    %c0_i32_0 = arith.constant 0 : i32
    %c0_i32_1 = arith.constant 0 : i32
    return %c0_i32, %c0_i32_0 : i32, i32
  }
  func.func @transform_11(%arg0: i32) -> (i32, i32) {
    %c0_i32 = arith.constant 0 : i32
    %c0_i32_0 = arith.constant 0 : i32
    return %arg0, %c0_i32 : i32, i32
  }
}

</mosaic_0001>

<sc_bundles>
// kernel: kernel.4.cloned.1.call-start
scs
__scs_entry_jumppad:
0x0: {  	(pc) =	sbr.rel $0x88, $3  }
0x1: {  	(tag) =	ssettag $0x0;
	lr =	simm.s32 $0x1  }
0x2: {  	[smem:$0x3F96] =	sst lr;
	_ =	strace $0xD0000000  }
0x3: {  	_ = 	snop  }
0x4: {  	_ = 	snop  }
0x5: {  	_ = 	snop  }
0x6: {  	_ = 	snop  }
0x7: {  	_ = 	snop  }
__scs_overlays_trampoline_lowered:
0x8: {  	[smem:$0x3FA5] =	sst s0  }
0x9: {  	[smem:$0x3FA6] =	sst s1  }
0xa: {  	[smem:$0x3FA7] =	sst s2  }
0xb: {  	[smem:$0x3FA8] =	sst s3  }
0xc: {  	[smem:$0x3FA9] =	sst s4  }
0xd: {  	[smem:$0x3FAA] =	sst s5  }
0xe: {  	[smem:$0x3FAB] =	sst s6  }
0xf: {  	[smem:$0x3FAC] =	sst s7  }
0x10: {  	[smem:$0x3FAD] =	sst s8  }
0x11: {  	[smem:$0x3FAE] =	sst s9;
	s0 =	simm.s32 @!p0 $0x0  }
0x12: {  	s1 =	sld [smem:$0x3F94];
	s0 =	simm.s32 @p0 $0x1  }
0x13: {  	[smem:$0x3FAF] =	sst s0;
	s0 =	simm.s32 @!p1 $0x0  }
0x14: {  	s2 =	sld [smem:$0x3F93];
	s0 =	simm.s32 @p1 $0x1  }
0x15: {  	[smem:$0x3FB0] =	sst s0;
	s0 =	simm.s32 @!p2 $0x0  }
0x16: {  	s3 =	sld [smem:$0x3FDB];
	s0 =	simm.s32 @p2 $0x1  }
0x17: {  	s4 =	simm.s32 $0x1BF5;
	[smem:$0x3FB2] =	sst s0  }
0x18: {  	s0 =	sld [smem:$0x3F95];
	_ =	swait.ge [sflag:s4], $0x0  }
0x19: {  	s7 =	sld [smem:$0x3F96]  }
0x1a: {  	s8 =	sadd.s32 $0xFFFFE003, lr  }
0x1b: {  	s9 =	sadd.s32 $0xFFFFFEF7, lr;
	s5 =	simm.s32 $0xFFFFFFFF;
	p2 =	slt.u32 s8, $0xFFFFF086  }
0x1c: {  	p1 =	slt.u32 s9, $0xF7A;
	s5 =	simm.s32 @!p2 $0x0  }
0x1d: {  	s5 =	simm.s32 @p1 $0x1;
	p0 =	seq.s32 s7, s2  }
0x1e: {  	s7 =	smul.u32 @!p0 $0xF7A, s2;
	p2 =	seq.s32 @!p0 s5, $0x0  }
0x1f: {  	s9 =	smul.u32 $0xF7A, s1;
	s8 =	simm.s32 @!p0 $0x1BF5;
	p2 =	por !p2, p0  }
0x20: {  	[sflag:s8] =	ssyncset.s32 @!p0 $0xFFFFF086;
	s6 =	sadd.s32 @!p0 s3, s7;
	s7 =	simm.s32 @!p0 $0x108  }
0x21: {  	s3 =	sadd.s32 s3, s9;
	s6 =	sadd.s32 @!p0 $0x88, s6;
	s7 =	simm.s32 @p2 $0x1082  }
0x22: {  	[simem:s7], [sflag:s8] =	dma.local @!p0 [hbm:s6], $0xF7A  }
0x23: {  	s9 =	sor.u32 $0xD0000000, s2;
	s6 =	simm.s32 $0x108;
	_ =	swait.ge @!p0 [sflag:s8], $0x0  }
0x24: {  	s3 =	sadd.s32 $0x88, s3;
	s6 =	simm.s32 @!p1 $0x1082;
	[sflag:s4] =	ssyncset.s32 $0xFFFFF086  }
0x25: {  	[simem:s6], [sflag:s4] =	dma.local [hbm:s3], $0xF7A  }
0x26: {  	[smem:$0x3F96] =	sst s1;
	(tag) =	ssettag s2;
	_ =	strace s9  }
0x27: {  	s1 =	sld [smem:$0x3FA6]  }
0x28: {  	s2 =	sld [smem:$0x3FA7]  }
0x29: {  	s4 =	sld [smem:$0x3FA9]  }
0x2a: {  	p0 =	seq.s32 s5, $0x0;
	s5 =	sld [smem:$0x3FAA]  }
0x2b: {  	s6 =	sld [smem:$0x3FAB]  }
0x2c: {  	s7 =	sld [smem:$0x3FAC]  }
0x2d: {  	s3 =	simm.s32 $0x108;
	s8 =	sld [smem:$0x3FAD]  }
0x2e: {  	s3 =	simm.s32 @!p0 $0x1082;
	s9 =	sld [smem:$0x3FAE]  }
0x2f: {  	lr =	sadd.s32 s0, s3;
	s0 =	sld [smem:$0x3FA5]  }
0x30: {  	s3 =	sld [smem:$0x3FA8]  }
0x31: {  	[smem:$0x3FB1] =	sst s10  }
0x32: {  	s10 =	sld [smem:$0x3FAF];
	_ =	sdelay $0x3  }
0x33: {  	p0 =	seq.s32 s10, $0x1;
	s10 =	sld [smem:$0x3FB1];
	_ =	sdelay $0x3  }
0x34: {  	[smem:$0x3FB1] =	sst s10  }
0x35: {  	s10 =	sld [smem:$0x3FB0];
	_ =	sdelay $0x3  }
0x36: {  	p1 =	seq.s32 s10, $0x1;
	s10 =	sld [smem:$0x3FB1];
	_ =	sdelay $0x3  }
0x37: {  	[smem:$0x3FB1] =	sst s10  }
0x38: {  	s10 =	sld [smem:$0x3FB2]  }
0x39: {  	_ = 	snop;
	(pc) =	sbr.ind lr, $3  }
0x3a: {  	_ = 	snop  }
0x3b: {  	_ = 	snop  }
0x3c: {  	p2 =	seq.s32 s10, $0x1;
	s10 =	sld [smem:$0x3FB1]  }
0x3d: {  	_ =	shalt  }
0x3e: {  	_ =	shalt  }
0x3f: {  	_ =	shalt  }
0x40: {  	_ =	shalt  }
0x41: {  	_ =	shalt  }
0x42: {  	_ =	shalt  }
0x43: {  	_ =	shalt  }
0x44: {  	_ =	shalt  }
0x45: {  	_ =	shalt  }
0x46: {  	_ =	shalt  }
0x47: {  	_ =	shalt  }
0x48: {  	_ =	shalt  }
0x49: {  	_ =	shalt  }
0x4a: {  	_ =	shalt  }
0x4b: {  	_ =	shalt  }
0x4c: {  	_ =	shalt  }
0x4d: {  	_ =	shalt  }
0x4e: {  	_ =	shalt  }
0x4f: {  	_ =	shalt  }
0x50: {  	_ =	shalt  }
0x51: {  	_ =	shalt  }
0x52: {  	_ =	shalt  }
0x53: {  	_ =	shalt  }
0x54: {  	_ =	shalt  }
0x55: {  	_ =	shalt  }
0x56: {  	_ =	shalt  }
0x57: {  	_ =	shalt  }
0x58: {  	_ =	shalt  }
0x59: {  	_ =	shalt  }
0x5a: {  	_ =	shalt  }
0x5b: {  	_ =	shalt  }
0x5c: {  	_ =	shalt  }
0x5d: {  	_ =	shalt  }
0x5e: {  	_ =	shalt  }
0x5f: {  	_ =	shalt  }
0x60: {  	_ =	shalt  }
0x61: {  	_ =	shalt  }
0x62: {  	_ =	shalt  }
0x63: {  	_ =	shalt  }
0x64: {  	_ =	shalt  }
0x65: {  	_ =	shalt  }
0x66: {  	_ =	shalt  }
0x67: {  	_ =	shalt  }
0x68: {  	_ =	shalt  }
0x69: {  	_ =	shalt  }
0x6a: {  	_ =	shalt  }
0x6b: {  	_ =	shalt  }
0x6c: {  	_ =	shalt  }
0x6d: {  	_ =	shalt  }
0x6e: {  	_ =	shalt  }
0x6f: {  	_ =	shalt  }
0x70: {  	_ =	shalt  }
0x71: {  	_ =	shalt  }
0x72: {  	_ =	shalt  }
0x73: {  	_ =	shalt  }
0x74: {  	_ =	shalt  }
0x75: {  	_ =	shalt  }
0x76: {  	_ =	shalt  }
0x77: {  	_ =	shalt  }
0x78: {  	_ =	shalt  }
0x79: {  	_ =	shalt  }
0x7a: {  	_ =	shalt  }
0x7b: {  	_ =	shalt  }
0x7c: {  	_ =	shalt  }
0x7d: {  	_ =	shalt  }
0x7e: {  	_ =	shalt  }
0x7f: {  	_ =	shalt  }
0x80: {  	_ =	shalt  }
0x81: {  	_ =	shalt  }
0x82: {  	_ =	shalt  }
0x83: {  	_ =	shalt  }
0x84: {  	_ =	shalt  }
0x85: {  	_ =	shalt  }
0x86: {  	_ =	shalt  }
0x87: {  	_ =	shalt  }
.Lfunc_end0:
.L_simem_size_0:
called_computation_lowered:
.L_overlay_start_0:
0x88: {  	s2 =	sld [smem:$0x3FD9]  }
0x89: {  	s3 =	sld [smem:$0x3FFE];
	_ =	sdelay $0x1  }
0x8a: {  	s1 =	srdreg.scid  }
0x8b: {  	s0 =	sand.u32 $0x1, s1  }
0x8c: {  	s17 =	sshll.u32 s0, $0xA;
	s2 =	sadd.s32 s3, s2  }
0x8d: {  	s2 =	sadd.s32 s2, s17  }
0x8e: {  	[smem:$0x3FBD] =	sst s2  }
0x8f: {  	_ = 	snop  }
0x90: {  	s2 =	sld [smem:$0x3FC9]  }
0x91: {  	s18 =	sld [smem:$0x3FD0];
	(tm) =	ssettm $0x1  }
0x92: {  	s4 =	sld [smem:$0x3FFB];
	_ =	sdelay $0x3  }
0x93: {  	_ =	strace s4  }
0x94: {  	s4 =	sld [smem:$0x3FFC];
	_ =	sdelay $0x3  }
0x95: {  	_ =	strace s4  }
0x96: {  	s4 =	sld [smem:$0x3FFD];
	_ =	sdelay $0x3  }
0x97: {  	_ =	strace s4  }
0x98: {  	_ =	strace $0x8FFFFFFF  }
0x99: {  	s19 =	sld [smem:$0x3FDB];
	_ =	sdelay $0x1  }
0x9a: {  	s5 =	simm.s32 $_scs_section_size  }
0x9b: {  	s6 =	simm.s32 $_size__tile_overlayer_lowered;
	s7 =	simm.s32 $_tile_overlayer_lowered  }
0x9c: {  	s22 =	simm.s32 $0x1BFF;
	s21 =	sshll.u32 s7, $0x1;
	s4 =	sadd.s32 s5, s19  }
0x9d: {  	s8 =	simm.s32 $0x0;
	s20 =	sshll.u32 s6, $0x1;
	s6 =	sadd.s32 s21, s4  }
0x9e: {  	[timem:s8], [sflag:s22] =	dma.local [hbm:s6], s20  }
0x9f: {  	_ =	swait.ge [sflag:s22], s20  }
0xa0: {  	s5 =	ssub.s32 $0x0, s20;
	[sflag:s22] =	ssyncset.done $0x0  }
0xa1: {  	[sflag:s22] =	ssyncadd.s32 s5;
	_ =	sdelay $0x1  }
0xa2: {  	s23 =	simm.s32 $0x1B8B  }
0xa3: {  	_ =	swait.ge [sflag:s23], $0x1  }
0xa4: {  	[sflag:s23] =	ssyncset.done $0x0  }
0xa5: {  	s25 =	simm.s32 $0x1B8E;
	s24 =	sld [smem:$0x3FFE];
	[sflag:s23] =	ssyncadd.s32 $0xFFFFFFFF  }
0xa6: {  	s26 =	simm.s32 $execute0_lowered;
	[smem:$0x3FD2] =	sst s25  }
0xa7: {  	s6 =	sshll.u32 s26, $0x1;
	_ =	strace $0x80000046;
	[dreg:$0x1] =	wrdreg $0xFFFFFFFF  }
0xa8: {  	s28 =	simm.s32 $_size_execute0_lowered;
	s4 =	sadd.s32 s4, s6;
	[dreg:$0x0] =	wrdreg $0x0  }
0xa9: {  	s6 =	sshll.u32 s28, $0x1;
	[dreg:$0x2] =	wrdreg s4  }
0xaa: {  	[dreg:$0x3] =	wrdreg s6  }
0xab: {  	[dreg:$0x4] =	wrdreg $0xC0  }
0xac: {  	_ =	task [dreg:s8], $0x5FFFF  }
0xad: {  	[dreg:$0x1] =	wrdreg $0xFFFFFFFF  }
0xae: {  	[dreg:$0x0] =	wrdreg $0x60  }
0xaf: {  	[dreg:$0x2] =	wrdreg s2  }
0xb0: {  	[dreg:$0x3] =	wrdreg s24  }
0xb1: {  	[dreg:$0x4] =	wrdreg s18  }
0xb2: {  	[dreg:$0x5] =	wrdreg $0x0  }
0xb3: {  	[dreg:$0x6] =	wrdreg $0x163800  }
0xb4: {  	[dreg:$0x7] =	wrdreg $0x13C000  }
0xb5: {  	[dreg:$0x8] =	wrdreg $0x9  }
0xb6: {  	_ =	task.clear_ibuf [dreg:s8], $0x9FFFF;
	_ =	strace $0x90000046  }
0xb7: {  	s29 =	simm.s32 $0x9;
	_ =	strace $0x80000048  }
0xb8: {  	_ =	swait.ge [sflag:s29], $0x1  }
0xb9: {  	[sflag:s29] =	ssyncadd.s32 $0xFFFFFFFF  }
0xba: {  	_ =	strace $0x90000048  }
0xbb: {  	_ =	sfence  }
0xbc: {  	s30 =	sld [smem:$0x0];
	_ =	sdelay $0x2  }
0xbd: {  	s31 =	sshll.u32 s1, $0xD;
	s1 =	sshrl.u32 s1, $0x2  }
0xbe: {  	s3 =	sand.u32 $0x4000, s31;
	s1 =	sadd.s32 s1, s30  }
0xbf: {  	s0 =	sor.u32 s3, s0;
	s1 =	sshll.u32 s1, $0x11  }
0xc0: {  	s0 =	sor.u32 s1, s0  }
0xc1: {  	s0 =	sadd.s32 $0x8F2B, s0  }
0xc2: {  	[sflag:s0] =	ssyncadd.remote.s32 $0x1  }
0xc3: {  	_ =	sfence.sel $0xFFFF  }
0xc4: {  	[dreg:$0x0] =	wrdreg $0xFFFFFFFF;
	(pc) =	sbr.abs _section_cstart, $3  }
0xc5: {  	[dreg:$0x1] =	wrdreg $0xFFFFFFFF  }
0xc6: {  	_ =	task.clear_ibuf [dreg:s8], $0x2FFFF;
	_ =	strace $0x9FFFFFFF  }
0xc7: {  	(tm) =	ssettm $0x7FFFFFFF  }
tec
execute0_lowered:
.L_overlay_start_1:
0x0: {  	(tag) =	ssettag $0x1  }
0x1: {  	s0 =	rddreg [dreg:$0x0]  }
0x2: {  	s6 =	rddreg [dreg:$0x1]  }
0x3: {  	s7 =	rddreg [dreg:$0x2]  }
0x4: {  	s2 =	rddreg [dreg:$0x3]  }
0x5: {  	s3 =	rddreg [dreg:$0x4]  }
0x6: {  	s4 =	rddreg [dreg:$0x5];
	s1 =	srdreg.scid  }
0x7: {  	s25 =	simm.s32 $0x0;
	s5 =	stileid.u32;
	s30 =	simm.s32 $0x1AC80  }
0x8: {  	s31 =	simm.s32 $0x3;
	s8 =	sand.u32 $0x1, s1;
	s23 =	smul.u32 $0x13C00, s5  }
0x9: {  	s29 =	simm.s32 $0x1F480;
	[smem:$0x7FF] =	sst s25;
	s1 =	smul.u32 $0x27100, s8  }
0xa: {  	s10 =	sadd.s32 $0x2400, s6;
	s12 =	sadd.s32 $0x1FC00, s6;
	s9 =	smul.u32 $0x4F00, s8  }
0xb: {  	_ =	strace $0x80000047;
	s13 =	ssub.s32 $0x2, s8;
	s16 =	smul.u32 $0x4E20, s8  }
0xc: {  	s17 =	smul.u32 $0x27800, s8;
	s8 =	sor.u32 $0x2, s8;
	s14 =	sshrl.u32 s13, $0x1  }
0xd: {  	s26 =	smul.u32 $0x4E20, s8;
	s20 =	sshrl.u32 s23, $0x3;
	s11 =	sadd.s32 s1, s6  }
0xe: {  	s1 =	smul.u32 $0x278, s5;
	s6 =	sadd.s32 s9, s6;
	s13 =	ssub.s32 s13, s14  }
0xf: {  	s24 =	sadd.s32 s10, s16;
	s28 =	sadd.s32 s12, s17;
	s17 =	smul.u32 $0x27800, s8  }
0x10: {  	s8 =	smul.u32 $0x4F00, s8;
	[dreg:$0xa] =	wrdreg s24;
	s10 =	sadd.s32 s10, s26  }
0x11: {  	s9 =	sadd.s32 s7, s9;
	s13 =	smax.u32 s13, $0x1;
	[dreg:$0xd] =	wrdreg s10  }
0x12: {  	s19 =	sadd.s32 $0x4E4400, s11;
	s11 =	sadd.s32 s20, s28;
	[dreg:$0x10] =	wrdreg s13  }
0x13: {  	s6 =	sadd.s32 $0x15E00, s6;
	s15 =	sadd.s32 $0x240, s1;
	[dreg:$0x11] =	wrdreg s11  }
0x14: {  	s12 =	sadd.s32 s12, s17;
	s7 =	sadd.s32 s7, s8;
	[dreg:$0xb] =	wrdreg s19  }
0x15: {  	s21 =	sshll.u32 s15, $0x7;
	s22 =	sshll.u32 s15, $0x4;
	s15 =	sadd.s32 s23, s2  }
0x16: {  	s28 =	sadd.s32 $0x40, s1;
	s26 =	sadd.s32 s20, s12;
	[dreg:$0xc] =	wrdreg s15  }
0x17: {  	s13 =	sadd.s32 $0x80, s1;
	s14 =	sadd.s32 s21, s2;
	[dreg:$0x12] =	wrdreg s26  }
0x18: {  	s11 =	sshll.u32 s28, $0x4;
	s18 =	sadd.s32 s22, s3;
	[dreg:$0x7] =	wrdreg s14  }
0x19: {  	s12 =	sadd.s32 s11, s3;
	[dreg:$0x8] =	wrdreg s18;
	s18 =	smul.u32 $0x2780, s5  }
0x1a: {  	s15 =	sadd.s32 $0xC0, s1;
	s14 =	sadd.s32 s22, s4;
	[dreg:$0x18] =	wrdreg s12  }
0x1b: {  	s22 =	smul.u32 $0x4F000, s5;
	[dreg:$0x9] =	wrdreg s14;
	s23 =	sadd.s32 s18, s3  }
0x1c: {  	s17 =	sshll.u32 s15, $0x7;
	s24 =	sadd.s32 s18, s4;
	[dreg:$0xe] =	wrdreg s23  }
0x1d: {  	s21 =	sshrl.u32 s18, $0x3;
	s18 =	sadd.s32 s17, s2;
	[dreg:$0xf] =	wrdreg s24  }
0x1e: {  	s20 =	sshll.u32 s15, $0x4;
	s9 =	sadd.s32 s21, s9;
	[dreg:$0x1d] =	wrdreg s18  }
0x1f: {  	s12 =	sadd.s32 $0x1C0, s1;
	s6 =	sadd.s32 s21, s6;
	[dreg:$0x13] =	wrdreg s9  }
0x20: {  	s8 =	sshrl.u32 s22, $0x2;
	s7 =	sadd.s32 s21, s7;
	[dreg:$0x14] =	wrdreg s6  }
0x21: {  	s14 =	sshll.u32 s13, $0x7;
	s10 =	sadd.s32 s8, s2;
	[dreg:$0x15] =	wrdreg s7  }
0x22: {  	s22 =	sadd.s32 $0x100, s1;
	s21 =	sadd.s32 s20, s3;
	[dreg:$0x16] =	wrdreg s10  }
0x23: {  	s23 =	sshll.u32 s22, $0x7;
	s7 =	sadd.s32 s14, s2;
	[dreg:$0x1e] =	wrdreg s21  }
0x24: {  	s9 =	sshll.u32 s28, $0x7;
	s21 =	sshll.u32 s5, $0x7;
	[dreg:$0x1a] =	wrdreg s7  }
0x25: {  	s24 =	sadd.s32 $0x140, s1;
	s6 =	sadd.s32 s9, s2;
	[smem:$0x7F8] =	sst s21  }
0x26: {  	s8 =	sshll.u32 s24, $0x4;
	s7 =	sadd.s32 s23, s2;
	[dreg:$0x17] =	wrdreg s6  }
0x27: {  	s14 =	sshll.u32 s12, $0x7;
	s9 =	sadd.s32 s8, s3;
	[smem:$0x7E9] =	sst s7  }
0x28: {  	s28 =	sshll.u32 s24, $0x7;
	s15 =	sadd.s32 s14, s2;
	[smem:$0x7ED] =	sst s9  }
0x29: {  	s10 =	sadd.s32 $0x180, s1;
	s6 =	sadd.s32 s11, s4;
	[smem:$0x7F2] =	sst s15  }
0x2a: {  	s7 =	sadd.s32 s28, s2;
	s11 =	sshll.u32 s10, $0x7;
	[dreg:$0x19] =	wrdreg s6  }
0x2b: {  	s6 =	sshll.u32 s13, $0x4;
	[smem:$0x7EC] =	sst s7;
	s7 =	sadd.s32 s11, s2  }
0x2c: {  	s1 =	sadd.s32 $0x200, s1;
	s16 =	sadd.s32 s6, s3;
	[smem:$0x7EF] =	sst s7  }
0x2d: {  	s18 =	sshll.u32 s1, $0x7;
	s6 =	sadd.s32 s6, s4;
	[dreg:$0x1b] =	wrdreg s16  }
0x2e: {  	[dreg:$0x1c] =	wrdreg s6;
	s6 =	sadd.s32 s20, s4;
	s16 =	sshll.u32 s12, $0x4  }
0x2f: {  	s1 =	sshll.u32 s1, $0x4;
	[dreg:$0x1f] =	wrdreg s6;
	s17 =	sadd.s32 s16, s3  }
0x30: {  	s6 =	sshll.u32 s22, $0x4;
	s22 =	sadd.s32 s1, s3;
	[smem:$0x7F3] =	sst s17  }
0x31: {  	p0 =	slt.u32 s5, $0x2;
	s1 =	sadd.s32 s1, s4;
	[smem:$0x7F6] =	sst s22  }
0x32: {  	s20 =	smul.u32 $0x9E00, s5;
	s26 =	sadd.s32 s6, s3;
	[smem:$0x7F7] =	sst s1  }
0x33: {  	p1 =	sgt.u32 s5, $0x1;
	s6 =	sadd.s32 s6, s4;
	[smem:$0x7EA] =	sst s26  }
0x34: {  	s23 =	sshrl.u32 s20, $0x2;
	[smem:$0x7EB] =	sst s6;
	s6 =	sadd.s32 s8, s4  }
0x35: {  	s14 =	simm.s32 $0x1EC80;
	s1 =	sadd.s32 s23, s3;
	[smem:$0x7EE] =	sst s6  }
0x36: {  	s22 =	simm.s32 $0x6;
	s26 =	sshll.u32 s5, $0x4;
	[smem:$0x7F9] =	sst s1  }
0x37: {  	s20 =	simm.s32 $0x18C80;
	s28 =	sor.u32 $0x100, s26;
	[smem:$0x7FC] =	sst s26  }
0x38: {  	s6 =	sshll.u32 s10, $0x4;
	s1 =	sor.u32 $0x200, s26;
	[smem:$0x7FB] =	sst s28  }
0x39: {  	s8 =	simm.s32 $0xB;
	s13 =	sadd.s32 s6, s3;
	[smem:$0x7FD] =	sst s1  }
0x3a: {  	s23 =	simm.s32 $0x18C00;
	s6 =	sadd.s32 s6, s4;
	[smem:$0x7F0] =	sst s13  }
0x3b: {  	s26 =	simm.s32 $0x40;
	[smem:$0x7F1] =	sst s6;
	s6 =	sadd.s32 s16, s4  }
0x3c: {  	s1 =	simm.s32 $0x5;
	[smem:$0x7F4] =	sst s6;
	s6 =	sadd.s32 s18, s2  }
0x3d: {  	s4 =	simm.s32 $0x18C80;
	[smem:$0x7F5] =	sst s6;
	s6 =	sor.u32 $0x1800, s21  }
0x3e: {  	s16 =	simm.s32 $0x4;
	s2 =	simm.s32 $0x0;
	s24 =	sadd.s32 s19, s6  }
0x3f: {  	v0 =	vimm.f32 $1.000000000e+00;
	v1 =	vimm.f32 $0.0e+00;
	s21 =	simm.s32 $0xA;
	s19 =	simm.s32 $0x1F880;
	[smem:$0x7FA] =	sst s24  }
.LBB2_1:
0x40: {  	s10 =	simm.s32 $0x40;
	s13 =	simm.s32 $0x0  }
.LBB2_2:
0x41: {  	p2 =	sne.s32 s10, $0xFC0;
	[tilespmem:s13+$0x1F880] =	vst v0;
	s13 =	smov.u32 s10;
	s10 =	sadd.s32 $0x40, s10  }
.Ltmp0:
0x42: {  	(pc) =	sbr.rel @p2 .LBB2_2-.Ltmp0, $2  }
0x43: {  	_ =	sdelay $0x2  }
0x44: {  	s13 =	sshra.s32 s13, $0x2  }
0x45: {  	[tilespmem:s13+$0x1F880] =	vst v0;
	s10 =	simm.s32 $0x0;
	s13 =	simm.s32 $0x200  }
.LBB2_4:
0x46: {  	p2 =	sne.s32 s13, $0x7E00;
	[tilespmem:s10+$0x18CF0] =	vst v1  }
0x47: {  	[tilespmem:s10+$0x18C80] =	vst v1  }
0x48: {  	[tilespmem:s10+$0x18C90] =	vst v1  }
.Ltmp1:
0x49: {  	[tilespmem:s10+$0x18CA0] =	vst v1;
	(pc) =	sbr.rel @p2 .LBB2_4-.Ltmp1, $4  }
0x4a: {  	[tilespmem:s10+$0x18CB0] =	vst v1  }
0x4b: {  	[tilespmem:s10+$0x18CC0] =	vst v1  }
0x4c: {  	[tilespmem:s10+$0x18CD0] =	vst v1  }
0x4d: {  	[tilespmem:s10+$0x18CE0] =	vst v1;
	s10 =	sshra.s32 s13, $0x2;
	s13 =	sadd.s32 $0x200, s13  }
0x4e: {  	[tilespmem:s10+$0x18CF0] =	vst v1  }
0x4f: {  	[tilespmem:s10+$0x18C80] =	vst v1  }
0x50: {  	[tilespmem:s10+$0x18C90] =	vst v1  }
0x51: {  	[tilespmem:s10+$0x18CA0] =	vst v1  }
0x52: {  	[tilespmem:s10+$0x18CB0] =	vst v1  }
0x53: {  	[tilespmem:s10+$0x18CC0] =	vst v1  }
0x54: {  	[tilespmem:s10+$0x18CD0] =	vst v1  }
0x55: {  	[smem:$0x7E8] =	sst s2;
	[tilespmem:s10+$0x18CE0] =	vst v1;
	s10 =	simm.s32 $0x40;
	s13 =	simm.s32 $0x0  }
.LBB2_6:
0x56: {  	p2 =	sne.s32 s10, $0xFC0;
	[tilespmem:s13+$0x1EC80] =	vst v1;
	s13 =	smov.u32 s10;
	s10 =	sadd.s32 $0x40, s10  }
.Ltmp2:
0x57: {  	(pc) =	sbr.rel @p2 .LBB2_6-.Ltmp2, $2  }
0x58: {  	_ =	sdelay $0x2  }
0x59: {  	s13 =	sshra.s32 s13, $0x2  }
0x5a: {  	[tilespmem:s13+$0x1EC80] =	vst v1;
	s5 =	rddreg [dreg:$0x16]  }
0x5b: {  	[spmem:s5] =	stream.linear.scatter [tilespmem:s4], [sflag:$0xB], $0x2000, $0x38;
	[tilespmem:$0x1FC80] =	vst v63  }
0x5c: {  	_ =	swait.ge [sflag:s8], $0x2000  }
0x5d: {  	[sflag:s8] =	ssyncset.done $0x0  }
0x5e: {  	s24 =	rddreg [dreg:$0xe];
	[sflag:s8] =	ssyncadd.s32 $0xFFFFE000  }
0x5f: {  	[spmem:s24] =	stream.linear.scatter [tilespmem:s14], [sflag:$0xB], $0x400, $0x38;
	[tilespmem:$0x1FC80] =	vst v63  }
0x60: {  	_ =	swait.ge [sflag:s8], $0x400  }
0x61: {  	[sflag:s8] =	ssyncset.done $0x0  }
0x62: {  	s2 =	rddreg [dreg:$0xf];
	[sflag:s8] =	ssyncadd.s32 $0xFFFFFC00  }
0x63: {  	[spmem:s2] =	stream.linear.scatter [tilespmem:s14], [sflag:$0xB], $0x400, $0x38;
	[tilespmem:$0x1FC80] =	vst v63  }
0x64: {  	_ =	swait.ge [sflag:s8], $0x400  }
0x65: {  	[sflag:s8] =	ssyncset.done $0x0  }
0x66: {  	s3 =	rddreg [dreg:$0x17];
	[sflag:s8] =	ssyncadd.s32 $0xFFFFFC00  }
0x67: {  	[spmem:s3] =	stream.linear.scatter [tilespmem:s4], [sflag:$0xB], $0x2000, $0x38;
	[tilespmem:$0x1FC80] =	vst v63  }
0x68: {  	_ =	swait.ge [sflag:s8], $0x2000  }
0x69: {  	[sflag:s8] =	ssyncset.done $0x0  }
0x6a: {  	s6 =	rddreg [dreg:$0x18];
	[sflag:s8] =	ssyncadd.s32 $0xFFFFE000  }
0x6b: {  	[spmem:s6] =	stream.linear.scatter [tilespmem:s14], [sflag:$0xB], $0x400, $0x38;
	[tilespmem:$0x1FC80] =	vst v63  }
0x6c: {  	_ =	swait.ge [sflag:s8], $0x400  }
0x6d: {  	[sflag:s8] =	ssyncset.done $0x0  }
0x6e: {  	s7 =	rddreg [dreg:$0x19];
	[sflag:s8] =	ssyncadd.s32 $0xFFFFFC00  }
0x6f: {  	[spmem:s7] =	stream.linear.scatter [tilespmem:s14], [sflag:$0xB], $0x400, $0x38;
	[tilespmem:$0x1FC80] =	vst v63  }
0x70: {  	_ =	swait.ge [sflag:s8], $0x400  }
0x71: {  	[sflag:s8] =	ssyncset.done $0x0  }
0x72: {  	s9 =	rddreg [dreg:$0x1a];
	[sflag:s8] =	ssyncadd.s32 $0xFFFFFC00  }
0x73: {  	[spmem:s9] =	stream.linear.scatter [tilespmem:s4], [sflag:$0xB], $0x2000, $0x38;
	[tilespmem:$0x1FC80] =	vst v63  }
0x74: {  	_ =	swait.ge [sflag:s8], $0x2000  }
0x75: {  	[sflag:s8] =	ssyncset.done $0x0  }
0x76: {  	s10 =	rddreg [dreg:$0x1b];
	[sflag:s8] =	ssyncadd.s32 $0xFFFFE000  }
0x77: {  	[spmem:s10] =	stream.linear.scatter [tilespmem:s14], [sflag:$0xB], $0x400, $0x38;
	[tilespmem:$0x1FC80] =	vst v63  }
0x78: {  	_ =	swait.ge [sflag:s8], $0x400  }
0x79: {  	[sflag:s8] =	ssyncset.done $0x0  }
0x7a: {  	s11 =	rddreg [dreg:$0x1c];
	[sflag:s8] =	ssyncadd.s32 $0xFFFFFC00  }
0x7b: {  	[spmem:s11] =	stream.linear.scatter [tilespmem:s14], [sflag:$0xB], $0x400, $0x38;
	[tilespmem:$0x1FC80] =	vst v63  }
0x7c: {  	_ =	swait.ge [sflag:s8], $0x400  }
0x7d: {  	[sflag:s8] =	ssyncset.done $0x0  }
0x7e: {  	s12 =	rddreg [dreg:$0x1d];
	[sflag:s8] =	ssyncadd.s32 $0xFFFFFC00  }
0x7f: {  	[spmem:s12] =	stream.linear.scatter [tilespmem:s4], [sflag:$0xB], $0x2000, $0x38;
	[tilespmem:$0x1FC80] =	vst v63  }
0x80: {  	_ =	swait.ge [sflag:s8], $0x2000  }
0x81: {  	[sflag:s8] =	ssyncset.done $0x0  }
0x82: {  	s13 =	rddreg [dreg:$0x1e];
	[sflag:s8] =	ssyncadd.s32 $0xFFFFE000  }
0x83: {  	[spmem:s13] =	stream.linear.scatter [tilespmem:s14], [sflag:$0xB], $0x400, $0x38;
	[tilespmem:$0x1FC80] =	vst v63  }
0x84: {  	_ =	swait.ge [sflag:s8], $0x400  }
0x85: {  	[sflag:s8] =	ssyncset.done $0x0  }
0x86: {  	s15 =	rddreg [dreg:$0x1f];
	[sflag:s8] =	ssyncadd.s32 $0xFFFFFC00  }
0x87: {  	[spmem:s15] =	stream.linear.scatter [tilespmem:s14], [sflag:$0xB], $0x400, $0x38;
	[tilespmem:$0x1FC80] =	vst v63  }
0x88: {  	_ =	swait.ge [sflag:s8], $0x400  }
0x89: {  	s17 =	sld [smem:$0x7E9]  }
0x8a: {  	[sflag:s8] =	ssyncset.done $0x0  }
0x8b: {  	[sflag:s8] =	ssyncadd.s32 $0xFFFFFC00  }
0x8c: {  	[spmem:s17] =	stream.linear.scatter [tilespmem:s4], [sflag:$0xB], $0x2000, $0x38;
	[tilespmem:$0x1FC80] =	vst v63  }
0x8d: {  	_ =	swait.ge [sflag:s8], $0x2000  }
0x8e: {  	s18 =	sld [smem:$0x7EA]  }
0x8f: {  	[sflag:s8] =	ssyncset.done $0x0  }
0x90: {  	[sflag:s8] =	ssyncadd.s32 $0xFFFFE000  }
0x91: {  	[spmem:s18] =	stream.linear.scatter [tilespmem:s14], [sflag:$0xB], $0x400, $0x38;
	[tilespmem:$0x1FC80] =	vst v63  }
0x92: {  	_ =	swait.ge [sflag:s8], $0x400  }
0x93: {  	s24 =	sld [smem:$0x7EB]  }
0x94: {  	[sflag:s8] =	ssyncset.done $0x0  }
0x95: {  	[sflag:s8] =	ssyncadd.s32 $0xFFFFFC00  }
0x96: {  	[spmem:s24] =	stream.linear.scatter [tilespmem:s14], [sflag:$0xB], $0x400, $0x38;
	[tilespmem:$0x1FC80] =	vst v63  }
0x97: {  	_ =	swait.ge [sflag:s8], $0x400  }
0x98: {  	s2 =	sld [smem:$0x7EC]  }
0x99: {  	[sflag:s8] =	ssyncset.done $0x0  }
0x9a: {  	[sflag:s8] =	ssyncadd.s32 $0xFFFFFC00  }
0x9b: {  	[spmem:s2] =	stream.linear.scatter [tilespmem:s4], [sflag:$0xB], $0x2000, $0x38;
	[tilespmem:$0x1FC80] =	vst v63  }
0x9c: {  	_ =	swait.ge [sflag:s8], $0x2000  }
0x9d: {  	s3 =	sld [smem:$0x7ED]  }
0x9e: {  	[sflag:s8] =	ssyncset.done $0x0  }
0x9f: {  	[sflag:s8] =	ssyncadd.s32 $0xFFFFE000  }
0xa0: {  	[spmem:s3] =	stream.linear.scatter [tilespmem:s14], [sflag:$0xB], $0x400, $0x38;
	[tilespmem:$0x1FC80] =	vst v63  }
0xa1: {  	_ =	swait.ge [sflag:s8], $0x400  }
0xa2: {  	s6 =	sld [smem:$0x7EE]  }
0xa3: {  	[sflag:s8] =	ssyncset.done $0x0  }
0xa4: {  	[sflag:s8] =	ssyncadd.s32 $0xFFFFFC00  }
0xa5: {  	[spmem:s6] =	stream.linear.scatter [tilespmem:s14], [sflag:$0xB], $0x400, $0x38;
	[tilespmem:$0x1FC80] =	vst v63  }
0xa6: {  	_ =	swait.ge [sflag:s8], $0x400  }
0xa7: {  	s7 =	sld [smem:$0x7EF]  }
0xa8: {  	[sflag:s8] =	ssyncset.done $0x0  }
0xa9: {  	[sflag:s8] =	ssyncadd.s32 $0xFFFFFC00  }
0xaa: {  	[spmem:s7] =	stream.linear.scatter [tilespmem:s4], [sflag:$0xB], $0x2000, $0x38;
	[tilespmem:$0x1FC80] =	vst v63  }
0xab: {  	_ =	swait.ge [sflag:s8], $0x2000  }
0xac: {  	s9 =	sld [smem:$0x7F0]  }
0xad: {  	[sflag:s8] =	ssyncset.done $0x0  }
0xae: {  	[sflag:s8] =	ssyncadd.s32 $0xFFFFE000  }
0xaf: {  	[spmem:s9] =	stream.linear.scatter [tilespmem:s14], [sflag:$0xB], $0x400, $0x38;
	[tilespmem:$0x1FC80] =	vst v63  }
0xb0: {  	_ =	swait.ge [sflag:s8], $0x400  }
0xb1: {  	s10 =	sld [smem:$0x7F1]  }
0xb2: {  	[sflag:s8] =	ssyncset.done $0x0  }
0xb3: {  	[sflag:s8] =	ssyncadd.s32 $0xFFFFFC00  }
0xb4: {  	[spmem:s10] =	stream.linear.scatter [tilespmem:s14], [sflag:$0xB], $0x400, $0x38;
	[tilespmem:$0x1FC80] =	vst v63  }
0xb5: {  	_ =	swait.ge [sflag:s8], $0x400  }
0xb6: {  	s11 =	sld [smem:$0x7F2]  }
0xb7: {  	[sflag:s8] =	ssyncset.done $0x0  }
0xb8: {  	[sflag:s8] =	ssyncadd.s32 $0xFFFFFC00  }
0xb9: {  	[spmem:s11] =	stream.linear.scatter [tilespmem:s4], [sflag:$0xB], $0x2000, $0x38;
	[tilespmem:$0x1FC80] =	vst v63  }
0xba: {  	_ =	swait.ge [sflag:s8], $0x2000  }
0xbb: {  	s12 =	sld [smem:$0x7F3]  }
0xbc: {  	[sflag:s8] =	ssyncset.done $0x0  }
0xbd: {  	[sflag:s8] =	ssyncadd.s32 $0xFFFFE000  }
0xbe: {  	[spmem:s12] =	stream.linear.scatter [tilespmem:s14], [sflag:$0xB], $0x400, $0x38;
	[tilespmem:$0x1FC80] =	vst v63  }
0xbf: {  	_ =	swait.ge [sflag:s8], $0x400  }
0xc0: {  	s13 =	sld [smem:$0x7F4]  }
0xc1: {  	[sflag:s8] =	ssyncset.done $0x0  }
0xc2: {  	[sflag:s8] =	ssyncadd.s32 $0xFFFFFC00  }
0xc3: {  	[spmem:s13] =	stream.linear.scatter [tilespmem:s14], [sflag:$0xB], $0x400, $0x38;
	[tilespmem:$0x1FC80] =	vst v63  }
0xc4: {  	_ =	swait.ge [sflag:s8], $0x400  }
0xc5: {  	s15 =	sld [smem:$0x7F5]  }
0xc6: {  	[sflag:s8] =	ssyncset.done $0x0  }
0xc7: {  	[sflag:s8] =	ssyncadd.s32 $0xFFFFFC00  }
0xc8: {  	[spmem:s15] =	stream.linear.scatter [tilespmem:s4], [sflag:$0xB], $0x2000, $0x38;
	[tilespmem:$0x1FC80] =	vst v63  }
0xc9: {  	_ =	swait.ge [sflag:s8], $0x2000  }
0xca: {  	s17 =	sld [smem:$0x7F6]  }
0xcb: {  	[sflag:s8] =	ssyncset.done $0x0  }
0xcc: {  	[sflag:s8] =	ssyncadd.s32 $0xFFFFE000  }
0xcd: {  	[spmem:s17] =	stream.linear.scatter [tilespmem:s14], [sflag:$0xB], $0x400, $0x38;
	[tilespmem:$0x1FC80] =	vst v63  }
0xce: {  	_ =	swait.ge [sflag:s8], $0x400  }
0xcf: {  	s18 =	sld [smem:$0x7F7]  }
0xd0: {  	[sflag:s8] =	ssyncset.done $0x0  }
0xd1: {  	[sflag:s8] =	ssyncadd.s32 $0xFFFFFC00  }
0xd2: {  	[spmem:s18] =	stream.linear.scatter [tilespmem:s14], [sflag:$0xB], $0x400, $0x38;
	[tilespmem:$0x1FC80] =	vst v63  }
0xd3: {  	_ =	swait.ge [sflag:s8], $0x400  }
0xd4: {  	[sflag:s8] =	ssyncset.done $0x0  }
0xd5: {  	s24 =	rddreg [dreg:$0x7];
	[sflag:s8] =	ssyncadd.s32 $0xFFFFFC00  }
0xd6: {  	[spmem:s24] =	stream.linear.scatter [tilespmem:s4], [sflag:$0xB], $0x1C00, $0x38;
	[tilespmem:$0x1FC80] =	vst v63  }
0xd7: {  	_ =	swait.ge [sflag:s8], $0x1C00  }
0xd8: {  	[sflag:s8] =	ssyncset.done $0x0  }
0xd9: {  	s2 =	rddreg [dreg:$0x8];
	[sflag:s8] =	ssyncadd.s32 $0xFFFFE400  }
0xda: {  	[spmem:s2] =	stream.linear.scatter [tilespmem:s14], [sflag:$0xB], $0x380, $0x38;
	[tilespmem:$0x1FC80] =	vst v63  }
0xdb: {  	_ =	swait.ge [sflag:s8], $0x380  }
0xdc: {  	[sflag:s8] =	ssyncset.done $0x0  }
0xdd: {  	s3 =	rddreg [dreg:$0x9];
	[sflag:s8] =	ssyncadd.s32 $0xFFFFFC80  }
0xde: {  	[spmem:s3] =	stream.linear.scatter [tilespmem:s14], [sflag:$0xB], $0x380, $0x38;
	[tilespmem:$0x1FC80] =	vst v63  }
0xdf: {  	_ =	swait.ge [sflag:s8], $0x380  }
0xe0: {  	s9 =	sld [smem:$0x7FC]  }
0xe1: {  	s28 =	simm.s32 $0x0;
	s6 =	rddreg [dreg:$0xa]  }
0xe2: {  	s15 =	simm.s32 $0x18B00;
	[sflag:s8] =	ssyncset.done $0x0;
	s7 =	sld [smem:$0x7FB]  }
0xe3: {  	[sflag:s8] =	ssyncadd.s32 $0xFFFFFC80;
	s8 =	sld [smem:$0x7FD];
	s13 =	sadd.s32 s9, s6  }
0xe4: {  	[tilespmem:s15], [sflag:$0x1] =	stream.linear.gather [hbm4b:s13+s28], $0x80, $0x38;
	[tilespmem:$0x1FC80] =	vst v63  }
0xe5: {  	s24 =	simm.s32 $0x18B80;
	s12 =	sld [smem:$0x7F8];
	s10 =	sadd.s32 s7, s6  }
0xe6: {  	[tilespmem:s24], [sflag:$0x2] =	stream.linear.gather [hbm4b:s10+s28], $0x80, $0x38;
	[tilespmem:$0x1FC80] =	vst v63  }
0xe7: {  	s11 =	rddreg [dreg:$0xb];
	s9 =	sadd.s32 s8, s6  }
0xe8: {  	[tilespmem:s23], [sflag:$0x3] =	stream.linear.gather [hbm4b:s9+s28], $0x80, $0x38;
	[tilespmem:$0x1FC80] =	vst v63  }
0xe9: {  	s18 =	simm.s32 $0x1;
	s17 =	sadd.s32 s12, s11  }
0xea: {  	[tilespmem:s14], [sflag:$0x7] =	stream.linear.gather [hbm4b:s17+s28], $0x400, $0x38;
	[tilespmem:$0x1FC80] =	vst v63  }
0xeb: {  	_ =	swait.ge [sflag:s18], $0x80  }
0xec: {  	[sflag:s18] =	ssyncset.done $0x0  }
0xed: {  	s23 =	simm.s32 $0x2;
	[sflag:s18] =	ssyncadd.s32 $0xFFFFFF80  }
0xee: {  	[tilespmem:s4], [sflag:$0x4] =	stream.indirect.gather [hbm4b:s0+s26], $0x80, s15, s26, $0xb8;
	[tilespmem:$0x1FC80] =	vst v63  }
0xef: {  	_ =	swait.ge [sflag:s23], $0x80  }
0xf0: {  	[sflag:s23] =	ssyncset.done $0x0  }
0xf1: {  	[sflag:s23] =	ssyncadd.s32 $0xFFFFFF80  }
0xf2: {  	[tilespmem:s30], [sflag:$0x5] =	stream.indirect.gather [hbm4b:s0+s26], $0x80, s24, s26, $0xb8;
	[tilespmem:$0x1FC80] =	vst v63  }
0xf3: {  	s7 =	simm.s32 $0x1AC80;
	[bflag:$0x0] =	sbarrier.arrive $0xFFFF  }
0xf4: {  	s11 =	simm.s32 $0x7;
	s12 =	simm.s32 $0x9;
	s10 =	sld [smem:$0x7FA]  }
0xf5: {  	s6 =	simm.s32 $0x8;
	s8 =	simm.s32 $0x18BC0;
	s4 =	rddreg [dreg:$0x5]  }
0xf6: {  	s17 =	simm.s32 $0x1CC80;
	s18 =	simm.s32 $0x18B40;
	s2 =	rddreg [dreg:$0x3]  }
0xf7: {  	s23 =	simm.s32 $0x1F080;
	s30 =	simm.s32 $0x18C40;
	s3 =	rddreg [dreg:$0x4]  }
.LBB2_8:
0xf8: {  	_ =	swait.ge [sflag:s31], $0x80  }
0xf9: {  	[sflag:s31] =	ssyncset.done $0x0  }
0xfa: {  	s5 =	simm.s32 $0x18C00;
	[sflag:s31] =	ssyncadd.s32 $0xFFFFFF80  }
0xfb: {  	[tilespmem:s17], [sflag:$0x6] =	stream.indirect.gather [hbm4b:s0+s26], $0x80, s5, s26, $0xb8;
	[tilespmem:$0x1FC80] =	vst v63  }
0xfc: {  	s15 =	sadd.s32 $0xFFFFF000, s10  }
0xfd: {  	[tilespmem:s23], [sflag:$0x8] =	stream.linear.gather [hbm4b:s15+s25], $0x400, $0x38;
	[tilespmem:$0x1FC80] =	vst v63  }
0xfe: {  	_ =	swait.ge [sflag:s16], $0x2000  }
0xff: {  	[sflag:s16] =	ssyncset.done $0x0  }
0x100: {  	[sflag:s16] =	ssyncadd.s32 $0xFFFFE000  }
0x101: {  	[spmem:s2] =	stream.indirect.scatter.add.f32 [tilespmem:s20], [sflag:$0xA], $0x80, s18, s26, $0xb8;
	[tilespmem:$0x1FC80] =	vst v63  }
0x102: {  	_ = 	snop  }
0x103: {  	[spmem:s3] =	stream.indirect.scatter.add.f32 [tilespmem:s19], [sflag:$0xA], $0x10, s18, s26, $0xb8;
	[tilespmem:$0x1FC80] =	vst v63  }
0x104: {  	_ =	swait.ge [sflag:s11], $0x400  }
0x105: {  	[sflag:s11] =	ssyncset.done $0x0  }
0x106: {  	[sflag:s11] =	ssyncadd.s32 $0xFFFFFC00  }
0x107: {  	[spmem:s4] =	stream.indirect.scatter.add.f32 [tilespmem:s14], [sflag:$0xA], $0x10, s18, s26, $0xb8;
	[tilespmem:$0x1FC80] =	vst v63  }
0x108: {  	_ =	swait.ge [sflag:s21], $0x400  }
0x109: {  	[sflag:s21] =	ssyncset.done $0x0  }
0x10a: {  	[sflag:s21] =	ssyncadd.s32 $0xFFFFFC00  }
0x10b: {  	_ =	swait.ge [sflag:s21], $0x2000  }
0x10c: {  	[sflag:s21] =	ssyncset.done $0x0  }
0x10d: {  	p2 =	sne.s32 s28, $0x4B00;
	[sflag:s21] =	ssyncadd.s32 $0xFFFFE000  }
0x10e: {  	p2 =	por p0, p2;
	_ =	swait.ge [sflag:s21], $0x400  }
0x10f: {  	s24 =	simm.s32 @p2 $0x0;
	s15 =	sadd.s32 @p2 s28, s13;
	[sflag:s21] =	ssyncset.done $0x0  }
0x110: {  	s15 =	sadd.s32 @p2 $0x300, s15;
	s14 =	simm.s32 @p2 $0x18B00;
	[sflag:s21] =	ssyncadd.s32 $0xFFFFFC00  }
0x111: {  	[tilespmem:s14], [sflag:$0x1] =	stream.linear.gather @p2 [hbm4b:s15+s24], $0x80, $0x38;
	[tilespmem:$0x1FC80] =	vst v63  }
0x112: {  	s15 =	simm.s32 @p2 $0x1  }
0x113: {  	_ =	swait.ge @p2 [sflag:s15], $0x80  }
0x114: {  	[sflag:s15] =	ssyncset.done @p2 $0x0  }
0x115: {  	s5 =	simm.s32 @p2 $0x18C80;
	[sflag:s15] =	ssyncadd.s32 @p2 $0xFFFFFF80;
	s15 =	simm.s32 @p2 $0x40  }
0x116: {  	[tilespmem:s5], [sflag:$0x4] =	stream.indirect.gather @p2 [hbm4b:s0+s15], $0x80, s14, s15, $0xb8;
	[tilespmem:$0x1FC80] =	vst v63  }
0x117: {  	s15 =	sadd.s32 $0xFFFFF800, s10  }
0x118: {  	[tilespmem:s29], [sflag:$0x9] =	stream.linear.gather [hbm4b:s15+s25], $0x400, $0x38;
	[tilespmem:$0x1FC80] =	vst v63  }
0x119: {  	_ =	swait.ge [sflag:s1], $0x2000  }
0x11a: {  	[sflag:s1] =	ssyncset.done $0x0  }
0x11b: {  	[sflag:s1] =	ssyncadd.s32 $0xFFFFE000  }
0x11c: {  	[spmem:s2] =	stream.indirect.scatter.add.f32 [tilespmem:s7], [sflag:$0xA], $0x80, s8, s26, $0xb8;
	[tilespmem:$0x1FC80] =	vst v63  }
0x11d: {  	_ = 	snop  }
0x11e: {  	[spmem:s3] =	stream.indirect.scatter.add.f32 [tilespmem:s19], [sflag:$0xA], $0x10, s8, s26, $0xb8;
	[tilespmem:$0x1FC80] =	vst v63  }
0x11f: {  	_ =	swait.ge [sflag:s6], $0x400  }
0x120: {  	[sflag:s6] =	ssyncset.done $0x0  }
0x121: {  	[sflag:s6] =	ssyncadd.s32 $0xFFFFFC00  }
0x122: {  	[spmem:s4] =	stream.indirect.scatter.add.f32 [tilespmem:s23], [sflag:$0xA], $0x10, s8, s26, $0xb8;
	[tilespmem:$0x1FC80] =	vst v63  }
0x123: {  	_ =	swait.ge [sflag:s21], $0x400  }
0x124: {  	[sflag:s21] =	ssyncset.done $0x0  }
0x125: {  	[sflag:s21] =	ssyncadd.s32 $0xFFFFFC00  }
0x126: {  	_ =	swait.ge [sflag:s21], $0x2000  }
0x127: {  	[sflag:s21] =	ssyncset.done $0x0  }
0x128: {  	[sflag:s21] =	ssyncadd.s32 $0xFFFFE000  }
0x129: {  	p3 =	seq.s32 s28, $0x4B00;
	_ =	swait.ge [sflag:s21], $0x400  }
0x12a: {  	s9 =	simm.s32 @!p3 $0x18B80;
	s5 =	sadd.s32 @!p3 s28, s13;
	[sflag:s21] =	ssyncset.done $0x0  }
0x12b: {  	s14 =	sadd.s32 @!p3 $0x400, s5;
	s15 =	simm.s32 @!p3 $0x0;
	[sflag:s21] =	ssyncadd.s32 $0xFFFFFC00  }
0x12c: {  	[tilespmem:s9], [sflag:$0x2] =	stream.linear.gather @!p3 [hbm4b:s14+s15], $0x80, $0x38;
	[tilespmem:$0x1FC80] =	vst v63  }
0x12d: {  	s14 =	simm.s32 @!p3 $0x2  }
0x12e: {  	_ =	swait.ge @!p3 [sflag:s14], $0x80  }
0x12f: {  	[sflag:s14] =	ssyncset.done @!p3 $0x0  }
0x130: {  	s25 =	simm.s32 @!p3 $0x1AC80;
	[sflag:s14] =	ssyncadd.s32 @!p3 $0xFFFFFF80;
	s14 =	simm.s32 @!p3 $0x40  }
0x131: {  	[tilespmem:s25], [sflag:$0x5] =	stream.indirect.gather @!p3 [hbm4b:s0+s14], $0x80, s9, s14, $0xb8;
	[tilespmem:$0x1FC80] =	vst v63  }
0x132: {  	s9 =	simm.s32 @p2 $0x1EC80  }
0x133: {  	[tilespmem:s9], [sflag:$0x7] =	stream.linear.gather @p2 [hbm4b:s10+s24], $0x400, $0x38;
	[tilespmem:$0x1FC80] =	vst v63  }
0x134: {  	_ =	swait.ge [sflag:s22], $0x2000  }
0x135: {  	[sflag:s22] =	ssyncset.done $0x0  }
0x136: {  	[sflag:s22] =	ssyncadd.s32 $0xFFFFE000  }
0x137: {  	[spmem:s2] =	stream.indirect.scatter.add.f32 [tilespmem:s17], [sflag:$0xA], $0x80, s30, s26, $0xb8;
	[tilespmem:$0x1FC80] =	vst v63  }
0x138: {  	_ = 	snop  }
0x139: {  	[spmem:s3] =	stream.indirect.scatter.add.f32 [tilespmem:s19], [sflag:$0xA], $0x10, s30, s26, $0xb8;
	[tilespmem:$0x1FC80] =	vst v63  }
0x13a: {  	_ =	swait.ge [sflag:s12], $0x400  }
0x13b: {  	[sflag:s12] =	ssyncset.done $0x0  }
0x13c: {  	[sflag:s12] =	ssyncadd.s32 $0xFFFFFC00  }
0x13d: {  	[spmem:s4] =	stream.indirect.scatter.add.f32 [tilespmem:s29], [sflag:$0xA], $0x10, s30, s26, $0xb8;
	[tilespmem:$0x1FC80] =	vst v63  }
0x13e: {  	_ =	swait.ge [sflag:s21], $0x400  }
0x13f: {  	[sflag:s21] =	ssyncset.done $0x0  }
0x140: {  	s28 =	sadd.s32 @!p3 $0x300, s28;
	[sflag:s21] =	ssyncadd.s32 $0xFFFFFC00  }
0x141: {  	p2 =	sne.s32 @!p3 s28, $0x4E00;
	_ =	swait.ge [sflag:s21], $0x2000  }
0x142: {  	p2 =	por p3, !p2;
	[sflag:s21] =	ssyncset.done $0x0  }
.Ltmp3:
0x143: {  	[sflag:s21] =	ssyncadd.s32 $0xFFFFE000;
	(pc) =	sbr.rel @!p2 .LBB2_8-.Ltmp3, $4  }
0x144: {  	s5 =	sadd.s32 @!p3 $0x500, s5;
	_ =	swait.ge [sflag:s21], $0x400  }
0x145: {  	s14 =	simm.s32 $0x1EC80;
	s25 =	simm.s32 $0x0;
	[sflag:s21] =	ssyncset.done $0x0  }
0x146: {  	s9 =	simm.s32 @!p3 $0x18C00;
	s10 =	sadd.s32 @!p3 $0x1800, s10;
	[sflag:s21] =	ssyncadd.s32 $0xFFFFFC00  }
0x147: {  	[tilespmem:s9], [sflag:$0x3] =	stream.linear.gather @!p3 [hbm4b:s5+s15], $0x80, $0x38;
	[tilespmem:$0x1FC80] =	vst v63  }
0x148: {  	s5 =	simm.s32 @!p1 $0x4  }
0x149: {  	_ =	swait.ge @!p1 [sflag:s5], $0x2000  }
0x14a: {  	s9 =	simm.s32 @!p1 $0x18B40;
	[sflag:s5] =	ssyncset.done @!p1 $0x0  }
0x14b: {  	s10 =	simm.s32 @!p1 $0x18C80;
	[sflag:s5] =	ssyncadd.s32 @!p1 $0xFFFFE000;
	s5 =	simm.s32 @!p1 $0x40  }
0x14c: {  	[spmem:s2] =	stream.indirect.scatter.add.f32 @!p1 [tilespmem:s10], [sflag:$0xA], $0x80, s9, s5, $0xb8;
	[tilespmem:$0x1FC80] =	vst v63  }
0x14d: {  	s10 =	simm.s32 @!p1 $0x1F880  }
0x14e: {  	[spmem:s3] =	stream.indirect.scatter.add.f32 @!p1 [tilespmem:s10], [sflag:$0xA], $0x10, s9, s5, $0xb8;
	[tilespmem:$0x1FC80] =	vst v63  }
0x14f: {  	s10 =	simm.s32 @!p1 $0x7  }
0x150: {  	_ =	swait.ge @!p1 [sflag:s10], $0x400  }
0x151: {  	[sflag:s10] =	ssyncset.done @!p1 $0x0  }
0x152: {  	[sflag:s10] =	ssyncadd.s32 @!p1 $0xFFFFFC00;
	s10 =	simm.s32 @!p1 $0x1EC80  }
0x153: {  	[spmem:s4] =	stream.indirect.scatter.add.f32 @!p1 [tilespmem:s10], [sflag:$0xA], $0x10, s9, s5, $0xb8;
	[tilespmem:$0x1FC80] =	vst v63  }
0x154: {  	s5 =	simm.s32 @!p1 $0xA  }
0x155: {  	_ =	swait.ge @!p1 [sflag:s5], $0x400  }
0x156: {  	[sflag:s5] =	ssyncset.done @!p1 $0x0  }
0x157: {  	[sflag:s5] =	ssyncadd.s32 @!p1 $0xFFFFFC00  }
0x158: {  	_ =	swait.ge @!p1 [sflag:s5], $0x2000  }
0x159: {  	[sflag:s5] =	ssyncset.done @!p1 $0x0  }
0x15a: {  	[sflag:s5] =	ssyncadd.s32 @!p1 $0xFFFFE000  }
0x15b: {  	_ =	swait.ge @!p1 [sflag:s5], $0x400  }
0x15c: {  	[sflag:s5] =	ssyncset.done @!p1 $0x0  }
0x15d: {  	[sflag:s5] =	ssyncadd.s32 @!p1 $0xFFFFFC00  }
0x15e: {  	s11 =	stileid.u32;
	[bflag:$0x0] =	sbarrier.arrive $0xFFFF  }
0x15f: {  	s8 =	simm.s32 $0xB;
	s5 =	sshll.u32 s11, $0x6;
	s12 =	rddreg [dreg:$0xc]  }
0x160: {  	s13 =	sor.u32 $0x1C0B, s5;
	s15 =	rddreg [dreg:$0x11];
	s17 =	sshrl.u32 s12, $0x3  }
0x161: {  	[hbm:s15], [sflag:s13] =	dma.local [spmem:s17], $0x2780  }
0x162: {  	_ =	swait.ge [sflag:s8], $0x2780  }
0x163: {  	[sflag:s8] =	ssyncset.done $0x0;
	s18 =	rddreg [dreg:$0xe]  }
0x164: {  	s23 =	rddreg [dreg:$0x13];
	[sflag:s8] =	ssyncadd.s32 $0xFFFFD880;
	s18 =	sshrl.u32 s18, $0x3  }
0x165: {  	[hbm:s23], [sflag:s13] =	dma.local [spmem:s18], $0x4F0  }
0x166: {  	_ =	swait.ge [sflag:s8], $0x4F0  }
0x167: {  	[sflag:s8] =	ssyncset.done $0x0;
	s24 =	rddreg [dreg:$0xf]  }
0x168: {  	s30 =	rddreg [dreg:$0x14];
	[sflag:s8] =	ssyncadd.s32 $0xFFFFFB10;
	s5 =	sshrl.u32 s24, $0x3  }
0x169: {  	[hbm:s30], [sflag:s13] =	dma.local [spmem:s5], $0x4F0  }
0x16a: {  	_ =	swait.ge [sflag:s8], $0x4F0  }
0x16b: {  	[sflag:s8] =	ssyncset.done $0x0  }
0x16c: {  	s28 =	simm.s32 $0x200;
	s10 =	simm.s32 $0x0;
	[sflag:s8] =	ssyncadd.s32 $0xFFFFFB10  }
.LBB2_10:
0x16d: {  	p2 =	sne.s32 s28, $0x7E00;
	[tilespmem:s10+$0x18CF0] =	vst v1  }
0x16e: {  	[tilespmem:s10+$0x18C80] =	vst v1  }
0x16f: {  	[tilespmem:s10+$0x18C90] =	vst v1  }
.Ltmp4:
0x170: {  	[tilespmem:s10+$0x18CA0] =	vst v1;
	(pc) =	sbr.rel @p2 .LBB2_10-.Ltmp4, $4  }
0x171: {  	[tilespmem:s10+$0x18CB0] =	vst v1  }
0x172: {  	[tilespmem:s10+$0x18CC0] =	vst v1  }
0x173: {  	[tilespmem:s10+$0x18CD0] =	vst v1  }
0x174: {  	[tilespmem:s10+$0x18CE0] =	vst v1;
	s10 =	sshra.s32 s28, $0x2;
	s28 =	sadd.s32 $0x200, s28  }
0x175: {  	[tilespmem:s10+$0x18CF0] =	vst v1  }
0x176: {  	[tilespmem:s10+$0x18C80] =	vst v1  }
0x177: {  	[tilespmem:s10+$0x18C90] =	vst v1  }
0x178: {  	[tilespmem:s10+$0x18CA0] =	vst v1  }
0x179: {  	[tilespmem:s10+$0x18CB0] =	vst v1  }
0x17a: {  	[tilespmem:s10+$0x18CC0] =	vst v1  }
0x17b: {  	[tilespmem:s10+$0x18CD0] =	vst v1  }
0x17c: {  	[tilespmem:s10+$0x18CE0] =	vst v1;
	s10 =	simm.s32 $0x40;
	s28 =	simm.s32 $0x0;
	s23 =	simm.s32 $0x18C00  }
0x17d: {  	s30 =	simm.s32 $0x1AC80;
	s4 =	simm.s32 $0x18C80;
	s6 =	simm.s32 $0x1CC80  }
0x17e: {  	s7 =	simm.s32 $0x18B40;
	s11 =	simm.s32 $0x18BC0;
	s12 =	simm.s32 $0x18C40  }
.LBB2_12:
0x17f: {  	p2 =	sne.s32 s10, $0xFC0;
	[tilespmem:s28+$0x1EC80] =	vst v1;
	s5 =	smov.u32 s10;
	s10 =	sadd.s32 $0x40, s10  }
.Ltmp5:
0x180: {  	(pc) =	sbr.rel @p2 .LBB2_12-.Ltmp5, $2  }
0x181: {  	_ =	sdelay $0x2  }
0x182: {  	s28 =	sshra.s32 s5, $0x2  }
0x183: {  	[tilespmem:s28+$0x1EC80] =	vst v1;
	s5 =	rddreg [dreg:$0x16]  }
0x184: {  	[spmem:s5] =	stream.linear.scatter [tilespmem:s4], [sflag:$0xB], $0x2000, $0x38;
	[tilespmem:$0x1FC80] =	vst v63  }
0x185: {  	_ =	swait.ge [sflag:s8], $0x2000  }
0x186: {  	s24 =	sld [smem:$0x7F9]  }
0x187: {  	[sflag:s8] =	ssyncset.done $0x0  }
0x188: {  	[sflag:s8] =	ssyncadd.s32 $0xFFFFE000  }
0x189: {  	[spmem:s24] =	stream.linear.scatter [tilespmem:s14], [sflag:$0xB], $0x400, $0x38;
	[tilespmem:$0x1FC80] =	vst v63  }
0x18a: {  	_ =	swait.ge [sflag:s8], $0x400  }
0x18b: {  	[sflag:s8] =	ssyncset.done $0x0  }
0x18c: {  	s9 =	rddreg [dreg:$0x17];
	[sflag:s8] =	ssyncadd.s32 $0xFFFFFC00  }
0x18d: {  	[spmem:s9] =	stream.linear.scatter [tilespmem:s4], [sflag:$0xB], $0x2000, $0x38;
	[tilespmem:$0x1FC80] =	vst v63  }
0x18e: {  	_ =	swait.ge [sflag:s8], $0x2000  }
0x18f: {  	[sflag:s8] =	ssyncset.done $0x0  }
0x190: {  	s10 =	rddreg [dreg:$0x18];
	[sflag:s8] =	ssyncadd.s32 $0xFFFFE000  }
0x191: {  	[spmem:s10] =	stream.linear.scatter [tilespmem:s14], [sflag:$0xB], $0x400, $0x38;
	[tilespmem:$0x1FC80] =	vst v63  }
0x192: {  	_ =	swait.ge [sflag:s8], $0x400  }
0x193: {  	[sflag:s8] =	ssyncset.done $0x0  }
0x194: {  	s15 =	rddreg [dreg:$0x1a];
	[sflag:s8] =	ssyncadd.s32 $0xFFFFFC00  }
0x195: {  	[spmem:s15] =	stream.linear.scatter [tilespmem:s4], [sflag:$0xB], $0x2000, $0x38;
	[tilespmem:$0x1FC80] =	vst v63  }
0x196: {  	_ =	swait.ge [sflag:s8], $0x2000  }
0x197: {  	[sflag:s8] =	ssyncset.done $0x0  }
0x198: {  	s24 =	rddreg [dreg:$0x1b];
	[sflag:s8] =	ssyncadd.s32 $0xFFFFE000  }
0x199: {  	[spmem:s24] =	stream.linear.scatter [tilespmem:s14], [sflag:$0xB], $0x400, $0x38;
	[tilespmem:$0x1FC80] =	vst v63  }
0x19a: {  	_ =	swait.ge [sflag:s8], $0x400  }
0x19b: {  	[sflag:s8] =	ssyncset.done $0x0  }
0x19c: {  	s9 =	rddreg [dreg:$0x1d];
	[sflag:s8] =	ssyncadd.s32 $0xFFFFFC00  }
0x19d: {  	[spmem:s9] =	stream.linear.scatter [tilespmem:s4], [sflag:$0xB], $0x2000, $0x38;
	[tilespmem:$0x1FC80] =	vst v63  }
0x19e: {  	_ =	swait.ge [sflag:s8], $0x2000  }
0x19f: {  	[sflag:s8] =	ssyncset.done $0x0  }
0x1a0: {  	s10 =	rddreg [dreg:$0x1e];
	[sflag:s8] =	ssyncadd.s32 $0xFFFFE000  }
0x1a1: {  	[spmem:s10] =	stream.linear.scatter [tilespmem:s14], [sflag:$0xB], $0x400, $0x38;
	[tilespmem:$0x1FC80] =	vst v63  }
0x1a2: {  	_ =	swait.ge [sflag:s8], $0x400  }
0x1a3: {  	s15 =	sld [smem:$0x7E9]  }
0x1a4: {  	[sflag:s8] =	ssyncset.done $0x0  }
0x1a5: {  	[sflag:s8] =	ssyncadd.s32 $0xFFFFFC00  }
0x1a6: {  	[spmem:s15] =	stream.linear.scatter [tilespmem:s4], [sflag:$0xB], $0x2000, $0x38;
	[tilespmem:$0x1FC80] =	vst v63  }
0x1a7: {  	_ =	swait.ge [sflag:s8], $0x2000  }
0x1a8: {  	s24 =	sld [smem:$0x7EA]  }
0x1a9: {  	[sflag:s8] =	ssyncset.done $0x0  }
0x1aa: {  	[sflag:s8] =	ssyncadd.s32 $0xFFFFE000  }
0x1ab: {  	[spmem:s24] =	stream.linear.scatter [tilespmem:s14], [sflag:$0xB], $0x400, $0x38;
	[tilespmem:$0x1FC80] =	vst v63  }
0x1ac: {  	_ =	swait.ge [sflag:s8], $0x400  }
0x1ad: {  	s9 =	sld [smem:$0x7EC]  }
0x1ae: {  	[sflag:s8] =	ssyncset.done $0x0  }
0x1af: {  	[sflag:s8] =	ssyncadd.s32 $0xFFFFFC00  }
0x1b0: {  	[spmem:s9] =	stream.linear.scatter [tilespmem:s4], [sflag:$0xB], $0x2000, $0x38;
	[tilespmem:$0x1FC80] =	vst v63  }
0x1b1: {  	_ =	swait.ge [sflag:s8], $0x2000  }
0x1b2: {  	s10 =	sld [smem:$0x7ED]  }
0x1b3: {  	[sflag:s8] =	ssyncset.done $0x0  }
0x1b4: {  	[sflag:s8] =	ssyncadd.s32 $0xFFFFE000  }
0x1b5: {  	[spmem:s10] =	stream.linear.scatter [tilespmem:s14], [sflag:$0xB], $0x400, $0x38;
	[tilespmem:$0x1FC80] =	vst v63  }
0x1b6: {  	_ =	swait.ge [sflag:s8], $0x400  }
0x1b7: {  	s15 =	sld [smem:$0x7EF]  }
0x1b8: {  	[sflag:s8] =	ssyncset.done $0x0  }
0x1b9: {  	[sflag:s8] =	ssyncadd.s32 $0xFFFFFC00  }
0x1ba: {  	[spmem:s15] =	stream.linear.scatter [tilespmem:s4], [sflag:$0xB], $0x2000, $0x38;
	[tilespmem:$0x1FC80] =	vst v63  }
0x1bb: {  	_ =	swait.ge [sflag:s8], $0x2000  }
0x1bc: {  	s24 =	sld [smem:$0x7F0]  }
0x1bd: {  	[sflag:s8] =	ssyncset.done $0x0  }
0x1be: {  	[sflag:s8] =	ssyncadd.s32 $0xFFFFE000  }
0x1bf: {  	[spmem:s24] =	stream.linear.scatter [tilespmem:s14], [sflag:$0xB], $0x400, $0x38;
	[tilespmem:$0x1FC80] =	vst v63  }
0x1c0: {  	_ =	swait.ge [sflag:s8], $0x400  }
0x1c1: {  	s9 =	sld [smem:$0x7F2]  }
0x1c2: {  	[sflag:s8] =	ssyncset.done $0x0  }
0x1c3: {  	[sflag:s8] =	ssyncadd.s32 $0xFFFFFC00  }
0x1c4: {  	[spmem:s9] =	stream.linear.scatter [tilespmem:s4], [sflag:$0xB], $0x2000, $0x38;
	[tilespmem:$0x1FC80] =	vst v63  }
0x1c5: {  	_ =	swait.ge [sflag:s8], $0x2000  }
0x1c6: {  	s10 =	sld [smem:$0x7F3]  }
0x1c7: {  	[sflag:s8] =	ssyncset.done $0x0  }
0x1c8: {  	[sflag:s8] =	ssyncadd.s32 $0xFFFFE000  }
0x1c9: {  	[spmem:s10] =	stream.linear.scatter [tilespmem:s14], [sflag:$0xB], $0x400, $0x38;
	[tilespmem:$0x1FC80] =	vst v63  }
0x1ca: {  	_ =	swait.ge [sflag:s8], $0x400  }
0x1cb: {  	s15 =	sld [smem:$0x7F5]  }
0x1cc: {  	[sflag:s8] =	ssyncset.done $0x0  }
0x1cd: {  	[sflag:s8] =	ssyncadd.s32 $0xFFFFFC00  }
0x1ce: {  	[spmem:s15] =	stream.linear.scatter [tilespmem:s4], [sflag:$0xB], $0x2000, $0x38;
	[tilespmem:$0x1FC80] =	vst v63  }
0x1cf: {  	_ =	swait.ge [sflag:s8], $0x2000  }
0x1d0: {  	s24 =	sld [smem:$0x7F6]  }
0x1d1: {  	[sflag:s8] =	ssyncset.done $0x0  }
0x1d2: {  	[sflag:s8] =	ssyncadd.s32 $0xFFFFE000  }
0x1d3: {  	[spmem:s24] =	stream.linear.scatter [tilespmem:s14], [sflag:$0xB], $0x400, $0x38;
	[tilespmem:$0x1FC80] =	vst v63  }
0x1d4: {  	_ =	swait.ge [sflag:s8], $0x400  }
0x1d5: {  	[sflag:s8] =	ssyncset.done $0x0  }
0x1d6: {  	s9 =	rddreg [dreg:$0x7];
	[sflag:s8] =	ssyncadd.s32 $0xFFFFFC00  }
0x1d7: {  	[spmem:s9] =	stream.linear.scatter [tilespmem:s4], [sflag:$0xB], $0x1C00, $0x38;
	[tilespmem:$0x1FC80] =	vst v63  }
0x1d8: {  	_ =	swait.ge [sflag:s8], $0x1C00  }
0x1d9: {  	[sflag:s8] =	ssyncset.done $0x0  }
0x1da: {  	s10 =	rddreg [dreg:$0x8];
	[sflag:s8] =	ssyncadd.s32 $0xFFFFE400  }
0x1db: {  	[spmem:s10] =	stream.linear.scatter [tilespmem:s14], [sflag:$0xB], $0x380, $0x38;
	[tilespmem:$0x1FC80] =	vst v63  }
0x1dc: {  	_ =	swait.ge [sflag:s8], $0x380  }
0x1dd: {  	s9 =	rddreg [dreg:$0xd]  }
0x1de: {  	s14 =	sld [smem:$0x7FC]  }
0x1df: {  	s15 =	sld [smem:$0x7FB]  }
0x1e0: {  	s28 =	simm.s32 $0x0;
	[sflag:s8] =	ssyncset.done $0x0;
	s24 =	sld [smem:$0x7FD]  }
0x1e1: {  	[sflag:s8] =	ssyncadd.s32 $0xFFFFFC80;
	s10 =	sadd.s32 s14, s9;
	s14 =	simm.s32 $0x18B00  }
0x1e2: {  	[tilespmem:s14], [sflag:$0x1] =	stream.linear.gather [hbm4b:s10+s28], $0x80, $0x38;
	[tilespmem:$0x1FC80] =	vst v63  }
0x1e3: {  	s5 =	sadd.s32 s15, s9;
	s15 =	simm.s32 $0x18B80  }
0x1e4: {  	[tilespmem:s15], [sflag:$0x2] =	stream.linear.gather [hbm4b:s5+s28], $0x80, $0x38;
	[tilespmem:$0x1FC80] =	vst v63  }
0x1e5: {  	s5 =	sadd.s32 s24, s9;
	s9 =	simm.s32 $0x1  }
0x1e6: {  	[tilespmem:s23], [sflag:$0x3] =	stream.linear.gather [hbm4b:s5+s28], $0x80, $0x38;
	[tilespmem:$0x1FC80] =	vst v63  }
0x1e7: {  	_ =	swait.ge [sflag:s9], $0x80  }
0x1e8: {  	[sflag:s9] =	ssyncset.done $0x0  }
0x1e9: {  	s24 =	simm.s32 $0x2;
	[sflag:s9] =	ssyncadd.s32 $0xFFFFFF80  }
0x1ea: {  	[tilespmem:s4], [sflag:$0x4] =	stream.indirect.gather [hbm4b:s0+s26], $0x80, s14, s26, $0xb8;
	[tilespmem:$0x1FC80] =	vst v63  }
0x1eb: {  	_ =	swait.ge [sflag:s24], $0x80  }
0x1ec: {  	[sflag:s24] =	ssyncset.done $0x0  }
0x1ed: {  	[sflag:s24] =	ssyncadd.s32 $0xFFFFFF80  }
0x1ee: {  	[tilespmem:s30], [sflag:$0x5] =	stream.indirect.gather [hbm4b:s0+s26], $0x80, s15, s26, $0xb8;
	[tilespmem:$0x1FC80] =	vst v63  }
0x1ef: {  	[bflag:$0x0] =	sbarrier.arrive $0xFFFF  }
.LBB2_14:
0x1f0: {  	_ =	swait.ge [sflag:s31], $0x80  }
0x1f1: {  	[sflag:s31] =	ssyncset.done $0x0  }
0x1f2: {  	[sflag:s31] =	ssyncadd.s32 $0xFFFFFF80  }
0x1f3: {  	[tilespmem:s6], [sflag:$0x6] =	stream.indirect.gather [hbm4b:s0+s26], $0x80, s23, s26, $0xb8;
	[tilespmem:$0x1FC80] =	vst v63  }
0x1f4: {  	_ =	swait.ge [sflag:s16], $0x2000  }
0x1f5: {  	[sflag:s16] =	ssyncset.done $0x0  }
0x1f6: {  	[sflag:s16] =	ssyncadd.s32 $0xFFFFE000  }
0x1f7: {  	[spmem:s2] =	stream.indirect.scatter.add.f32 [tilespmem:s4], [sflag:$0xA], $0x80, s7, s26, $0xb8;
	[tilespmem:$0x1FC80] =	vst v63  }
0x1f8: {  	_ = 	snop  }
0x1f9: {  	[spmem:s3] =	stream.indirect.scatter.add.f32 [tilespmem:s19], [sflag:$0xA], $0x10, s7, s26, $0xb8;
	[tilespmem:$0x1FC80] =	vst v63  }
0x1fa: {  	_ =	swait.ge [sflag:s21], $0x2000  }
0x1fb: {  	[sflag:s21] =	ssyncset.done $0x0  }
0x1fc: {  	p2 =	seq.s32 @!p0 s28, $0x4B00;
	[sflag:s21] =	ssyncadd.s32 $0xFFFFE000  }
0x1fd: {  	p2 =	por p0, !p2;
	_ =	swait.ge [sflag:s21], $0x400  }
0x1fe: {  	s5 =	sadd.s32 @p2 s28, s10;
	[sflag:s21] =	ssyncset.done $0x0  }
0x1ff: {  	s9 =	simm.s32 @p2 $0x18B00;
	s5 =	sadd.s32 @p2 $0x300, s5;
	[sflag:s21] =	ssyncadd.s32 $0xFFFFFC00  }
0x200: {  	[tilespmem:s9], [sflag:$0x1] =	stream.linear.gather @p2 [hbm4b:s5+s25], $0x80, $0x38;
	[tilespmem:$0x1FC80] =	vst v63  }
0x201: {  	s5 =	simm.s32 @p2 $0x1  }
0x202: {  	_ =	swait.ge @p2 [sflag:s5], $0x80  }
0x203: {  	[sflag:s5] =	ssyncset.done @p2 $0x0  }
0x204: {  	[sflag:s5] =	ssyncadd.s32 @p2 $0xFFFFFF80  }
0x205: {  	[tilespmem:s4], [sflag:$0x4] =	stream.indirect.gather @p2 [hbm4b:s0+s26], $0x80, s9, s26, $0xb8;
	[tilespmem:$0x1FC80] =	vst v63  }
0x206: {  	_ =	swait.ge [sflag:s1], $0x2000  }
0x207: {  	[sflag:s1] =	ssyncset.done $0x0  }
0x208: {  	[sflag:s1] =	ssyncadd.s32 $0xFFFFE000  }
0x209: {  	[spmem:s2] =	stream.indirect.scatter.add.f32 [tilespmem:s30], [sflag:$0xA], $0x80, s11, s26, $0xb8;
	[tilespmem:$0x1FC80] =	vst v63  }
0x20a: {  	_ = 	snop  }
0x20b: {  	[spmem:s3] =	stream.indirect.scatter.add.f32 [tilespmem:s19], [sflag:$0xA], $0x10, s11, s26, $0xb8;
	[tilespmem:$0x1FC80] =	vst v63  }
0x20c: {  	_ =	swait.ge [sflag:s21], $0x2000  }
0x20d: {  	[sflag:s21] =	ssyncset.done $0x0  }
0x20e: {  	[sflag:s21] =	ssyncadd.s32 $0xFFFFE000  }
0x20f: {  	p2 =	seq.s32 s28, $0x4B00;
	_ =	swait.ge [sflag:s21], $0x400  }
0x210: {  	s5 =	sadd.s32 @!p2 s28, s10;
	s14 =	simm.s32 @!p2 $0x0;
	[sflag:s21] =	ssyncset.done $0x0  }
0x211: {  	s15 =	simm.s32 @!p2 $0x18B80;
	s9 =	sadd.s32 @!p2 $0x400, s5;
	[sflag:s21] =	ssyncadd.s32 $0xFFFFFC00  }
0x212: {  	[tilespmem:s15], [sflag:$0x2] =	stream.linear.gather @!p2 [hbm4b:s9+s14], $0x80, $0x38;
	[tilespmem:$0x1FC80] =	vst v63  }
0x213: {  	s9 =	simm.s32 @!p2 $0x2  }
0x214: {  	_ =	swait.ge @!p2 [sflag:s9], $0x80  }
0x215: {  	[sflag:s9] =	ssyncset.done @!p2 $0x0  }
0x216: {  	s24 =	simm.s32 @!p2 $0x1AC80;
	[sflag:s9] =	ssyncadd.s32 @!p2 $0xFFFFFF80;
	s9 =	simm.s32 @!p2 $0x40  }
0x217: {  	[tilespmem:s24], [sflag:$0x5] =	stream.indirect.gather @!p2 [hbm4b:s0+s9], $0x80, s15, s9, $0xb8;
	[tilespmem:$0x1FC80] =	vst v63  }
0x218: {  	_ =	swait.ge [sflag:s22], $0x2000  }
0x219: {  	[sflag:s22] =	ssyncset.done $0x0  }
0x21a: {  	[sflag:s22] =	ssyncadd.s32 $0xFFFFE000  }
0x21b: {  	[spmem:s2] =	stream.indirect.scatter.add.f32 [tilespmem:s6], [sflag:$0xA], $0x80, s12, s26, $0xb8;
	[tilespmem:$0x1FC80] =	vst v63  }
0x21c: {  	_ = 	snop  }
0x21d: {  	[spmem:s3] =	stream.indirect.scatter.add.f32 [tilespmem:s19], [sflag:$0xA], $0x10, s12, s26, $0xb8;
	[tilespmem:$0x1FC80] =	vst v63  }
0x21e: {  	_ =	swait.ge [sflag:s21], $0x2000  }
0x21f: {  	[sflag:s21] =	ssyncset.done $0x0  }
0x220: {  	[sflag:s21] =	ssyncadd.s32 $0xFFFFE000  }
0x221: {  	_ =	swait.ge [sflag:s21], $0x400  }
0x222: {  	s28 =	sadd.s32 @!p2 $0x300, s28;
	s5 =	sadd.s32 @!p2 $0x500, s5;
	[sflag:s21] =	ssyncset.done $0x0  }
0x223: {  	p3 =	sne.s32 @!p2 s28, $0x4E00;
	s9 =	simm.s32 @!p2 $0x18C00;
	[sflag:s21] =	ssyncadd.s32 $0xFFFFFC00  }
0x224: {  	[tilespmem:s9], [sflag:$0x3] =	stream.linear.gather @!p2 [hbm4b:s5+s14], $0x80, $0x38;
	[tilespmem:$0x1FC80] =	vst v63  }
0x225: {  	p2 =	por p2, !p3  }
.Ltmp6:
0x226: {  	_ = 	snop;
	(pc) =	sbr.rel @!p2 .LBB2_14-.Ltmp6, $1  }
0x227: {  	_ =	sdelay $0x3  }
0x228: {  	s5 =	simm.s32 @!p1 $0x4  }
0x229: {  	_ =	swait.ge @!p1 [sflag:s5], $0x2000  }
0x22a: {  	s9 =	simm.s32 @!p1 $0x18B40;
	[sflag:s5] =	ssyncset.done @!p1 $0x0  }
0x22b: {  	s10 =	simm.s32 @!p1 $0x18C80;
	[sflag:s5] =	ssyncadd.s32 @!p1 $0xFFFFE000;
	s5 =	simm.s32 @!p1 $0x40  }
0x22c: {  	[spmem:s2] =	stream.indirect.scatter.add.f32 @!p1 [tilespmem:s10], [sflag:$0xA], $0x80, s9, s5, $0xb8;
	[tilespmem:$0x1FC80] =	vst v63  }
0x22d: {  	s10 =	simm.s32 @!p1 $0x1F880  }
0x22e: {  	[spmem:s3] =	stream.indirect.scatter.add.f32 @!p1 [tilespmem:s10], [sflag:$0xA], $0x10, s9, s5, $0xb8;
	[tilespmem:$0x1FC80] =	vst v63  }
0x22f: {  	s5 =	simm.s32 @!p1 $0xA  }
0x230: {  	_ =	swait.ge @!p1 [sflag:s5], $0x2000  }
0x231: {  	[sflag:s5] =	ssyncset.done @!p1 $0x0  }
0x232: {  	[sflag:s5] =	ssyncadd.s32 @!p1 $0xFFFFE000  }
0x233: {  	_ =	swait.ge @!p1 [sflag:s5], $0x400  }
0x234: {  	[sflag:s5] =	ssyncset.done @!p1 $0x0  }
0x235: {  	[sflag:s5] =	ssyncadd.s32 @!p1 $0xFFFFFC00  }
0x236: {  	[bflag:$0x0] =	sbarrier.arrive $0xFFFF  }
0x237: {  	s15 =	rddreg [dreg:$0x12]  }
0x238: {  	[hbm:s15], [sflag:s13] =	dma.local [spmem:s17], $0x2780  }
0x239: {  	_ =	swait.ge [sflag:s8], $0x2780  }
0x23a: {  	[sflag:s8] =	ssyncset.done $0x0  }
0x23b: {  	s17 =	rddreg [dreg:$0x15];
	[sflag:s8] =	ssyncadd.s32 $0xFFFFD880  }
0x23c: {  	[hbm:s17], [sflag:s13] =	dma.local [spmem:s18], $0x4F0  }
0x23d: {  	_ =	swait.ge [sflag:s8], $0x4F0  }
0x23e: {  	s24 =	sld [smem:$0x7E8];
	_ =	sdelay $0x2  }
0x23f: {  	s28 =	rddreg [dreg:$0x10];
	s2 =	sadd.s32 $0x1, s24  }
0x240: {  	p2 =	sne.s32 s2, s28  }
.Ltmp7:
0x241: {  	_ = 	snop;
	(pc) =	sbr.rel @p2 .LBB2_1-.Ltmp7, $3  }
0x242: {  	_ =	sdelay $0x1  }
0x243: {  	[sflag:s8] =	ssyncset.done $0x0  }
0x244: {  	s14 =	simm.s32 $0x1EC80;
	[sflag:s8] =	ssyncadd.s32 $0xFFFFFB10  }
0x245: {  	_ =	sfence.sel $0x180000  }
0x246: {  	[bflag:$0x0] =	sbarrier.arrive $0xFFFF  }
0x247: {  	_ =	strace $0x90000047  }
0x248: {  	s0 =	stileid.u32;
	[bflag:$0x2] =	sbarrier.arrive $0xFFFF  }
0x249: {  	p0 =	sne.s32 s0, $0x0;
	s0 =	rddreg [dreg:$0x6]  }
0x24a: {  	s0 =	sadd.s32 @!p0 $0x100000, s0  }
0x24b: {  	[sflag:s0] =	ssyncadd.tile.s32 @!p0 $0x1;
	_ =	shalt  }
.Lfunc_end2:
_tile_overlayer_lowered:
.L_overlay_start_2:
0x24c: {  	(tag) =	ssettag $0x2  }
0x24d: {  	s0 =	rddreg [dreg:$0x0];
	s2 =	stileid.u32  }
0x24e: {  	s1 =	rddreg [dreg:$0x1];
	p0 =	sne.s32 s2, $0x0  }
0x24f: {  	s3 =	rddreg [dreg:$0x2];
	[bflag:$0x3] =	sbarrier.arrive $0xFFFF;
	s2 =	simm.s32 @!p0 $0x1C0B  }
0x250: {  	[timem:s3], [sflag:s2] =	dma.local @!p0 [hbm:s0], s1  }
0x251: {  	s0 =	simm.s32 @!p0 $0xB  }
0x252: {  	_ =	swait.ge @!p0 [sflag:s0], s1  }
0x253: {  	s1 =	ssub.s32 @!p0 $0x0, s1;
	[sflag:s0] =	ssyncset.done @!p0 $0x0  }
0x254: {  	[sflag:s0] =	ssyncadd.s32 @!p0 s1  }
0x255: {  	[bflag:$0x3] =	sbarrier.arrive $0xFFFF  }
0x256: {  	_ =	shalt  }

</sc_bundles>
